<compile_context>
chip_gen: v7x
topology: tpu7x:2x2x1
jax: 0.10.2.dev20260603
libtpu: 0.0.44.dev20260713+nightly
codegen_flags: <defaults>
</compile_context>

<pallas_src>
import jax
import jax.numpy as jnp
from jax import lax
from jax.experimental import pallas as pl
from jax.experimental.pallas import tpu as pltpu
from jax.experimental.pallas import tpu_sc as plsc

N_ROWS = 320000
D = 128
NUM_SEG = 1024
NC = 2
NS = 16
NW = NC * NS
ROWS_PER_W = N_ROWS // NW
CHUNK = 128
CHUNKS_PER_W = -(-ROWS_PER_W // CHUNK)
TAIL = ROWS_PER_W - (CHUNKS_PER_W - 1) * CHUNK
PAD = CHUNKS_PER_W * CHUNK - ROWS_PER_W
NBUF = 4
SEG_PER_TILE = NUM_SEG // NS
L = 16
WIN_PER_CHUNK = CHUNK // L
HIST_W = NUM_SEG + L
ACC_ROWS = NUM_SEG + 8


def _sc_partial_sums(x, idx3d, zeros):
    mesh = plsc.VectorSubcoreMesh(core_axis_name="c", subcore_axis_name="s")

    def body(x_hbm, idx_hbm, zeros_hbm, psums_hbm, phists_hbm,
             idx_v, rows_v0, rows_v1, rows_v2, rows_v3, hist2d_v, sums_sh,
             sems, ssem):
        cid = lax.axis_index("c")
        sid = lax.axis_index("s")
        wid = cid * NS + sid

        seg0 = sid * SEG_PER_TILE
        pltpu.sync_copy(zeros_hbm.at[pl.ds(seg0, SEG_PER_TILE), :],
                        sums_sh.at[pl.ds(seg0, SEG_PER_TILE), :])

        pltpu.sync_copy(idx_hbm.at[wid], idx_v)

        fz = jnp.zeros((L,), jnp.float32)

        def zstep(i, carry):
            for r in range(L):
                hist2d_v[r, pl.ds(i * L, L)] = fz
            return carry

        lax.fori_loop(0, NUM_SEG // L, zstep, 0)

        plsc.subcore_barrier()

        row0 = wid * ROWS_PER_W
        bufs = (rows_v0, rows_v1, rows_v2, rows_v3)
        lanes = lax.iota(jnp.int32, L)
        ones_f = jnp.ones((L,), jnp.float32)

        def load(j, u, n=CHUNK):
            return pltpu.make_async_copy(
                x_hbm.at[pl.ds(row0 + j * CHUNK, n)],
                bufs[u].at[pl.ds(0, n)],
                sems.at[u])

        def consume(j, u, n=CHUNK):
            load(j, u, n).wait()
            d = pltpu.make_async_copy(bufs[u], sums_sh.at[idx_v.at[j]], ssem)
            d.start(add=True)
            for wi in range(WIN_PER_CHUNK):
                w = idx_v[j, pl.ds(wi * L, L)]
                plsc.addupdate_scatter(hist2d_v, [lanes, w], ones_f)
            d.wait()

        for u in range(NBUF - 1):
            load(u, u).start()

        MAIN = (CHUNKS_PER_W - (NBUF + 1)) // NBUF * NBUF

        def step(t4, carry):
            for u in range(NBUF):
                j = t4 * NBUF + u
                consume(j, u)
                load(j + NBUF - 1, u - 1 if u else NBUF - 1).start()
            return carry

        lax.fori_loop(0, MAIN // NBUF, step, 0)
        for j in range(MAIN, CHUNKS_PER_W):
            consume(j, j % NBUF, CHUNK if j < CHUNKS_PER_W - 1 else TAIL)
            jn = j + NBUF - 1
            if jn < CHUNKS_PER_W:
                load(jn, (j - 1) % NBUF,
                     CHUNK if jn < CHUNKS_PER_W - 1 else TAIL).start()

        def rstep(g, carry):
            acc = hist2d_v[0, pl.ds(g * L, L)]
            for r in range(1, L):
                acc = acc + hist2d_v[r, pl.ds(g * L, L)]
            hist2d_v[0, pl.ds(g * L, L)] = acc
            return carry

        lax.fori_loop(0, NUM_SEG // L, rstep, 0)

        pltpu.sync_copy(hist2d_v.at[0, pl.ds(0, NUM_SEG)],
                        phists_hbm.at[cid, sid])

        plsc.subcore_barrier()

        pltpu.sync_copy(sums_sh.at[pl.ds(seg0, SEG_PER_TILE), :],
                        psums_hbm.at[cid, pl.ds(seg0, SEG_PER_TILE), :])

    return pl.kernel(
        body,
        out_type=(
            jax.ShapeDtypeStruct((NC, NUM_SEG, D), jnp.float32),
            jax.ShapeDtypeStruct((NC, NS, NUM_SEG), jnp.float32),
        ),
        mesh=mesh,
        compiler_params=pltpu.CompilerParams(needs_layout_passes=False),
        scratch_types=[
            pltpu.VMEM((CHUNKS_PER_W, CHUNK), jnp.int32),
            pltpu.VMEM((CHUNK, D), jnp.float32),
            pltpu.VMEM((CHUNK, D), jnp.float32),
            pltpu.VMEM((CHUNK, D), jnp.float32),
            pltpu.VMEM((CHUNK, D), jnp.float32),
            pltpu.VMEM((L, HIST_W), jnp.float32),
            pltpu.VMEM_SHARED((ACC_ROWS, D), jnp.float32),
            pltpu.SemaphoreType.DMA((NBUF,)),
            pltpu.SemaphoreType.DMA,
        ],
    )(x, idx3d, zeros)


def _combine(psums_ref, phists_ref, out_ref):
    s = psums_ref[0] + psums_ref[1]
    c = jnp.sum(phists_ref[...], axis=(0, 1))
    denom = jnp.maximum(c, 1.0).reshape(NUM_SEG, 1)
    out_ref[...] = s / denom


def kernel(x, batch):
    idx_flat = batch.astype(jnp.int32)
    idx_pad = jnp.concatenate(
        [idx_flat.reshape(NW, ROWS_PER_W),
         jnp.full((NW, PAD), NUM_SEG, jnp.int32)], axis=1)
    idx3d = idx_pad.reshape(NW, CHUNKS_PER_W, CHUNK)
    zeros = jnp.zeros((NUM_SEG, D), jnp.float32)
    psums, phists = _sc_partial_sums(x, idx3d, zeros)
    return pl.pallas_call(
        _combine,
        out_shape=jax.ShapeDtypeStruct((NUM_SEG, D), jnp.float32),
    )(psums, phists)

# --- scband reference (transcript-rebuilt; emitter-appended) ---
"""Pipeline reference for scband-lambda-pooling-38938173505763 (READ-ONLY COPY).

The authoritative reference and input builder live on the scoring server;
editing this copy changes nothing except your own understanding.
"""

import jax, jax.numpy as jnp
import numpy as np

NUM_SEGMENTS = 1024

def setup_inputs(seed: int = 0) -> dict:
    key = jax.random.key(seed)
    k1, k2 = jax.random.split(key)
    x = jax.random.normal(k1, (320000, 128), dtype=jnp.float32)
    batch = jnp.sort(jax.random.randint(k2, (320000,), 0, NUM_SEGMENTS, dtype=jnp.int64))
    return {"x": x, "batch": batch}

def reference(x, batch):
    # LambdaPooling(method='mean') with batch provided -> global_mean_pool(x, batch)
    sums = jax.ops.segment_sum(x, batch, num_segments=NUM_SEGMENTS)
    counts = jax.ops.segment_sum(jnp.ones((x.shape[0],), dtype=x.dtype), batch, num_segments=NUM_SEGMENTS)
    # PyG global_mean_pool: mean per segment; empty segments yield 0
    denom = jnp.clip(counts, 1.0, None)
    out = sums / denom[:, None]
    return out

if __name__ == "__main__":
    import jax
    _d = setup_inputs()
    print(jax.jit(kernel)(*tuple(_d.values())))

</pallas_src>

<mosaic_0001>
#map = affine_map<(d0, d1) -> (0, 0)>
#map1 = affine_map<(d0, d1) -> (0, 0, 0)>
module attributes {stable_mosaic.version = 14 : i64} {
  func.func @body(%arg0: i32, %arg1: i32, %arg2: memref<320000x128xf32, #tpu.memory_space<hbm>>, %arg3: memref<32x79x128xi32, #tpu.memory_space<hbm>>, %arg4: memref<1024x128xf32, #tpu.memory_space<hbm>>, %arg5: memref<2x1024x128xf32, #tpu.memory_space<hbm>>, %arg6: memref<2x16x1024xf32, #tpu.memory_space<hbm>>, %arg7: memref<79x128xi32, #tpu.memory_space<vmem>>, %arg8: memref<128x128xf32, #tpu.memory_space<vmem>>, %arg9: memref<128x128xf32, #tpu.memory_space<vmem>>, %arg10: memref<128x128xf32, #tpu.memory_space<vmem>>, %arg11: memref<128x128xf32, #tpu.memory_space<vmem>>, %arg12: memref<16x1040xf32, #tpu.memory_space<vmem>>, %arg13: memref<1032x128xf32, #tpu.memory_space<vmem_shared>>, %arg14: memref<4x!tpu.dma_semaphore, #tpu.memory_space<semaphore_mem>>, %arg15: memref<!tpu.dma_semaphore, #tpu.memory_space<semaphore_mem>>) attributes {dimension_semantics = [#tpu.dimension_semantics<core_parallel>, #tpu.dimension_semantics<subcore_parallel>], iteration_bounds = array<i64: 2, 16>, scalar_prefetch = 0 : i64, scratch_operands = 9 : i64, tpu.core_type = #tpu.core_type<sc_vector_subcore>, window_params = [{transform_indices = #map}, {transform_indices = #map1}, {transform_indices = #map}, {transform_indices = #map1}, {transform_indices = #map1}]} {
    %mul3A = arith.constant 16 : i32
    %mul3A_0 = arith.muli %arg0, %mul3A : i32
    %add3A = arith.addi %mul3A_0, %arg1 : i32
    %mul3A_1 = arith.constant 64 : i32
    %mul3A_2 = arith.muli %arg1, %mul3A_1 : i32
    "tpu.region"() ({
      %run_scoped3A_555 = tpu.sem_alloc : memref<!tpu.dma_semaphore, #tpu.memory_space<semaphore_mem>>
      %dma_start3A_556 = arith.constant 0 : i32
      %dma_start3A_557 = tpu.memref_slice %arg13[%mul3A_2, %dma_start3A_556] : memref<1032x128xf32, #tpu.memory_space<vmem_shared>> -> memref<64x128xf32, #tpu.memory_space<vmem_shared>>
      %dma_start3A_558 = arith.constant 0 : i32
      %dma_start3A_559 = tpu.memref_slice %arg4[%mul3A_2, %dma_start3A_558] : memref<1024x128xf32, #tpu.memory_space<hbm>> -> memref<64x128xf32, #tpu.memory_space<hbm>>
      tpu.enqueue_dma source(%dma_start3A_559 : memref<64x128xf32, #tpu.memory_space<hbm>>) target(%dma_start3A_557 : memref<64x128xf32, #tpu.memory_space<vmem_shared>>) target_semaphore(%run_scoped3A_555 : memref<!tpu.dma_semaphore, #tpu.memory_space<semaphore_mem>>)
      %dma_wait3A_560 = arith.constant 0 : i32
      %dma_wait3A_561 = tpu.memref_slice %arg13[%mul3A_2, %dma_wait3A_560] : memref<1032x128xf32, #tpu.memory_space<vmem_shared>> -> memref<64x128xf32, #tpu.memory_space<vmem_shared>>
      %dma_wait3A_562 = arith.constant 0 : i32
      %dma_wait3A_563 = tpu.memref_slice %arg4[%mul3A_2, %dma_wait3A_562] : memref<1024x128xf32, #tpu.memory_space<hbm>> -> memref<64x128xf32, #tpu.memory_space<hbm>>
      tpu.wait_dma2 semaphore(%run_scoped3A_555 : memref<!tpu.dma_semaphore, #tpu.memory_space<semaphore_mem>>) src(%dma_wait3A_563 : memref<64x128xf32, #tpu.memory_space<hbm>>) dst(%dma_wait3A_561 : memref<64x128xf32, #tpu.memory_space<vmem_shared>>)
      tpu.yield
    }) : () -> ()
    "tpu.region"() ({
      %run_scoped3A_555 = tpu.sem_alloc : memref<!tpu.dma_semaphore, #tpu.memory_space<semaphore_mem>>
      %dma_start3A_556 = arith.constant 0 : i32
      %dma_start3A_557 = arith.constant 0 : i32
      %dma_start3A_558 = tpu.memref_slice %arg3[%add3A, %dma_start3A_556, %dma_start3A_557] : memref<32x79x128xi32, #tpu.memory_space<hbm>> -> memref<1x79x128xi32, #tpu.memory_space<hbm>>
      %dma_start3A_559 = tpu.memref_squeeze %dma_start3A_558 : memref<1x79x128xi32, #tpu.memory_space<hbm>> -> memref<79x128xi32, #tpu.memory_space<hbm>>
      %dma_start3A_560 = arith.constant 0 : i32
      %dma_start3A_561 = arith.constant 0 : i32
      %dma_start3A_562 = tpu.memref_slice %arg3[%add3A, %dma_start3A_560, %dma_start3A_561] : memref<32x79x128xi32, #tpu.memory_space<hbm>> -> memref<1x79x128xi32, #tpu.memory_space<hbm>>
      %dma_start3A_563 = tpu.memref_squeeze %dma_start3A_562 : memref<1x79x128xi32, #tpu.memory_space<hbm>> -> memref<79x128xi32, #tpu.memory_space<hbm>>
      tpu.enqueue_dma source(%dma_start3A_563 : memref<79x128xi32, #tpu.memory_space<hbm>>) target(%arg7 : memref<79x128xi32, #tpu.memory_space<vmem>>) target_semaphore(%run_scoped3A_555 : memref<!tpu.dma_semaphore, #tpu.memory_space<semaphore_mem>>)
      %dma_wait3A_564 = arith.constant 0 : i32
      %dma_wait3A_565 = arith.constant 0 : i32
      %dma_wait3A_566 = tpu.memref_slice %arg3[%add3A, %dma_wait3A_564, %dma_wait3A_565] : memref<32x79x128xi32, #tpu.memory_space<hbm>> -> memref<1x79x128xi32, #tpu.memory_space<hbm>>
      %dma_wait3A_567 = tpu.memref_squeeze %dma_wait3A_566 : memref<1x79x128xi32, #tpu.memory_space<hbm>> -> memref<79x128xi32, #tpu.memory_space<hbm>>
      %dma_wait3A_568 = arith.constant 0 : i32
      %dma_wait3A_569 = arith.constant 0 : i32
      %dma_wait3A_570 = tpu.memref_slice %arg3[%add3A, %dma_wait3A_568, %dma_wait3A_569] : memref<32x79x128xi32, #tpu.memory_space<hbm>> -> memref<1x79x128xi32, #tpu.memory_space<hbm>>
      %dma_wait3A_571 = tpu.memref_squeeze %dma_wait3A_570 : memref<1x79x128xi32, #tpu.memory_space<hbm>> -> memref<79x128xi32, #tpu.memory_space<hbm>>
      tpu.wait_dma2 semaphore(%run_scoped3A_555 : memref<!tpu.dma_semaphore, #tpu.memory_space<semaphore_mem>>) src(%dma_wait3A_571 : memref<79x128xi32, #tpu.memory_space<hbm>>) dst(%arg7 : memref<79x128xi32, #tpu.memory_space<vmem>>)
      tpu.yield
    }) : () -> ()
    %broadcast_in_dim3A = arith.constant 0.000000e+00 : f32
    %broadcast_in_dim3A_3 = vector.broadcast %broadcast_in_dim3A : f32 to vector<16xf32>
    %scan3A = arith.constant 0 : i32
    %scan3A_4 = arith.constant 0 : i32
    %scan3A_5 = arith.constant 64 : i32
    %scan3A_6 = arith.addi %scan3A_4, %scan3A_5 : i32
    %scan3A_7 = arith.constant 1 : i32
    scf.for %scan3A_555 = %scan3A_4 to %scan3A_6 step %scan3A_7  : i32 {
      %mul3A_556 = arith.constant 16 : i32
      %mul3A_557 = arith.muli %scan3A_555, %mul3A_556 : i32
      %swap3A = arith.constant 0 : i32
      %swap3A_558 = arith.index_cast %swap3A : i32 to index
      %swap3A_559 = arith.index_cast %mul3A_557 : i32 to index
      %swap3A_560 = tpu.vector_load %arg12[%swap3A_558, %swap3A_559] {strides = array<i32>} : memref<16x1040xf32, #tpu.memory_space<vmem>>, vector<16xf32>,
      tpu.vector_store %arg12[%swap3A_558, %swap3A_559], %broadcast_in_dim3A_3 {strides = array<i32>} : memref<16x1040xf32, #tpu.memory_space<vmem>>, vector<16xf32>,
      %mul3A_561 = arith.constant 16 : i32
      %mul3A_562 = arith.muli %scan3A_555, %mul3A_561 : i32
      %swap3A_563 = arith.constant 1 : i32
      %swap3A_564 = arith.index_cast %swap3A_563 : i32 to index
      %swap3A_565 = arith.index_cast %mul3A_562 : i32 to index
      %swap3A_566 = tpu.vector_load %arg12[%swap3A_564, %swap3A_565] {strides = array<i32>} : memref<16x1040xf32, #tpu.memory_space<vmem>>, vector<16xf32>,
      tpu.vector_store %arg12[%swap3A_564, %swap3A_565], %broadcast_in_dim3A_3 {strides = array<i32>} : memref<16x1040xf32, #tpu.memory_space<vmem>>, vector<16xf32>,
      %mul3A_567 = arith.constant 16 : i32
      %mul3A_568 = arith.muli %scan3A_555, %mul3A_567 : i32
      %swap3A_569 = arith.constant 2 : i32
      %swap3A_570 = arith.index_cast %swap3A_569 : i32 to index
      %swap3A_571 = arith.index_cast %mul3A_568 : i32 to index
      %swap3A_572 = tpu.vector_load %arg12[%swap3A_570, %swap3A_571] {strides = array<i32>} : memref<16x1040xf32, #tpu.memory_space<vmem>>, vector<16xf32>,
      tpu.vector_store %arg12[%swap3A_570, %swap3A_571], %broadcast_in_dim3A_3 {strides = array<i32>} : memref<16x1040xf32, #tpu.memory_space<vmem>>, vector<16xf32>,
      %mul3A_573 = arith.constant 16 : i32
      %mul3A_574 = arith.muli %scan3A_555, %mul3A_573 : i32
      %swap3A_575 = arith.constant 3 : i32
      %swap3A_576 = arith.index_cast %swap3A_575 : i32 to index
      %swap3A_577 = arith.index_cast %mul3A_574 : i32 to index
      %swap3A_578 = tpu.vector_load %arg12[%swap3A_576, %swap3A_577] {strides = array<i32>} : memref<16x1040xf32, #tpu.memory_space<vmem>>, vector<16xf32>,
      tpu.vector_store %arg12[%swap3A_576, %swap3A_577], %broadcast_in_dim3A_3 {strides = array<i32>} : memref<16x1040xf32, #tpu.memory_space<vmem>>, vector<16xf32>,
      %mul3A_579 = arith.constant 16 : i32
      %mul3A_580 = arith.muli %scan3A_555, %mul3A_579 : i32
      %swap3A_581 = arith.constant 4 : i32
      %swap3A_582 = arith.index_cast %swap3A_581 : i32 to index
      %swap3A_583 = arith.index_cast %mul3A_580 : i32 to index
      %swap3A_584 = tpu.vector_load %arg12[%swap3A_582, %swap3A_583] {strides = array<i32>} : memref<16x1040xf32, #tpu.memory_space<vmem>>, vector<16xf32>,
      tpu.vector_store %arg12[%swap3A_582, %swap3A_583], %broadcast_in_dim3A_3 {strides = array<i32>} : memref<16x1040xf32, #tpu.memory_space<vmem>>, vector<16xf32>,
      %mul3A_585 = arith.constant 16 : i32
      %mul3A_586 = arith.muli %scan3A_555, %mul3A_585 : i32
      %swap3A_587 = arith.constant 5 : i32
      %swap3A_588 = arith.index_cast %swap3A_587 : i32 to index
      %swap3A_589 = arith.index_cast %mul3A_586 : i32 to index
      %swap3A_590 = tpu.vector_load %arg12[%swap3A_588, %swap3A_589] {strides = array<i32>} : memref<16x1040xf32, #tpu.memory_space<vmem>>, vector<16xf32>,
      tpu.vector_store %arg12[%swap3A_588, %swap3A_589], %broadcast_in_dim3A_3 {strides = array<i32>} : memref<16x1040xf32, #tpu.memory_space<vmem>>, vector<16xf32>,
      %mul3A_591 = arith.constant 16 : i32
      %mul3A_592 = arith.muli %scan3A_555, %mul3A_591 : i32
      %swap3A_593 = arith.constant 6 : i32
      %swap3A_594 = arith.index_cast %swap3A_593 : i32 to index
      %swap3A_595 = arith.index_cast %mul3A_592 : i32 to index
      %swap3A_596 = tpu.vector_load %arg12[%swap3A_594, %swap3A_595] {strides = array<i32>} : memref<16x1040xf32, #tpu.memory_space<vmem>>, vector<16xf32>,
      tpu.vector_store %arg12[%swap3A_594, %swap3A_595], %broadcast_in_dim3A_3 {strides = array<i32>} : memref<16x1040xf32, #tpu.memory_space<vmem>>, vector<16xf32>,
      %mul3A_597 = arith.constant 16 : i32
      %mul3A_598 = arith.muli %scan3A_555, %mul3A_597 : i32
      %swap3A_599 = arith.constant 7 : i32
      %swap3A_600 = arith.index_cast %swap3A_599 : i32 to index
      %swap3A_601 = arith.index_cast %mul3A_598 : i32 to index
      %swap3A_602 = tpu.vector_load %arg12[%swap3A_600, %swap3A_601] {strides = array<i32>} : memref<16x1040xf32, #tpu.memory_space<vmem>>, vector<16xf32>,
      tpu.vector_store %arg12[%swap3A_600, %swap3A_601], %broadcast_in_dim3A_3 {strides = array<i32>} : memref<16x1040xf32, #tpu.memory_space<vmem>>, vector<16xf32>,
      %mul3A_603 = arith.constant 16 : i32
      %mul3A_604 = arith.muli %scan3A_555, %mul3A_603 : i32
      %swap3A_605 = arith.constant 8 : i32
      %swap3A_606 = arith.index_cast %swap3A_605 : i32 to index
      %swap3A_607 = arith.index_cast %mul3A_604 : i32 to index
      %swap3A_608 = tpu.vector_load %arg12[%swap3A_606, %swap3A_607] {strides = array<i32>} : memref<16x1040xf32, #tpu.memory_space<vmem>>, vector<16xf32>,
      tpu.vector_store %arg12[%swap3A_606, %swap3A_607], %broadcast_in_dim3A_3 {strides = array<i32>} : memref<16x1040xf32, #tpu.memory_space<vmem>>, vector<16xf32>,
      %mul3A_609 = arith.constant 16 : i32
      %mul3A_610 = arith.muli %scan3A_555, %mul3A_609 : i32
      %swap3A_611 = arith.constant 9 : i32
      %swap3A_612 = arith.index_cast %swap3A_611 : i32 to index
      %swap3A_613 = arith.index_cast %mul3A_610 : i32 to index
      %swap3A_614 = tpu.vector_load %arg12[%swap3A_612, %swap3A_613] {strides = array<i32>} : memref<16x1040xf32, #tpu.memory_space<vmem>>, vector<16xf32>,
      tpu.vector_store %arg12[%swap3A_612, %swap3A_613], %broadcast_in_dim3A_3 {strides = array<i32>} : memref<16x1040xf32, #tpu.memory_space<vmem>>, vector<16xf32>,
      %mul3A_615 = arith.constant 16 : i32
      %mul3A_616 = arith.muli %scan3A_555, %mul3A_615 : i32
      %swap3A_617 = arith.constant 10 : i32
      %swap3A_618 = arith.index_cast %swap3A_617 : i32 to index
      %swap3A_619 = arith.index_cast %mul3A_616 : i32 to index
      %swap3A_620 = tpu.vector_load %arg12[%swap3A_618, %swap3A_619] {strides = array<i32>} : memref<16x1040xf32, #tpu.memory_space<vmem>>, vector<16xf32>,
      tpu.vector_store %arg12[%swap3A_618, %swap3A_619], %broadcast_in_dim3A_3 {strides = array<i32>} : memref<16x1040xf32, #tpu.memory_space<vmem>>, vector<16xf32>,
      %mul3A_621 = arith.constant 16 : i32
      %mul3A_622 = arith.muli %scan3A_555, %mul3A_621 : i32
      %swap3A_623 = arith.constant 11 : i32
      %swap3A_624 = arith.index_cast %swap3A_623 : i32 to index
      %swap3A_625 = arith.index_cast %mul3A_622 : i32 to index
      %swap3A_626 = tpu.vector_load %arg12[%swap3A_624, %swap3A_625] {strides = array<i32>} : memref<16x1040xf32, #tpu.memory_space<vmem>>, vector<16xf32>,
      tpu.vector_store %arg12[%swap3A_624, %swap3A_625], %broadcast_in_dim3A_3 {strides = array<i32>} : memref<16x1040xf32, #tpu.memory_space<vmem>>, vector<16xf32>,
      %mul3A_627 = arith.constant 16 : i32
      %mul3A_628 = arith.muli %scan3A_555, %mul3A_627 : i32
      %swap3A_629 = arith.constant 12 : i32
      %swap3A_630 = arith.index_cast %swap3A_629 : i32 to index
      %swap3A_631 = arith.index_cast %mul3A_628 : i32 to index
      %swap3A_632 = tpu.vector_load %arg12[%swap3A_630, %swap3A_631] {strides = array<i32>} : memref<16x1040xf32, #tpu.memory_space<vmem>>, vector<16xf32>,
      tpu.vector_store %arg12[%swap3A_630, %swap3A_631], %broadcast_in_dim3A_3 {strides = array<i32>} : memref<16x1040xf32, #tpu.memory_space<vmem>>, vector<16xf32>,
      %mul3A_633 = arith.constant 16 : i32
      %mul3A_634 = arith.muli %scan3A_555, %mul3A_633 : i32
      %swap3A_635 = arith.constant 13 : i32
      %swap3A_636 = arith.index_cast %swap3A_635 : i32 to index
      %swap3A_637 = arith.index_cast %mul3A_634 : i32 to index
      %swap3A_638 = tpu.vector_load %arg12[%swap3A_636, %swap3A_637] {strides = array<i32>} : memref<16x1040xf32, #tpu.memory_space<vmem>>, vector<16xf32>,
      tpu.vector_store %arg12[%swap3A_636, %swap3A_637], %broadcast_in_dim3A_3 {strides = array<i32>} : memref<16x1040xf32, #tpu.memory_space<vmem>>, vector<16xf32>,
      %mul3A_639 = arith.constant 16 : i32
      %mul3A_640 = arith.muli %scan3A_555, %mul3A_639 : i32
      %swap3A_641 = arith.constant 14 : i32
      %swap3A_642 = arith.index_cast %swap3A_641 : i32 to index
      %swap3A_643 = arith.index_cast %mul3A_640 : i32 to index
      %swap3A_644 = tpu.vector_load %arg12[%swap3A_642, %swap3A_643] {strides = array<i32>} : memref<16x1040xf32, #tpu.memory_space<vmem>>, vector<16xf32>,
      tpu.vector_store %arg12[%swap3A_642, %swap3A_643], %broadcast_in_dim3A_3 {strides = array<i32>} : memref<16x1040xf32, #tpu.memory_space<vmem>>, vector<16xf32>,
      %mul3A_645 = arith.constant 16 : i32
      %mul3A_646 = arith.muli %scan3A_555, %mul3A_645 : i32
      %swap3A_647 = arith.constant 15 : i32
      %swap3A_648 = arith.index_cast %swap3A_647 : i32 to index
      %swap3A_649 = arith.index_cast %mul3A_646 : i32 to index
      %swap3A_650 = tpu.vector_load %arg12[%swap3A_648, %swap3A_649] {strides = array<i32>} : memref<16x1040xf32, #tpu.memory_space<vmem>>, vector<16xf32>,
      tpu.vector_store %arg12[%swap3A_648, %swap3A_649], %broadcast_in_dim3A_3 {strides = array<i32>} : memref<16x1040xf32, #tpu.memory_space<vmem>>, vector<16xf32>,
    }
    %scan3A_8 = arith.constant 64 : i32
    %barrier3A = arith.constant 0 : index
    tpu.barrier barrier_id(%barrier3A)
    %mul3A_9 = arith.constant 10000 : i32
    %mul3A_10 = arith.muli %add3A, %mul3A_9 : i32
    %iota3A = tpu.iota {dimensions = array<i32: 0>} : vector<16xi32>
    %broadcast_in_dim3A_11 = arith.constant 1.000000e+00 : f32
    %broadcast_in_dim3A_12 = vector.broadcast %broadcast_in_dim3A_11 : f32 to vector<16xf32>
    %add3A_13 = arith.constant 0 : i32
    %add3A_14 = arith.addi %mul3A_10, %add3A_13 : i32
    %dma_start3A = arith.constant 0 : i32
    %dma_start3A_15 = arith.constant 0 : i32
    %dma_start3A_16 = arith.constant 0 : i32
    %dma_start3A_17 = tpu.memref_slice %arg8[%dma_start3A_15, %dma_start3A_16] : memref<128x128xf32, #tpu.memory_space<vmem>> -> memref<128x128xf32, #tpu.memory_space<vmem>>
    %dma_start3A_18 = arith.constant 0 : i32
    %dma_start3A_19 = tpu.memref_slice %arg2[%add3A_14, %dma_start3A_18] : memref<320000x128xf32, #tpu.memory_space<hbm>> -> memref<128x128xf32, #tpu.memory_space<hbm>>
    %dma_start3A_20 = tpu.memref_slice %arg14[%dma_start3A] : memref<4x!tpu.dma_semaphore, #tpu.memory_space<semaphore_mem>> -> memref<1x!tpu.dma_semaphore, #tpu.memory_space<semaphore_mem>>
    %dma_start3A_21 = tpu.memref_squeeze %dma_start3A_20 : memref<1x!tpu.dma_semaphore, #tpu.memory_space<semaphore_mem>> -> memref<!tpu.dma_semaphore, #tpu.memory_space<semaphore_mem>>
    %dma_start3A_22 = arith.constant 0 : i32
    %dma_start3A_23 = arith.constant 0 : i32
    %dma_start3A_24 = tpu.memref_slice %arg8[%dma_start3A_22, %dma_start3A_23] : memref<128x128xf32, #tpu.memory_space<vmem>> -> memref<128x128xf32, #tpu.memory_space<vmem>>
    %dma_start3A_25 = arith.constant 0 : i32
    %dma_start3A_26 = tpu.memref_slice %arg2[%add3A_14, %dma_start3A_25] : memref<320000x128xf32, #tpu.memory_space<hbm>> -> memref<128x128xf32, #tpu.memory_space<hbm>>
    tpu.enqueue_dma source(%dma_start3A_26 : memref<128x128xf32, #tpu.memory_space<hbm>>) target(%dma_start3A_24 : memref<128x128xf32, #tpu.memory_space<vmem>>) target_semaphore(%dma_start3A_21 : memref<!tpu.dma_semaphore, #tpu.memory_space<semaphore_mem>>)
    %add3A_27 = arith.constant 128 : i32
    %add3A_28 = arith.addi %mul3A_10, %add3A_27 : i32
    %dma_start3A_29 = arith.constant 1 : i32
    %dma_start3A_30 = arith.constant 0 : i32
    %dma_start3A_31 = arith.constant 0 : i32
    %dma_start3A_32 = tpu.memref_slice %arg9[%dma_start3A_30, %dma_start3A_31] : memref<128x128xf32, #tpu.memory_space<vmem>> -> memref<128x128xf32, #tpu.memory_space<vmem>>
    %dma_start3A_33 = arith.constant 0 : i32
    %dma_start3A_34 = tpu.memref_slice %arg2[%add3A_28, %dma_start3A_33] : memref<320000x128xf32, #tpu.memory_space<hbm>> -> memref<128x128xf32, #tpu.memory_space<hbm>>
    %dma_start3A_35 = tpu.memref_slice %arg14[%dma_start3A_29] : memref<4x!tpu.dma_semaphore, #tpu.memory_space<semaphore_mem>> -> memref<1x!tpu.dma_semaphore, #tpu.memory_space<semaphore_mem>>
    %dma_start3A_36 = tpu.memref_squeeze %dma_start3A_35 : memref<1x!tpu.dma_semaphore, #tpu.memory_space<semaphore_mem>> -> memref<!tpu.dma_semaphore, #tpu.memory_space<semaphore_mem>>
    %dma_start3A_37 = arith.constant 0 : i32
    %dma_start3A_38 = arith.constant 0 : i32
    %dma_start3A_39 = tpu.memref_slice %arg9[%dma_start3A_37, %dma_start3A_38] : memref<128x128xf32, #tpu.memory_space<vmem>> -> memref<128x128xf32, #tpu.memory_space<vmem>>
    %dma_start3A_40 = arith.constant 0 : i32
    %dma_start3A_41 = tpu.memref_slice %arg2[%add3A_28, %dma_start3A_40] : memref<320000x128xf32, #tpu.memory_space<hbm>> -> memref<128x128xf32, #tpu.memory_space<hbm>>
    tpu.enqueue_dma source(%dma_start3A_41 : memref<128x128xf32, #tpu.memory_space<hbm>>) target(%dma_start3A_39 : memref<128x128xf32, #tpu.memory_space<vmem>>) target_semaphore(%dma_start3A_36 : memref<!tpu.dma_semaphore, #tpu.memory_space<semaphore_mem>>)
    %add3A_42 = arith.constant 256 : i32
    %add3A_43 = arith.addi %mul3A_10, %add3A_42 : i32
    %dma_start3A_44 = arith.constant 2 : i32
    %dma_start3A_45 = arith.constant 0 : i32
    %dma_start3A_46 = arith.constant 0 : i32
    %dma_start3A_47 = tpu.memref_slice %arg10[%dma_start3A_45, %dma_start3A_46] : memref<128x128xf32, #tpu.memory_space<vmem>> -> memref<128x128xf32, #tpu.memory_space<vmem>>
    %dma_start3A_48 = arith.constant 0 : i32
    %dma_start3A_49 = tpu.memref_slice %arg2[%add3A_43, %dma_start3A_48] : memref<320000x128xf32, #tpu.memory_space<hbm>> -> memref<128x128xf32, #tpu.memory_space<hbm>>
    %dma_start3A_50 = tpu.memref_slice %arg14[%dma_start3A_44] : memref<4x!tpu.dma_semaphore, #tpu.memory_space<semaphore_mem>> -> memref<1x!tpu.dma_semaphore, #tpu.memory_space<semaphore_mem>>
    %dma_start3A_51 = tpu.memref_squeeze %dma_start3A_50 : memref<1x!tpu.dma_semaphore, #tpu.memory_space<semaphore_mem>> -> memref<!tpu.dma_semaphore, #tpu.memory_space<semaphore_mem>>
    %dma_start3A_52 = arith.constant 0 : i32
    %dma_start3A_53 = arith.constant 0 : i32
    %dma_start3A_54 = tpu.memref_slice %arg10[%dma_start3A_52, %dma_start3A_53] : memref<128x128xf32, #tpu.memory_space<vmem>> -> memref<128x128xf32, #tpu.memory_space<vmem>>
    %dma_start3A_55 = arith.constant 0 : i32
    %dma_start3A_56 = tpu.memref_slice %arg2[%add3A_43, %dma_start3A_55] : memref<320000x128xf32, #tpu.memory_space<hbm>> -> memref<128x128xf32, #tpu.memory_space<hbm>>
    tpu.enqueue_dma source(%dma_start3A_56 : memref<128x128xf32, #tpu.memory_space<hbm>>) target(%dma_start3A_54 : memref<128x128xf32, #tpu.memory_space<vmem>>) target_semaphore(%dma_start3A_51 : memref<!tpu.dma_semaphore, #tpu.memory_space<semaphore_mem>>)
    %scan3A_57 = arith.constant 0 : i32
    %scan3A_58 = arith.constant 0 : i32
    %scan3A_59 = arith.constant 18 : i32
    %scan3A_60 = arith.addi %scan3A_58, %scan3A_59 : i32
    %scan3A_61 = arith.constant 1 : i32
    scf.for %scan3A_555 = %scan3A_58 to %scan3A_60 step %scan3A_61  : i32 {
      %mul3A_556 = arith.constant 4 : i32
      %mul3A_557 = arith.muli %scan3A_555, %mul3A_556 : i32
      %add3A_558 = arith.constant 0 : i32
      %add3A_559 = arith.addi %mul3A_557, %add3A_558 : i32
      %mul3A_560 = arith.constant 128 : i32
      %mul3A_561 = arith.muli %add3A_559, %mul3A_560 : i32
      %add3A_562 = arith.addi %mul3A_10, %mul3A_561 : i32
      %dma_wait3A_563 = arith.constant 0 : i32
      %dma_wait3A_564 = arith.constant 0 : i32
      %dma_wait3A_565 = arith.constant 0 : i32
      %dma_wait3A_566 = tpu.memref_slice %arg8[%dma_wait3A_564, %dma_wait3A_565] : memref<128x128xf32, #tpu.memory_space<vmem>> -> memref<128x128xf32, #tpu.memory_space<vmem>>
      %dma_wait3A_567 = arith.constant 0 : i32
      %dma_wait3A_568 = tpu.memref_slice %arg2[%add3A_562, %dma_wait3A_567] : memref<320000x128xf32, #tpu.memory_space<hbm>> -> memref<128x128xf32, #tpu.memory_space<hbm>>
      %dma_wait3A_569 = tpu.memref_slice %arg14[%dma_wait3A_563] : memref<4x!tpu.dma_semaphore, #tpu.memory_space<semaphore_mem>> -> memref<1x!tpu.dma_semaphore, #tpu.memory_space<semaphore_mem>>
      %dma_wait3A_570 = tpu.memref_squeeze %dma_wait3A_569 : memref<1x!tpu.dma_semaphore, #tpu.memory_space<semaphore_mem>> -> memref<!tpu.dma_semaphore, #tpu.memory_space<semaphore_mem>>
      %dma_wait3A_571 = arith.constant 0 : i32
      %dma_wait3A_572 = arith.constant 0 : i32
      %dma_wait3A_573 = tpu.memref_slice %arg8[%dma_wait3A_571, %dma_wait3A_572] : memref<128x128xf32, #tpu.memory_space<vmem>> -> memref<128x128xf32, #tpu.memory_space<vmem>>
      %dma_wait3A_574 = arith.constant 0 : i32
      %dma_wait3A_575 = tpu.memref_slice %arg2[%add3A_562, %dma_wait3A_574] : memref<320000x128xf32, #tpu.memory_space<hbm>> -> memref<128x128xf32, #tpu.memory_space<hbm>>
      tpu.wait_dma2 semaphore(%dma_wait3A_570 : memref<!tpu.dma_semaphore, #tpu.memory_space<semaphore_mem>>) src(%dma_wait3A_575 : memref<128x128xf32, #tpu.memory_space<hbm>>) dst(%dma_wait3A_573 : memref<128x128xf32, #tpu.memory_space<vmem>>)
      %dma_start3A_576 = arith.constant 0 : i32
      %dma_start3A_577 = tpu.memref_slice %arg7[%add3A_559, %dma_start3A_576] : memref<79x128xi32, #tpu.memory_space<vmem>> -> memref<1x128xi32, #tpu.memory_space<vmem>>
      %dma_start3A_578 = tpu.memref_squeeze %dma_start3A_577 : memref<1x128xi32, #tpu.memory_space<vmem>> -> memref<128xi32, #tpu.memory_space<vmem>>
      %dma_start3A_579 = arith.constant 0 : i32
      %dma_start3A_580 = arith.constant 0 : i32
      %dma_start3A_581 = tpu.memref_slice %arg13[%dma_start3A_579, %dma_start3A_580] : memref<1032x128xf32, #tpu.memory_space<vmem_shared>> -> memref<1032x128xf32, #tpu.memory_space<vmem_shared>>
      tpu.enqueue_indirect_dma source(%arg8 : memref<128x128xf32, #tpu.memory_space<vmem>>) target(%dma_start3A_581 : memref<1032x128xf32, #tpu.memory_space<vmem_shared>>) offsets(%dma_start3A_578 : memref<128xi32, #tpu.memory_space<vmem>>) semaphore(%arg15 : memref<!tpu.dma_semaphore, #tpu.memory_space<semaphore_mem>>) {add = true}
      %get3A_582 = arith.index_cast %add3A_559 : i32 to index
      %get3A_583 = arith.constant 0 : index
      %get3A_584 = tpu.vector_load %arg7[%get3A_582, %get3A_583] {strides = array<i32>} : memref<79x128xi32, #tpu.memory_space<vmem>>, vector<16xi32>,
      tpu.vector_store_idx %arg12[%iota3A, %get3A_584], %broadcast_in_dim3A_12 {add = true} : memref<16x1040xf32, #tpu.memory_space<vmem>>[vector<16xi32>, vector<16xi32>], vector<16xf32>,
      %get3A_585 = arith.index_cast %add3A_559 : i32 to index
      %get3A_586 = arith.constant 16 : index
      %get3A_587 = tpu.vector_load %arg7[%get3A_585, %get3A_586] {strides = array<i32>} : memref<79x128xi32, #tpu.memory_space<vmem>>, vector<16xi32>,
      tpu.vector_store_idx %arg12[%iota3A, %get3A_587], %broadcast_in_dim3A_12 {add = true} : memref<16x1040xf32, #tpu.memory_space<vmem>>[vector<16xi32>, vector<16xi32>], vector<16xf32>,
      %get3A_588 = arith.index_cast %add3A_559 : i32 to index
      %get3A_589 = arith.constant 32 : index
      %get3A_590 = tpu.vector_load %arg7[%get3A_588, %get3A_589] {strides = array<i32>} : memref<79x128xi32, #tpu.memory_space<vmem>>, vector<16xi32>,
      tpu.vector_store_idx %arg12[%iota3A, %get3A_590], %broadcast_in_dim3A_12 {add = true} : memref<16x1040xf32, #tpu.memory_space<vmem>>[vector<16xi32>, vector<16xi32>], vector<16xf32>,
      %get3A_591 = arith.index_cast %add3A_559 : i32 to index
      %get3A_592 = arith.constant 48 : index
      %get3A_593 = tpu.vector_load %arg7[%get3A_591, %get3A_592] {strides = array<i32>} : memref<79x128xi32, #tpu.memory_space<vmem>>, vector<16xi32>,
      tpu.vector_store_idx %arg12[%iota3A, %get3A_593], %broadcast_in_dim3A_12 {add = true} : memref<16x1040xf32, #tpu.memory_space<vmem>>[vector<16xi32>, vector<16xi32>], vector<16xf32>,
      %get3A_594 = arith.index_cast %add3A_559 : i32 to index
      %get3A_595 = arith.constant 64 : index
      %get3A_596 = tpu.vector_load %arg7[%get3A_594, %get3A_595] {strides = array<i32>} : memref<79x128xi32, #tpu.memory_space<vmem>>, vector<16xi32>,
      tpu.vector_store_idx %arg12[%iota3A, %get3A_596], %broadcast_in_dim3A_12 {add = true} : memref<16x1040xf32, #tpu.memory_space<vmem>>[vector<16xi32>, vector<16xi32>], vector<16xf32>,
      %get3A_597 = arith.index_cast %add3A_559 : i32 to index
      %get3A_598 = arith.constant 80 : index
      %get3A_599 = tpu.vector_load %arg7[%get3A_597, %get3A_598] {strides = array<i32>} : memref<79x128xi32, #tpu.memory_space<vmem>>, vector<16xi32>,
      tpu.vector_store_idx %arg12[%iota3A, %get3A_599], %broadcast_in_dim3A_12 {add = true} : memref<16x1040xf32, #tpu.memory_space<vmem>>[vector<16xi32>, vector<16xi32>], vector<16xf32>,
      %get3A_600 = arith.index_cast %add3A_559 : i32 to index
      %get3A_601 = arith.constant 96 : index
      %get3A_602 = tpu.vector_load %arg7[%get3A_600, %get3A_601] {strides = array<i32>} : memref<79x128xi32, #tpu.memory_space<vmem>>, vector<16xi32>,
      tpu.vector_store_idx %arg12[%iota3A, %get3A_602], %broadcast_in_dim3A_12 {add = true} : memref<16x1040xf32, #tpu.memory_space<vmem>>[vector<16xi32>, vector<16xi32>], vector<16xf32>,
      %get3A_603 = arith.index_cast %add3A_559 : i32 to index
      %get3A_604 = arith.constant 112 : index
      %get3A_605 = tpu.vector_load %arg7[%get3A_603, %get3A_604] {strides = array<i32>} : memref<79x128xi32, #tpu.memory_space<vmem>>, vector<16xi32>,
      tpu.vector_store_idx %arg12[%iota3A, %get3A_605], %broadcast_in_dim3A_12 {add = true} : memref<16x1040xf32, #tpu.memory_space<vmem>>[vector<16xi32>, vector<16xi32>], vector<16xf32>,
      %dma_wait3A_606 = arith.constant 0 : i32
      %dma_wait3A_607 = tpu.memref_slice %arg7[%add3A_559, %dma_wait3A_606] : memref<79x128xi32, #tpu.memory_space<vmem>> -> memref<1x128xi32, #tpu.memory_space<vmem>>
      %dma_wait3A_608 = tpu.memref_squeeze %dma_wait3A_607 : memref<1x128xi32, #tpu.memory_space<vmem>> -> memref<128xi32, #tpu.memory_space<vmem>>
      %dma_wait3A_609 = arith.constant 0 : i32
      %dma_wait3A_610 = arith.constant 0 : i32
      %dma_wait3A_611 = tpu.memref_slice %arg13[%dma_wait3A_609, %dma_wait3A_610] : memref<1032x128xf32, #tpu.memory_space<vmem_shared>> -> memref<1032x128xf32, #tpu.memory_space<vmem_shared>>
      tpu.wait_indirect_dma semaphore(%arg15 : memref<!tpu.dma_semaphore, #tpu.memory_space<semaphore_mem>>) src(%arg8 : memref<128x128xf32, #tpu.memory_space<vmem>>) dst(%dma_wait3A_611 : memref<1032x128xf32, #tpu.memory_space<vmem_shared>>)
      %add3A_612 = arith.constant 4 : i32
      %add3A_613 = arith.addi %add3A_559, %add3A_612 : i32
      %sub3A = arith.constant 1 : i32
      %sub3A_614 = arith.subi %add3A_613, %sub3A : i32
      %mul3A_615 = arith.constant 128 : i32
      %mul3A_616 = arith.muli %sub3A_614, %mul3A_615 : i32
      %add3A_617 = arith.addi %mul3A_10, %mul3A_616 : i32
      %dma_start3A_618 = arith.constant 3 : i32
      %dma_start3A_619 = arith.constant 0 : i32
      %dma_start3A_620 = arith.constant 0 : i32
      %dma_start3A_621 = tpu.memref_slice %arg11[%dma_start3A_619, %dma_start3A_620] : memref<128x128xf32, #tpu.memory_space<vmem>> -> memref<128x128xf32, #tpu.memory_space<vmem>>
      %dma_start3A_622 = arith.constant 0 : i32
      %dma_start3A_623 = tpu.memref_slice %arg2[%add3A_617, %dma_start3A_622] : memref<320000x128xf32, #tpu.memory_space<hbm>> -> memref<128x128xf32, #tpu.memory_space<hbm>>
      %dma_start3A_624 = tpu.memref_slice %arg14[%dma_start3A_618] : memref<4x!tpu.dma_semaphore, #tpu.memory_space<semaphore_mem>> -> memref<1x!tpu.dma_semaphore, #tpu.memory_space<semaphore_mem>>
      %dma_start3A_625 = tpu.memref_squeeze %dma_start3A_624 : memref<1x!tpu.dma_semaphore, #tpu.memory_space<semaphore_mem>> -> memref<!tpu.dma_semaphore, #tpu.memory_space<semaphore_mem>>
      %dma_start3A_626 = arith.constant 0 : i32
      %dma_start3A_627 = arith.constant 0 : i32
      %dma_start3A_628 = tpu.memref_slice %arg11[%dma_start3A_626, %dma_start3A_627] : memref<128x128xf32, #tpu.memory_space<vmem>> -> memref<128x128xf32, #tpu.memory_space<vmem>>
      %dma_start3A_629 = arith.constant 0 : i32
      %dma_start3A_630 = tpu.memref_slice %arg2[%add3A_617, %dma_start3A_629] : memref<320000x128xf32, #tpu.memory_space<hbm>> -> memref<128x128xf32, #tpu.memory_space<hbm>>
      tpu.enqueue_dma source(%dma_start3A_630 : memref<128x128xf32, #tpu.memory_space<hbm>>) target(%dma_start3A_628 : memref<128x128xf32, #tpu.memory_space<vmem>>) target_semaphore(%dma_start3A_625 : memref<!tpu.dma_semaphore, #tpu.memory_space<semaphore_mem>>)
      %mul3A_631 = arith.constant 4 : i32
      %mul3A_632 = arith.muli %scan3A_555, %mul3A_631 : i32
      %add3A_633 = arith.constant 1 : i32
      %add3A_634 = arith.addi %mul3A_632, %add3A_633 : i32
      %mul3A_635 = arith.constant 128 : i32
      %mul3A_636 = arith.muli %add3A_634, %mul3A_635 : i32
      %add3A_637 = arith.addi %mul3A_10, %mul3A_636 : i32
      %dma_wait3A_638 = arith.constant 1 : i32
      %dma_wait3A_639 = arith.constant 0 : i32
      %dma_wait3A_640 = arith.constant 0 : i32
      %dma_wait3A_641 = tpu.memref_slice %arg9[%dma_wait3A_639, %dma_wait3A_640] : memref<128x128xf32, #tpu.memory_space<vmem>> -> memref<128x128xf32, #tpu.memory_space<vmem>>
      %dma_wait3A_642 = arith.constant 0 : i32
      %dma_wait3A_643 = tpu.memref_slice %arg2[%add3A_637, %dma_wait3A_642] : memref<320000x128xf32, #tpu.memory_space<hbm>> -> memref<128x128xf32, #tpu.memory_space<hbm>>
      %dma_wait3A_644 = tpu.memref_slice %arg14[%dma_wait3A_638] : memref<4x!tpu.dma_semaphore, #tpu.memory_space<semaphore_mem>> -> memref<1x!tpu.dma_semaphore, #tpu.memory_space<semaphore_mem>>
      %dma_wait3A_645 = tpu.memref_squeeze %dma_wait3A_644 : memref<1x!tpu.dma_semaphore, #tpu.memory_space<semaphore_mem>> -> memref<!tpu.dma_semaphore, #tpu.memory_space<semaphore_mem>>
      %dma_wait3A_646 = arith.constant 0 : i32
      %dma_wait3A_647 = arith.constant 0 : i32
      %dma_wait3A_648 = tpu.memref_slice %arg9[%dma_wait3A_646, %dma_wait3A_647] : memref<128x128xf32, #tpu.memory_space<vmem>> -> memref<128x128xf32, #tpu.memory_space<vmem>>
      %dma_wait3A_649 = arith.constant 0 : i32
      %dma_wait3A_650 = tpu.memref_slice %arg2[%add3A_637, %dma_wait3A_649] : memref<320000x128xf32, #tpu.memory_space<hbm>> -> memref<128x128xf32, #tpu.memory_space<hbm>>
      tpu.wait_dma2 semaphore(%dma_wait3A_645 : memref<!tpu.dma_semaphore, #tpu.memory_space<semaphore_mem>>) src(%dma_wait3A_650 : memref<128x128xf32, #tpu.memory_space<hbm>>) dst(%dma_wait3A_648 : memref<128x128xf32, #tpu.memory_space<vmem>>)
      %dma_start3A_651 = arith.constant 0 : i32
      %dma_start3A_652 = tpu.memref_slice %arg7[%add3A_634, %dma_start3A_651] : memref<79x128xi32, #tpu.memory_space<vmem>> -> memref<1x128xi32, #tpu.memory_space<vmem>>
      %dma_start3A_653 = tpu.memref_squeeze %dma_start3A_652 : memref<1x128xi32, #tpu.memory_space<vmem>> -> memref<128xi32, #tpu.memory_space<vmem>>
      %dma_start3A_654 = arith.constant 0 : i32
      %dma_start3A_655 = arith.constant 0 : i32
      %dma_start3A_656 = tpu.memref_slice %arg13[%dma_start3A_654, %dma_start3A_655] : memref<1032x128xf32, #tpu.memory_space<vmem_shared>> -> memref<1032x128xf32, #tpu.memory_space<vmem_shared>>
      tpu.enqueue_indirect_dma source(%arg9 : memref<128x128xf32, #tpu.memory_space<vmem>>) target(%dma_start3A_656 : memref<1032x128xf32, #tpu.memory_space<vmem_shared>>) offsets(%dma_start3A_653 : memref<128xi32, #tpu.memory_space<vmem>>) semaphore(%arg15 : memref<!tpu.dma_semaphore, #tpu.memory_space<semaphore_mem>>) {add = true}
      %get3A_657 = arith.index_cast %add3A_634 : i32 to index
      %get3A_658 = arith.constant 0 : index
      %get3A_659 = tpu.vector_load %arg7[%get3A_657, %get3A_658] {strides = array<i32>} : memref<79x128xi32, #tpu.memory_space<vmem>>, vector<16xi32>,
      tpu.vector_store_idx %arg12[%iota3A, %get3A_659], %broadcast_in_dim3A_12 {add = true} : memref<16x1040xf32, #tpu.memory_space<vmem>>[vector<16xi32>, vector<16xi32>], vector<16xf32>,
      %get3A_660 = arith.index_cast %add3A_634 : i32 to index
      %get3A_661 = arith.constant 16 : index
      %get3A_662 = tpu.vector_load %arg7[%get3A_660, %get3A_661] {strides = array<i32>} : memref<79x128xi32, #tpu.memory_space<vmem>>, vector<16xi32>,
      tpu.vector_store_idx %arg12[%iota3A, %get3A_662], %broadcast_in_dim3A_12 {add = true} : memref<16x1040xf32, #tpu.memory_space<vmem>>[vector<16xi32>, vector<16xi32>], vector<16xf32>,
      %get3A_663 = arith.index_cast %add3A_634 : i32 to index
      %get3A_664 = arith.constant 32 : index
      %get3A_665 = tpu.vector_load %arg7[%get3A_663, %get3A_664] {strides = array<i32>} : memref<79x128xi32, #tpu.memory_space<vmem>>, vector<16xi32>,
      tpu.vector_store_idx %arg12[%iota3A, %get3A_665], %broadcast_in_dim3A_12 {add = true} : memref<16x1040xf32, #tpu.memory_space<vmem>>[vector<16xi32>, vector<16xi32>], vector<16xf32>,
      %get3A_666 = arith.index_cast %add3A_634 : i32 to index
      %get3A_667 = arith.constant 48 : index
      %get3A_668 = tpu.vector_load %arg7[%get3A_666, %get3A_667] {strides = array<i32>} : memref<79x128xi32, #tpu.memory_space<vmem>>, vector<16xi32>,
      tpu.vector_store_idx %arg12[%iota3A, %get3A_668], %broadcast_in_dim3A_12 {add = true} : memref<16x1040xf32, #tpu.memory_space<vmem>>[vector<16xi32>, vector<16xi32>], vector<16xf32>,
      %get3A_669 = arith.index_cast %add3A_634 : i32 to index
      %get3A_670 = arith.constant 64 : index
      %get3A_671 = tpu.vector_load %arg7[%get3A_669, %get3A_670] {strides = array<i32>} : memref<79x128xi32, #tpu.memory_space<vmem>>, vector<16xi32>,
      tpu.vector_store_idx %arg12[%iota3A, %get3A_671], %broadcast_in_dim3A_12 {add = true} : memref<16x1040xf32, #tpu.memory_space<vmem>>[vector<16xi32>, vector<16xi32>], vector<16xf32>,
      %get3A_672 = arith.index_cast %add3A_634 : i32 to index
      %get3A_673 = arith.constant 80 : index
      %get3A_674 = tpu.vector_load %arg7[%get3A_672, %get3A_673] {strides = array<i32>} : memref<79x128xi32, #tpu.memory_space<vmem>>, vector<16xi32>,
      tpu.vector_store_idx %arg12[%iota3A, %get3A_674], %broadcast_in_dim3A_12 {add = true} : memref<16x1040xf32, #tpu.memory_space<vmem>>[vector<16xi32>, vector<16xi32>], vector<16xf32>,
      %get3A_675 = arith.index_cast %add3A_634 : i32 to index
      %get3A_676 = arith.constant 96 : index
      %get3A_677 = tpu.vector_load %arg7[%get3A_675, %get3A_676] {strides = array<i32>} : memref<79x128xi32, #tpu.memory_space<vmem>>, vector<16xi32>,
      tpu.vector_store_idx %arg12[%iota3A, %get3A_677], %broadcast_in_dim3A_12 {add = true} : memref<16x1040xf32, #tpu.memory_space<vmem>>[vector<16xi32>, vector<16xi32>], vector<16xf32>,
      %get3A_678 = arith.index_cast %add3A_634 : i32 to index
      %get3A_679 = arith.constant 112 : index
      %get3A_680 = tpu.vector_load %arg7[%get3A_678, %get3A_679] {strides = array<i32>} : memref<79x128xi32, #tpu.memory_space<vmem>>, vector<16xi32>,
      tpu.vector_store_idx %arg12[%iota3A, %get3A_680], %broadcast_in_dim3A_12 {add = true} : memref<16x1040xf32, #tpu.memory_space<vmem>>[vector<16xi32>, vector<16xi32>], vector<16xf32>,
      %dma_wait3A_681 = arith.constant 0 : i32
      %dma_wait3A_682 = tpu.memref_slice %arg7[%add3A_634, %dma_wait3A_681] : memref<79x128xi32, #tpu.memory_space<vmem>> -> memref<1x128xi32, #tpu.memory_space<vmem>>
      %dma_wait3A_683 = tpu.memref_squeeze %dma_wait3A_682 : memref<1x128xi32, #tpu.memory_space<vmem>> -> memref<128xi32, #tpu.memory_space<vmem>>
      %dma_wait3A_684 = arith.constant 0 : i32
      %dma_wait3A_685 = arith.constant 0 : i32
      %dma_wait3A_686 = tpu.memref_slice %arg13[%dma_wait3A_684, %dma_wait3A_685] : memref<1032x128xf32, #tpu.memory_space<vmem_shared>> -> memref<1032x128xf32, #tpu.memory_space<vmem_shared>>
      tpu.wait_indirect_dma semaphore(%arg15 : memref<!tpu.dma_semaphore, #tpu.memory_space<semaphore_mem>>) src(%arg9 : memref<128x128xf32, #tpu.memory_space<vmem>>) dst(%dma_wait3A_686 : memref<1032x128xf32, #tpu.memory_space<vmem_shared>>)
      %add3A_687 = arith.constant 4 : i32
      %add3A_688 = arith.addi %add3A_634, %add3A_687 : i32
      %sub3A_689 = arith.constant 1 : i32
      %sub3A_690 = arith.subi %add3A_688, %sub3A_689 : i32
      %mul3A_691 = arith.constant 128 : i32
      %mul3A_692 = arith.muli %sub3A_690, %mul3A_691 : i32
      %add3A_693 = arith.addi %mul3A_10, %mul3A_692 : i32
      %dma_start3A_694 = arith.constant 0 : i32
      %dma_start3A_695 = arith.constant 0 : i32
      %dma_start3A_696 = arith.constant 0 : i32
      %dma_start3A_697 = tpu.memref_slice %arg8[%dma_start3A_695, %dma_start3A_696] : memref<128x128xf32, #tpu.memory_space<vmem>> -> memref<128x128xf32, #tpu.memory_space<vmem>>
      %dma_start3A_698 = arith.constant 0 : i32
      %dma_start3A_699 = tpu.memref_slice %arg2[%add3A_693, %dma_start3A_698] : memref<320000x128xf32, #tpu.memory_space<hbm>> -> memref<128x128xf32, #tpu.memory_space<hbm>>
      %dma_start3A_700 = tpu.memref_slice %arg14[%dma_start3A_694] : memref<4x!tpu.dma_semaphore, #tpu.memory_space<semaphore_mem>> -> memref<1x!tpu.dma_semaphore, #tpu.memory_space<semaphore_mem>>
      %dma_start3A_701 = tpu.memref_squeeze %dma_start3A_700 : memref<1x!tpu.dma_semaphore, #tpu.memory_space<semaphore_mem>> -> memref<!tpu.dma_semaphore, #tpu.memory_space<semaphore_mem>>
      %dma_start3A_702 = arith.constant 0 : i32
      %dma_start3A_703 = arith.constant 0 : i32
      %dma_start3A_704 = tpu.memref_slice %arg8[%dma_start3A_702, %dma_start3A_703] : memref<128x128xf32, #tpu.memory_space<vmem>> -> memref<128x128xf32, #tpu.memory_space<vmem>>
      %dma_start3A_705 = arith.constant 0 : i32
      %dma_start3A_706 = tpu.memref_slice %arg2[%add3A_693, %dma_start3A_705] : memref<320000x128xf32, #tpu.memory_space<hbm>> -> memref<128x128xf32, #tpu.memory_space<hbm>>
      tpu.enqueue_dma source(%dma_start3A_706 : memref<128x128xf32, #tpu.memory_space<hbm>>) target(%dma_start3A_704 : memref<128x128xf32, #tpu.memory_space<vmem>>) target_semaphore(%dma_start3A_701 : memref<!tpu.dma_semaphore, #tpu.memory_space<semaphore_mem>>)
      %mul3A_707 = arith.constant 4 : i32
      %mul3A_708 = arith.muli %scan3A_555, %mul3A_707 : i32
      %add3A_709 = arith.constant 2 : i32
      %add3A_710 = arith.addi %mul3A_708, %add3A_709 : i32
      %mul3A_711 = arith.constant 128 : i32
      %mul3A_712 = arith.muli %add3A_710, %mul3A_711 : i32
      %add3A_713 = arith.addi %mul3A_10, %mul3A_712 : i32
      %dma_wait3A_714 = arith.constant 2 : i32
      %dma_wait3A_715 = arith.constant 0 : i32
      %dma_wait3A_716 = arith.constant 0 : i32
      %dma_wait3A_717 = tpu.memref_slice %arg10[%dma_wait3A_715, %dma_wait3A_716] : memref<128x128xf32, #tpu.memory_space<vmem>> -> memref<128x128xf32, #tpu.memory_space<vmem>>
      %dma_wait3A_718 = arith.constant 0 : i32
      %dma_wait3A_719 = tpu.memref_slice %arg2[%add3A_713, %dma_wait3A_718] : memref<320000x128xf32, #tpu.memory_space<hbm>> -> memref<128x128xf32, #tpu.memory_space<hbm>>
      %dma_wait3A_720 = tpu.memref_slice %arg14[%dma_wait3A_714] : memref<4x!tpu.dma_semaphore, #tpu.memory_space<semaphore_mem>> -> memref<1x!tpu.dma_semaphore, #tpu.memory_space<semaphore_mem>>
      %dma_wait3A_721 = tpu.memref_squeeze %dma_wait3A_720 : memref<1x!tpu.dma_semaphore, #tpu.memory_space<semaphore_mem>> -> memref<!tpu.dma_semaphore, #tpu.memory_space<semaphore_mem>>
      %dma_wait3A_722 = arith.constant 0 : i32
      %dma_wait3A_723 = arith.constant 0 : i32
      %dma_wait3A_724 = tpu.memref_slice %arg10[%dma_wait3A_722, %dma_wait3A_723] : memref<128x128xf32, #tpu.memory_space<vmem>> -> memref<128x128xf32, #tpu.memory_space<vmem>>
      %dma_wait3A_725 = arith.constant 0 : i32
      %dma_wait3A_726 = tpu.memref_slice %arg2[%add3A_713, %dma_wait3A_725] : memref<320000x128xf32, #tpu.memory_space<hbm>> -> memref<128x128xf32, #tpu.memory_space<hbm>>
      tpu.wait_dma2 semaphore(%dma_wait3A_721 : memref<!tpu.dma_semaphore, #tpu.memory_space<semaphore_mem>>) src(%dma_wait3A_726 : memref<128x128xf32, #tpu.memory_space<hbm>>) dst(%dma_wait3A_724 : memref<128x128xf32, #tpu.memory_space<vmem>>)
      %dma_start3A_727 = arith.constant 0 : i32
      %dma_start3A_728 = tpu.memref_slice %arg7[%add3A_710, %dma_start3A_727] : memref<79x128xi32, #tpu.memory_space<vmem>> -> memref<1x128xi32, #tpu.memory_space<vmem>>
      %dma_start3A_729 = tpu.memref_squeeze %dma_start3A_728 : memref<1x128xi32, #tpu.memory_space<vmem>> -> memref<128xi32, #tpu.memory_space<vmem>>
      %dma_start3A_730 = arith.constant 0 : i32
      %dma_start3A_731 = arith.constant 0 : i32
      %dma_start3A_732 = tpu.memref_slice %arg13[%dma_start3A_730, %dma_start3A_731] : memref<1032x128xf32, #tpu.memory_space<vmem_shared>> -> memref<1032x128xf32, #tpu.memory_space<vmem_shared>>
      tpu.enqueue_indirect_dma source(%arg10 : memref<128x128xf32, #tpu.memory_space<vmem>>) target(%dma_start3A_732 : memref<1032x128xf32, #tpu.memory_space<vmem_shared>>) offsets(%dma_start3A_729 : memref<128xi32, #tpu.memory_space<vmem>>) semaphore(%arg15 : memref<!tpu.dma_semaphore, #tpu.memory_space<semaphore_mem>>) {add = true}
      %get3A_733 = arith.index_cast %add3A_710 : i32 to index
      %get3A_734 = arith.constant 0 : index
      %get3A_735 = tpu.vector_load %arg7[%get3A_733, %get3A_734] {strides = array<i32>} : memref<79x128xi32, #tpu.memory_space<vmem>>, vector<16xi32>,
      tpu.vector_store_idx %arg12[%iota3A, %get3A_735], %broadcast_in_dim3A_12 {add = true} : memref<16x1040xf32, #tpu.memory_space<vmem>>[vector<16xi32>, vector<16xi32>], vector<16xf32>,
      %get3A_736 = arith.index_cast %add3A_710 : i32 to index
      %get3A_737 = arith.constant 16 : index
      %get3A_738 = tpu.vector_load %arg7[%get3A_736, %get3A_737] {strides = array<i32>} : memref<79x128xi32, #tpu.memory_space<vmem>>, vector<16xi32>,
      tpu.vector_store_idx %arg12[%iota3A, %get3A_738], %broadcast_in_dim3A_12 {add = true} : memref<16x1040xf32, #tpu.memory_space<vmem>>[vector<16xi32>, vector<16xi32>], vector<16xf32>,
      %get3A_739 = arith.index_cast %add3A_710 : i32 to index
      %get3A_740 = arith.constant 32 : index
      %get3A_741 = tpu.vector_load %arg7[%get3A_739, %get3A_740] {strides = array<i32>} : memref<79x128xi32, #tpu.memory_space<vmem>>, vector<16xi32>,
      tpu.vector_store_idx %arg12[%iota3A, %get3A_741], %broadcast_in_dim3A_12 {add = true} : memref<16x1040xf32, #tpu.memory_space<vmem>>[vector<16xi32>, vector<16xi32>], vector<16xf32>,
      %get3A_742 = arith.index_cast %add3A_710 : i32 to index
      %get3A_743 = arith.constant 48 : index
      %get3A_744 = tpu.vector_load %arg7[%get3A_742, %get3A_743] {strides = array<i32>} : memref<79x128xi32, #tpu.memory_space<vmem>>, vector<16xi32>,
      tpu.vector_store_idx %arg12[%iota3A, %get3A_744], %broadcast_in_dim3A_12 {add = true} : memref<16x1040xf32, #tpu.memory_space<vmem>>[vector<16xi32>, vector<16xi32>], vector<16xf32>,
      %get3A_745 = arith.index_cast %add3A_710 : i32 to index
      %get3A_746 = arith.constant 64 : index
      %get3A_747 = tpu.vector_load %arg7[%get3A_745, %get3A_746] {strides = array<i32>} : memref<79x128xi32, #tpu.memory_space<vmem>>, vector<16xi32>,
      tpu.vector_store_idx %arg12[%iota3A, %get3A_747], %broadcast_in_dim3A_12 {add = true} : memref<16x1040xf32, #tpu.memory_space<vmem>>[vector<16xi32>, vector<16xi32>], vector<16xf32>,
      %get3A_748 = arith.index_cast %add3A_710 : i32 to index
      %get3A_749 = arith.constant 80 : index
      %get3A_750 = tpu.vector_load %arg7[%get3A_748, %get3A_749] {strides = array<i32>} : memref<79x128xi32, #tpu.memory_space<vmem>>, vector<16xi32>,
      tpu.vector_store_idx %arg12[%iota3A, %get3A_750], %broadcast_in_dim3A_12 {add = true} : memref<16x1040xf32, #tpu.memory_space<vmem>>[vector<16xi32>, vector<16xi32>], vector<16xf32>,
      %get3A_751 = arith.index_cast %add3A_710 : i32 to index
      %get3A_752 = arith.constant 96 : index
      %get3A_753 = tpu.vector_load %arg7[%get3A_751, %get3A_752] {strides = array<i32>} : memref<79x128xi32, #tpu.memory_space<vmem>>, vector<16xi32>,
      tpu.vector_store_idx %arg12[%iota3A, %get3A_753], %broadcast_in_dim3A_12 {add = true} : memref<16x1040xf32, #tpu.memory_space<vmem>>[vector<16xi32>, vector<16xi32>], vector<16xf32>,
      %get3A_754 = arith.index_cast %add3A_710 : i32 to index
      %get3A_755 = arith.constant 112 : index
      %get3A_756 = tpu.vector_load %arg7[%get3A_754, %get3A_755] {strides = array<i32>} : memref<79x128xi32, #tpu.memory_space<vmem>>, vector<16xi32>,
      tpu.vector_store_idx %arg12[%iota3A, %get3A_756], %broadcast_in_dim3A_12 {add = true} : memref<16x1040xf32, #tpu.memory_space<vmem>>[vector<16xi32>, vector<16xi32>], vector<16xf32>,
      %dma_wait3A_757 = arith.constant 0 : i32
      %dma_wait3A_758 = tpu.memref_slice %arg7[%add3A_710, %dma_wait3A_757] : memref<79x128xi32, #tpu.memory_space<vmem>> -> memref<1x128xi32, #tpu.memory_space<vmem>>
      %dma_wait3A_759 = tpu.memref_squeeze %dma_wait3A_758 : memref<1x128xi32, #tpu.memory_space<vmem>> -> memref<128xi32, #tpu.memory_space<vmem>>
      %dma_wait3A_760 = arith.constant 0 : i32
      %dma_wait3A_761 = arith.constant 0 : i32
      %dma_wait3A_762 = tpu.memref_slice %arg13[%dma_wait3A_760, %dma_wait3A_761] : memref<1032x128xf32, #tpu.memory_space<vmem_shared>> -> memref<1032x128xf32, #tpu.memory_space<vmem_shared>>
      tpu.wait_indirect_dma semaphore(%arg15 : memref<!tpu.dma_semaphore, #tpu.memory_space<semaphore_mem>>) src(%arg10 : memref<128x128xf32, #tpu.memory_space<vmem>>) dst(%dma_wait3A_762 : memref<1032x128xf32, #tpu.memory_space<vmem_shared>>)
      %add3A_763 = arith.constant 4 : i32
      %add3A_764 = arith.addi %add3A_710, %add3A_763 : i32
      %sub3A_765 = arith.constant 1 : i32
      %sub3A_766 = arith.subi %add3A_764, %sub3A_765 : i32
      %mul3A_767 = arith.constant 128 : i32
      %mul3A_768 = arith.muli %sub3A_766, %mul3A_767 : i32
      %add3A_769 = arith.addi %mul3A_10, %mul3A_768 : i32
      %dma_start3A_770 = arith.constant 1 : i32
      %dma_start3A_771 = arith.constant 0 : i32
      %dma_start3A_772 = arith.constant 0 : i32
      %dma_start3A_773 = tpu.memref_slice %arg9[%dma_start3A_771, %dma_start3A_772] : memref<128x128xf32, #tpu.memory_space<vmem>> -> memref<128x128xf32, #tpu.memory_space<vmem>>
      %dma_start3A_774 = arith.constant 0 : i32
      %dma_start3A_775 = tpu.memref_slice %arg2[%add3A_769, %dma_start3A_774] : memref<320000x128xf32, #tpu.memory_space<hbm>> -> memref<128x128xf32, #tpu.memory_space<hbm>>
      %dma_start3A_776 = tpu.memref_slice %arg14[%dma_start3A_770] : memref<4x!tpu.dma_semaphore, #tpu.memory_space<semaphore_mem>> -> memref<1x!tpu.dma_semaphore, #tpu.memory_space<semaphore_mem>>
      %dma_start3A_777 = tpu.memref_squeeze %dma_start3A_776 : memref<1x!tpu.dma_semaphore, #tpu.memory_space<semaphore_mem>> -> memref<!tpu.dma_semaphore, #tpu.memory_space<semaphore_mem>>
      %dma_start3A_778 = arith.constant 0 : i32
      %dma_start3A_779 = arith.constant 0 : i32
      %dma_start3A_780 = tpu.memref_slice %arg9[%dma_start3A_778, %dma_start3A_779] : memref<128x128xf32, #tpu.memory_space<vmem>> -> memref<128x128xf32, #tpu.memory_space<vmem>>
      %dma_start3A_781 = arith.constant 0 : i32
      %dma_start3A_782 = tpu.memref_slice %arg2[%add3A_769, %dma_start3A_781] : memref<320000x128xf32, #tpu.memory_space<hbm>> -> memref<128x128xf32, #tpu.memory_space<hbm>>
      tpu.enqueue_dma source(%dma_start3A_782 : memref<128x128xf32, #tpu.memory_space<hbm>>) target(%dma_start3A_780 : memref<128x128xf32, #tpu.memory_space<vmem>>) target_semaphore(%dma_start3A_777 : memref<!tpu.dma_semaphore, #tpu.memory_space<semaphore_mem>>)
      %mul3A_783 = arith.constant 4 : i32
      %mul3A_784 = arith.muli %scan3A_555, %mul3A_783 : i32
      %add3A_785 = arith.constant 3 : i32
      %add3A_786 = arith.addi %mul3A_784, %add3A_785 : i32
      %mul3A_787 = arith.constant 128 : i32
      %mul3A_788 = arith.muli %add3A_786, %mul3A_787 : i32
      %add3A_789 = arith.addi %mul3A_10, %mul3A_788 : i32
      %dma_wait3A_790 = arith.constant 3 : i32
      %dma_wait3A_791 = arith.constant 0 : i32
      %dma_wait3A_792 = arith.constant 0 : i32
      %dma_wait3A_793 = tpu.memref_slice %arg11[%dma_wait3A_791, %dma_wait3A_792] : memref<128x128xf32, #tpu.memory_space<vmem>> -> memref<128x128xf32, #tpu.memory_space<vmem>>
      %dma_wait3A_794 = arith.constant 0 : i32
      %dma_wait3A_795 = tpu.memref_slice %arg2[%add3A_789, %dma_wait3A_794] : memref<320000x128xf32, #tpu.memory_space<hbm>> -> memref<128x128xf32, #tpu.memory_space<hbm>>
      %dma_wait3A_796 = tpu.memref_slice %arg14[%dma_wait3A_790] : memref<4x!tpu.dma_semaphore, #tpu.memory_space<semaphore_mem>> -> memref<1x!tpu.dma_semaphore, #tpu.memory_space<semaphore_mem>>
      %dma_wait3A_797 = tpu.memref_squeeze %dma_wait3A_796 : memref<1x!tpu.dma_semaphore, #tpu.memory_space<semaphore_mem>> -> memref<!tpu.dma_semaphore, #tpu.memory_space<semaphore_mem>>
      %dma_wait3A_798 = arith.constant 0 : i32
      %dma_wait3A_799 = arith.constant 0 : i32
      %dma_wait3A_800 = tpu.memref_slice %arg11[%dma_wait3A_798, %dma_wait3A_799] : memref<128x128xf32, #tpu.memory_space<vmem>> -> memref<128x128xf32, #tpu.memory_space<vmem>>
      %dma_wait3A_801 = arith.constant 0 : i32
      %dma_wait3A_802 = tpu.memref_slice %arg2[%add3A_789, %dma_wait3A_801] : memref<320000x128xf32, #tpu.memory_space<hbm>> -> memref<128x128xf32, #tpu.memory_space<hbm>>
      tpu.wait_dma2 semaphore(%dma_wait3A_797 : memref<!tpu.dma_semaphore, #tpu.memory_space<semaphore_mem>>) src(%dma_wait3A_802 : memref<128x128xf32, #tpu.memory_space<hbm>>) dst(%dma_wait3A_800 : memref<128x128xf32, #tpu.memory_space<vmem>>)
      %dma_start3A_803 = arith.constant 0 : i32
      %dma_start3A_804 = tpu.memref_slice %arg7[%add3A_786, %dma_start3A_803] : memref<79x128xi32, #tpu.memory_space<vmem>> -> memref<1x128xi32, #tpu.memory_space<vmem>>
      %dma_start3A_805 = tpu.memref_squeeze %dma_start3A_804 : memref<1x128xi32, #tpu.memory_space<vmem>> -> memref<128xi32, #tpu.memory_space<vmem>>
      %dma_start3A_806 = arith.constant 0 : i32
      %dma_start3A_807 = arith.constant 0 : i32
      %dma_start3A_808 = tpu.memref_slice %arg13[%dma_start3A_806, %dma_start3A_807] : memref<1032x128xf32, #tpu.memory_space<vmem_shared>> -> memref<1032x128xf32, #tpu.memory_space<vmem_shared>>
      tpu.enqueue_indirect_dma source(%arg11 : memref<128x128xf32, #tpu.memory_space<vmem>>) target(%dma_start3A_808 : memref<1032x128xf32, #tpu.memory_space<vmem_shared>>) offsets(%dma_start3A_805 : memref<128xi32, #tpu.memory_space<vmem>>) semaphore(%arg15 : memref<!tpu.dma_semaphore, #tpu.memory_space<semaphore_mem>>) {add = true}
      %get3A_809 = arith.index_cast %add3A_786 : i32 to index
      %get3A_810 = arith.constant 0 : index
      %get3A_811 = tpu.vector_load %arg7[%get3A_809, %get3A_810] {strides = array<i32>} : memref<79x128xi32, #tpu.memory_space<vmem>>, vector<16xi32>,
      tpu.vector_store_idx %arg12[%iota3A, %get3A_811], %broadcast_in_dim3A_12 {add = true} : memref<16x1040xf32, #tpu.memory_space<vmem>>[vector<16xi32>, vector<16xi32>], vector<16xf32>,
      %get3A_812 = arith.index_cast %add3A_786 : i32 to index
      %get3A_813 = arith.constant 16 : index
      %get3A_814 = tpu.vector_load %arg7[%get3A_812, %get3A_813] {strides = array<i32>} : memref<79x128xi32, #tpu.memory_space<vmem>>, vector<16xi32>,
      tpu.vector_store_idx %arg12[%iota3A, %get3A_814], %broadcast_in_dim3A_12 {add = true} : memref<16x1040xf32, #tpu.memory_space<vmem>>[vector<16xi32>, vector<16xi32>], vector<16xf32>,
      %get3A_815 = arith.index_cast %add3A_786 : i32 to index
      %get3A_816 = arith.constant 32 : index
      %get3A_817 = tpu.vector_load %arg7[%get3A_815, %get3A_816] {strides = array<i32>} : memref<79x128xi32, #tpu.memory_space<vmem>>, vector<16xi32>,
      tpu.vector_store_idx %arg12[%iota3A, %get3A_817], %broadcast_in_dim3A_12 {add = true} : memref<16x1040xf32, #tpu.memory_space<vmem>>[vector<16xi32>, vector<16xi32>], vector<16xf32>,
      %get3A_818 = arith.index_cast %add3A_786 : i32 to index
      %get3A_819 = arith.constant 48 : index
      %get3A_820 = tpu.vector_load %arg7[%get3A_818, %get3A_819] {strides = array<i32>} : memref<79x128xi32, #tpu.memory_space<vmem>>, vector<16xi32>,
      tpu.vector_store_idx %arg12[%iota3A, %get3A_820], %broadcast_in_dim3A_12 {add = true} : memref<16x1040xf32, #tpu.memory_space<vmem>>[vector<16xi32>, vector<16xi32>], vector<16xf32>,
      %get3A_821 = arith.index_cast %add3A_786 : i32 to index
      %get3A_822 = arith.constant 64 : index
      %get3A_823 = tpu.vector_load %arg7[%get3A_821, %get3A_822] {strides = array<i32>} : memref<79x128xi32, #tpu.memory_space<vmem>>, vector<16xi32>,
      tpu.vector_store_idx %arg12[%iota3A, %get3A_823], %broadcast_in_dim3A_12 {add = true} : memref<16x1040xf32, #tpu.memory_space<vmem>>[vector<16xi32>, vector<16xi32>], vector<16xf32>,
      %get3A_824 = arith.index_cast %add3A_786 : i32 to index
      %get3A_825 = arith.constant 80 : index
      %get3A_826 = tpu.vector_load %arg7[%get3A_824, %get3A_825] {strides = array<i32>} : memref<79x128xi32, #tpu.memory_space<vmem>>, vector<16xi32>,
      tpu.vector_store_idx %arg12[%iota3A, %get3A_826], %broadcast_in_dim3A_12 {add = true} : memref<16x1040xf32, #tpu.memory_space<vmem>>[vector<16xi32>, vector<16xi32>], vector<16xf32>,
      %get3A_827 = arith.index_cast %add3A_786 : i32 to index
      %get3A_828 = arith.constant 96 : index
      %get3A_829 = tpu.vector_load %arg7[%get3A_827, %get3A_828] {strides = array<i32>} : memref<79x128xi32, #tpu.memory_space<vmem>>, vector<16xi32>,
      tpu.vector_store_idx %arg12[%iota3A, %get3A_829], %broadcast_in_dim3A_12 {add = true} : memref<16x1040xf32, #tpu.memory_space<vmem>>[vector<16xi32>, vector<16xi32>], vector<16xf32>,
      %get3A_830 = arith.index_cast %add3A_786 : i32 to index
      %get3A_831 = arith.constant 112 : index
      %get3A_832 = tpu.vector_load %arg7[%get3A_830, %get3A_831] {strides = array<i32>} : memref<79x128xi32, #tpu.memory_space<vmem>>, vector<16xi32>,
      tpu.vector_store_idx %arg12[%iota3A, %get3A_832], %broadcast_in_dim3A_12 {add = true} : memref<16x1040xf32, #tpu.memory_space<vmem>>[vector<16xi32>, vector<16xi32>], vector<16xf32>,
      %dma_wait3A_833 = arith.constant 0 : i32
      %dma_wait3A_834 = tpu.memref_slice %arg7[%add3A_786, %dma_wait3A_833] : memref<79x128xi32, #tpu.memory_space<vmem>> -> memref<1x128xi32, #tpu.memory_space<vmem>>
      %dma_wait3A_835 = tpu.memref_squeeze %dma_wait3A_834 : memref<1x128xi32, #tpu.memory_space<vmem>> -> memref<128xi32, #tpu.memory_space<vmem>>
      %dma_wait3A_836 = arith.constant 0 : i32
      %dma_wait3A_837 = arith.constant 0 : i32
      %dma_wait3A_838 = tpu.memref_slice %arg13[%dma_wait3A_836, %dma_wait3A_837] : memref<1032x128xf32, #tpu.memory_space<vmem_shared>> -> memref<1032x128xf32, #tpu.memory_space<vmem_shared>>
      tpu.wait_indirect_dma semaphore(%arg15 : memref<!tpu.dma_semaphore, #tpu.memory_space<semaphore_mem>>) src(%arg11 : memref<128x128xf32, #tpu.memory_space<vmem>>) dst(%dma_wait3A_838 : memref<1032x128xf32, #tpu.memory_space<vmem_shared>>)
      %add3A_839 = arith.constant 4 : i32
      %add3A_840 = arith.addi %add3A_786, %add3A_839 : i32
      %sub3A_841 = arith.constant 1 : i32
      %sub3A_842 = arith.subi %add3A_840, %sub3A_841 : i32
      %mul3A_843 = arith.constant 128 : i32
      %mul3A_844 = arith.muli %sub3A_842, %mul3A_843 : i32
      %add3A_845 = arith.addi %mul3A_10, %mul3A_844 : i32
      %dma_start3A_846 = arith.constant 2 : i32
      %dma_start3A_847 = arith.constant 0 : i32
      %dma_start3A_848 = arith.constant 0 : i32
      %dma_start3A_849 = tpu.memref_slice %arg10[%dma_start3A_847, %dma_start3A_848] : memref<128x128xf32, #tpu.memory_space<vmem>> -> memref<128x128xf32, #tpu.memory_space<vmem>>
      %dma_start3A_850 = arith.constant 0 : i32
      %dma_start3A_851 = tpu.memref_slice %arg2[%add3A_845, %dma_start3A_850] : memref<320000x128xf32, #tpu.memory_space<hbm>> -> memref<128x128xf32, #tpu.memory_space<hbm>>
      %dma_start3A_852 = tpu.memref_slice %arg14[%dma_start3A_846] : memref<4x!tpu.dma_semaphore, #tpu.memory_space<semaphore_mem>> -> memref<1x!tpu.dma_semaphore, #tpu.memory_space<semaphore_mem>>
      %dma_start3A_853 = tpu.memref_squeeze %dma_start3A_852 : memref<1x!tpu.dma_semaphore, #tpu.memory_space<semaphore_mem>> -> memref<!tpu.dma_semaphore, #tpu.memory_space<semaphore_mem>>
      %dma_start3A_854 = arith.constant 0 : i32
      %dma_start3A_855 = arith.constant 0 : i32
      %dma_start3A_856 = tpu.memref_slice %arg10[%dma_start3A_854, %dma_start3A_855] : memref<128x128xf32, #tpu.memory_space<vmem>> -> memref<128x128xf32, #tpu.memory_space<vmem>>
      %dma_start3A_857 = arith.constant 0 : i32
      %dma_start3A_858 = tpu.memref_slice %arg2[%add3A_845, %dma_start3A_857] : memref<320000x128xf32, #tpu.memory_space<hbm>> -> memref<128x128xf32, #tpu.memory_space<hbm>>
      tpu.enqueue_dma source(%dma_start3A_858 : memref<128x128xf32, #tpu.memory_space<hbm>>) target(%dma_start3A_856 : memref<128x128xf32, #tpu.memory_space<vmem>>) target_semaphore(%dma_start3A_853 : memref<!tpu.dma_semaphore, #tpu.memory_space<semaphore_mem>>)
    }
    %scan3A_62 = arith.constant 18 : i32
    %add3A_63 = arith.constant 9216 : i32
    %add3A_64 = arith.addi %mul3A_10, %add3A_63 : i32
    %dma_wait3A = arith.constant 0 : i32
    %dma_wait3A_65 = arith.constant 0 : i32
    %dma_wait3A_66 = arith.constant 0 : i32
    %dma_wait3A_67 = tpu.memref_slice %arg8[%dma_wait3A_65, %dma_wait3A_66] : memref<128x128xf32, #tpu.memory_space<vmem>> -> memref<128x128xf32, #tpu.memory_space<vmem>>
    %dma_wait3A_68 = arith.constant 0 : i32
    %dma_wait3A_69 = tpu.memref_slice %arg2[%add3A_64, %dma_wait3A_68] : memref<320000x128xf32, #tpu.memory_space<hbm>> -> memref<128x128xf32, #tpu.memory_space<hbm>>
    %dma_wait3A_70 = tpu.memref_slice %arg14[%dma_wait3A] : memref<4x!tpu.dma_semaphore, #tpu.memory_space<semaphore_mem>> -> memref<1x!tpu.dma_semaphore, #tpu.memory_space<semaphore_mem>>
    %dma_wait3A_71 = tpu.memref_squeeze %dma_wait3A_70 : memref<1x!tpu.dma_semaphore, #tpu.memory_space<semaphore_mem>> -> memref<!tpu.dma_semaphore, #tpu.memory_space<semaphore_mem>>
    %dma_wait3A_72 = arith.constant 0 : i32
    %dma_wait3A_73 = arith.constant 0 : i32
    %dma_wait3A_74 = tpu.memref_slice %arg8[%dma_wait3A_72, %dma_wait3A_73] : memref<128x128xf32, #tpu.memory_space<vmem>> -> memref<128x128xf32, #tpu.memory_space<vmem>>
    %dma_wait3A_75 = arith.constant 0 : i32
    %dma_wait3A_76 = tpu.memref_slice %arg2[%add3A_64, %dma_wait3A_75] : memref<320000x128xf32, #tpu.memory_space<hbm>> -> memref<128x128xf32, #tpu.memory_space<hbm>>
    tpu.wait_dma2 semaphore(%dma_wait3A_71 : memref<!tpu.dma_semaphore, #tpu.memory_space<semaphore_mem>>) src(%dma_wait3A_76 : memref<128x128xf32, #tpu.memory_space<hbm>>) dst(%dma_wait3A_74 : memref<128x128xf32, #tpu.memory_space<vmem>>)
    %dma_start3A_77 = arith.constant 72 : i32
    %dma_start3A_78 = arith.constant 0 : i32
    %dma_start3A_79 = tpu.memref_slice %arg7[%dma_start3A_77, %dma_start3A_78] : memref<79x128xi32, #tpu.memory_space<vmem>> -> memref<1x128xi32, #tpu.memory_space<vmem>>
    %dma_start3A_80 = tpu.memref_squeeze %dma_start3A_79 : memref<1x128xi32, #tpu.memory_space<vmem>> -> memref<128xi32, #tpu.memory_space<vmem>>
    %dma_start3A_81 = arith.constant 0 : i32
    %dma_start3A_82 = arith.constant 0 : i32
    %dma_start3A_83 = tpu.memref_slice %arg13[%dma_start3A_81, %dma_start3A_82] : memref<1032x128xf32, #tpu.memory_space<vmem_shared>> -> memref<1032x128xf32, #tpu.memory_space<vmem_shared>>
    tpu.enqueue_indirect_dma source(%arg8 : memref<128x128xf32, #tpu.memory_space<vmem>>) target(%dma_start3A_83 : memref<1032x128xf32, #tpu.memory_space<vmem_shared>>) offsets(%dma_start3A_80 : memref<128xi32, #tpu.memory_space<vmem>>) semaphore(%arg15 : memref<!tpu.dma_semaphore, #tpu.memory_space<semaphore_mem>>) {add = true}
    %get3A = arith.constant 72 : i32
    %get3A_84 = arith.index_cast %get3A : i32 to index
    %get3A_85 = arith.constant 0 : index
    %get3A_86 = tpu.vector_load %arg7[%get3A_84, %get3A_85] {strides = array<i32>} : memref<79x128xi32, #tpu.memory_space<vmem>>, vector<16xi32>,
    tpu.vector_store_idx %arg12[%iota3A, %get3A_86], %broadcast_in_dim3A_12 {add = true} : memref<16x1040xf32, #tpu.memory_space<vmem>>[vector<16xi32>, vector<16xi32>], vector<16xf32>,
    %get3A_87 = arith.constant 72 : i32
    %get3A_88 = arith.index_cast %get3A_87 : i32 to index
    %get3A_89 = arith.constant 16 : index
    %get3A_90 = tpu.vector_load %arg7[%get3A_88, %get3A_89] {strides = array<i32>} : memref<79x128xi32, #tpu.memory_space<vmem>>, vector<16xi32>,
    tpu.vector_store_idx %arg12[%iota3A, %get3A_90], %broadcast_in_dim3A_12 {add = true} : memref<16x1040xf32, #tpu.memory_space<vmem>>[vector<16xi32>, vector<16xi32>], vector<16xf32>,
    %get3A_91 = arith.constant 72 : i32
    %get3A_92 = arith.index_cast %get3A_91 : i32 to index
    %get3A_93 = arith.constant 32 : index
    %get3A_94 = tpu.vector_load %arg7[%get3A_92, %get3A_93] {strides = array<i32>} : memref<79x128xi32, #tpu.memory_space<vmem>>, vector<16xi32>,
    tpu.vector_store_idx %arg12[%iota3A, %get3A_94], %broadcast_in_dim3A_12 {add = true} : memref<16x1040xf32, #tpu.memory_space<vmem>>[vector<16xi32>, vector<16xi32>], vector<16xf32>,
    %get3A_95 = arith.constant 72 : i32
    %get3A_96 = arith.index_cast %get3A_95 : i32 to index
    %get3A_97 = arith.constant 48 : index
    %get3A_98 = tpu.vector_load %arg7[%get3A_96, %get3A_97] {strides = array<i32>} : memref<79x128xi32, #tpu.memory_space<vmem>>, vector<16xi32>,
    tpu.vector_store_idx %arg12[%iota3A, %get3A_98], %broadcast_in_dim3A_12 {add = true} : memref<16x1040xf32, #tpu.memory_space<vmem>>[vector<16xi32>, vector<16xi32>], vector<16xf32>,
    %get3A_99 = arith.constant 72 : i32
    %get3A_100 = arith.index_cast %get3A_99 : i32 to index
    %get3A_101 = arith.constant 64 : index
    %get3A_102 = tpu.vector_load %arg7[%get3A_100, %get3A_101] {strides = array<i32>} : memref<79x128xi32, #tpu.memory_space<vmem>>, vector<16xi32>,
    tpu.vector_store_idx %arg12[%iota3A, %get3A_102], %broadcast_in_dim3A_12 {add = true} : memref<16x1040xf32, #tpu.memory_space<vmem>>[vector<16xi32>, vector<16xi32>], vector<16xf32>,
    %get3A_103 = arith.constant 72 : i32
    %get3A_104 = arith.index_cast %get3A_103 : i32 to index
    %get3A_105 = arith.constant 80 : index
    %get3A_106 = tpu.vector_load %arg7[%get3A_104, %get3A_105] {strides = array<i32>} : memref<79x128xi32, #tpu.memory_space<vmem>>, vector<16xi32>,
    tpu.vector_store_idx %arg12[%iota3A, %get3A_106], %broadcast_in_dim3A_12 {add = true} : memref<16x1040xf32, #tpu.memory_space<vmem>>[vector<16xi32>, vector<16xi32>], vector<16xf32>,
    %get3A_107 = arith.constant 72 : i32
    %get3A_108 = arith.index_cast %get3A_107 : i32 to index
    %get3A_109 = arith.constant 96 : index
    %get3A_110 = tpu.vector_load %arg7[%get3A_108, %get3A_109] {strides = array<i32>} : memref<79x128xi32, #tpu.memory_space<vmem>>, vector<16xi32>,
    tpu.vector_store_idx %arg12[%iota3A, %get3A_110], %broadcast_in_dim3A_12 {add = true} : memref<16x1040xf32, #tpu.memory_space<vmem>>[vector<16xi32>, vector<16xi32>], vector<16xf32>,
    %get3A_111 = arith.constant 72 : i32
    %get3A_112 = arith.index_cast %get3A_111 : i32 to index
    %get3A_113 = arith.constant 112 : index
    %get3A_114 = tpu.vector_load %arg7[%get3A_112, %get3A_113] {strides = array<i32>} : memref<79x128xi32, #tpu.memory_space<vmem>>, vector<16xi32>,
    tpu.vector_store_idx %arg12[%iota3A, %get3A_114], %broadcast_in_dim3A_12 {add = true} : memref<16x1040xf32, #tpu.memory_space<vmem>>[vector<16xi32>, vector<16xi32>], vector<16xf32>,
    %dma_wait3A_115 = arith.constant 72 : i32
    %dma_wait3A_116 = arith.constant 0 : i32
    %dma_wait3A_117 = tpu.memref_slice %arg7[%dma_wait3A_115, %dma_wait3A_116] : memref<79x128xi32, #tpu.memory_space<vmem>> -> memref<1x128xi32, #tpu.memory_space<vmem>>
    %dma_wait3A_118 = tpu.memref_squeeze %dma_wait3A_117 : memref<1x128xi32, #tpu.memory_space<vmem>> -> memref<128xi32, #tpu.memory_space<vmem>>
    %dma_wait3A_119 = arith.constant 0 : i32
    %dma_wait3A_120 = arith.constant 0 : i32
    %dma_wait3A_121 = tpu.memref_slice %arg13[%dma_wait3A_119, %dma_wait3A_120] : memref<1032x128xf32, #tpu.memory_space<vmem_shared>> -> memref<1032x128xf32, #tpu.memory_space<vmem_shared>>
    tpu.wait_indirect_dma semaphore(%arg15 : memref<!tpu.dma_semaphore, #tpu.memory_space<semaphore_mem>>) src(%arg8 : memref<128x128xf32, #tpu.memory_space<vmem>>) dst(%dma_wait3A_121 : memref<1032x128xf32, #tpu.memory_space<vmem_shared>>)
    %add3A_122 = arith.constant 9600 : i32
    %add3A_123 = arith.addi %mul3A_10, %add3A_122 : i32
    %dma_start3A_124 = arith.constant 3 : i32
    %dma_start3A_125 = arith.constant 0 : i32
    %dma_start3A_126 = arith.constant 0 : i32
    %dma_start3A_127 = tpu.memref_slice %arg11[%dma_start3A_125, %dma_start3A_126] : memref<128x128xf32, #tpu.memory_space<vmem>> -> memref<128x128xf32, #tpu.memory_space<vmem>>
    %dma_start3A_128 = arith.constant 0 : i32
    %dma_start3A_129 = tpu.memref_slice %arg2[%add3A_123, %dma_start3A_128] : memref<320000x128xf32, #tpu.memory_space<hbm>> -> memref<128x128xf32, #tpu.memory_space<hbm>>
    %dma_start3A_130 = tpu.memref_slice %arg14[%dma_start3A_124] : memref<4x!tpu.dma_semaphore, #tpu.memory_space<semaphore_mem>> -> memref<1x!tpu.dma_semaphore, #tpu.memory_space<semaphore_mem>>
    %dma_start3A_131 = tpu.memref_squeeze %dma_start3A_130 : memref<1x!tpu.dma_semaphore, #tpu.memory_space<semaphore_mem>> -> memref<!tpu.dma_semaphore, #tpu.memory_space<semaphore_mem>>
    %dma_start3A_132 = arith.constant 0 : i32
    %dma_start3A_133 = arith.constant 0 : i32
    %dma_start3A_134 = tpu.memref_slice %arg11[%dma_start3A_132, %dma_start3A_133] : memref<128x128xf32, #tpu.memory_space<vmem>> -> memref<128x128xf32, #tpu.memory_space<vmem>>
    %dma_start3A_135 = arith.constant 0 : i32
    %dma_start3A_136 = tpu.memref_slice %arg2[%add3A_123, %dma_start3A_135] : memref<320000x128xf32, #tpu.memory_space<hbm>> -> memref<128x128xf32, #tpu.memory_space<hbm>>
    tpu.enqueue_dma source(%dma_start3A_136 : memref<128x128xf32, #tpu.memory_space<hbm>>) target(%dma_start3A_134 : memref<128x128xf32, #tpu.memory_space<vmem>>) target_semaphore(%dma_start3A_131 : memref<!tpu.dma_semaphore, #tpu.memory_space<semaphore_mem>>)
    %add3A_137 = arith.constant 9344 : i32
    %add3A_138 = arith.addi %mul3A_10, %add3A_137 : i32
    %dma_wait3A_139 = arith.constant 1 : i32
    %dma_wait3A_140 = arith.constant 0 : i32
    %dma_wait3A_141 = arith.constant 0 : i32
    %dma_wait3A_142 = tpu.memref_slice %arg9[%dma_wait3A_140, %dma_wait3A_141] : memref<128x128xf32, #tpu.memory_space<vmem>> -> memref<128x128xf32, #tpu.memory_space<vmem>>
    %dma_wait3A_143 = arith.constant 0 : i32
    %dma_wait3A_144 = tpu.memref_slice %arg2[%add3A_138, %dma_wait3A_143] : memref<320000x128xf32, #tpu.memory_space<hbm>> -> memref<128x128xf32, #tpu.memory_space<hbm>>
    %dma_wait3A_145 = tpu.memref_slice %arg14[%dma_wait3A_139] : memref<4x!tpu.dma_semaphore, #tpu.memory_space<semaphore_mem>> -> memref<1x!tpu.dma_semaphore, #tpu.memory_space<semaphore_mem>>
    %dma_wait3A_146 = tpu.memref_squeeze %dma_wait3A_145 : memref<1x!tpu.dma_semaphore, #tpu.memory_space<semaphore_mem>> -> memref<!tpu.dma_semaphore, #tpu.memory_space<semaphore_mem>>
    %dma_wait3A_147 = arith.constant 0 : i32
    %dma_wait3A_148 = arith.constant 0 : i32
    %dma_wait3A_149 = tpu.memref_slice %arg9[%dma_wait3A_147, %dma_wait3A_148] : memref<128x128xf32, #tpu.memory_space<vmem>> -> memref<128x128xf32, #tpu.memory_space<vmem>>
    %dma_wait3A_150 = arith.constant 0 : i32
    %dma_wait3A_151 = tpu.memref_slice %arg2[%add3A_138, %dma_wait3A_150] : memref<320000x128xf32, #tpu.memory_space<hbm>> -> memref<128x128xf32, #tpu.memory_space<hbm>>
    tpu.wait_dma2 semaphore(%dma_wait3A_146 : memref<!tpu.dma_semaphore, #tpu.memory_space<semaphore_mem>>) src(%dma_wait3A_151 : memref<128x128xf32, #tpu.memory_space<hbm>>) dst(%dma_wait3A_149 : memref<128x128xf32, #tpu.memory_space<vmem>>)
    %dma_start3A_152 = arith.constant 73 : i32
    %dma_start3A_153 = arith.constant 0 : i32
    %dma_start3A_154 = tpu.memref_slice %arg7[%dma_start3A_152, %dma_start3A_153] : memref<79x128xi32, #tpu.memory_space<vmem>> -> memref<1x128xi32, #tpu.memory_space<vmem>>
    %dma_start3A_155 = tpu.memref_squeeze %dma_start3A_154 : memref<1x128xi32, #tpu.memory_space<vmem>> -> memref<128xi32, #tpu.memory_space<vmem>>
    %dma_start3A_156 = arith.constant 0 : i32
    %dma_start3A_157 = arith.constant 0 : i32
    %dma_start3A_158 = tpu.memref_slice %arg13[%dma_start3A_156, %dma_start3A_157] : memref<1032x128xf32, #tpu.memory_space<vmem_shared>> -> memref<1032x128xf32, #tpu.memory_space<vmem_shared>>
    tpu.enqueue_indirect_dma source(%arg9 : memref<128x128xf32, #tpu.memory_space<vmem>>) target(%dma_start3A_158 : memref<1032x128xf32, #tpu.memory_space<vmem_shared>>) offsets(%dma_start3A_155 : memref<128xi32, #tpu.memory_space<vmem>>) semaphore(%arg15 : memref<!tpu.dma_semaphore, #tpu.memory_space<semaphore_mem>>) {add = true}
    %get3A_159 = arith.constant 73 : i32
    %get3A_160 = arith.index_cast %get3A_159 : i32 to index
    %get3A_161 = arith.constant 0 : index
    %get3A_162 = tpu.vector_load %arg7[%get3A_160, %get3A_161] {strides = array<i32>} : memref<79x128xi32, #tpu.memory_space<vmem>>, vector<16xi32>,
    tpu.vector_store_idx %arg12[%iota3A, %get3A_162], %broadcast_in_dim3A_12 {add = true} : memref<16x1040xf32, #tpu.memory_space<vmem>>[vector<16xi32>, vector<16xi32>], vector<16xf32>,
    %get3A_163 = arith.constant 73 : i32
    %get3A_164 = arith.index_cast %get3A_163 : i32 to index
    %get3A_165 = arith.constant 16 : index
    %get3A_166 = tpu.vector_load %arg7[%get3A_164, %get3A_165] {strides = array<i32>} : memref<79x128xi32, #tpu.memory_space<vmem>>, vector<16xi32>,
    tpu.vector_store_idx %arg12[%iota3A, %get3A_166], %broadcast_in_dim3A_12 {add = true} : memref<16x1040xf32, #tpu.memory_space<vmem>>[vector<16xi32>, vector<16xi32>], vector<16xf32>,
    %get3A_167 = arith.constant 73 : i32
    %get3A_168 = arith.index_cast %get3A_167 : i32 to index
    %get3A_169 = arith.constant 32 : index
    %get3A_170 = tpu.vector_load %arg7[%get3A_168, %get3A_169] {strides = array<i32>} : memref<79x128xi32, #tpu.memory_space<vmem>>, vector<16xi32>,
    tpu.vector_store_idx %arg12[%iota3A, %get3A_170], %broadcast_in_dim3A_12 {add = true} : memref<16x1040xf32, #tpu.memory_space<vmem>>[vector<16xi32>, vector<16xi32>], vector<16xf32>,
    %get3A_171 = arith.constant 73 : i32
    %get3A_172 = arith.index_cast %get3A_171 : i32 to index
    %get3A_173 = arith.constant 48 : index
    %get3A_174 = tpu.vector_load %arg7[%get3A_172, %get3A_173] {strides = array<i32>} : memref<79x128xi32, #tpu.memory_space<vmem>>, vector<16xi32>,
    tpu.vector_store_idx %arg12[%iota3A, %get3A_174], %broadcast_in_dim3A_12 {add = true} : memref<16x1040xf32, #tpu.memory_space<vmem>>[vector<16xi32>, vector<16xi32>], vector<16xf32>,
    %get3A_175 = arith.constant 73 : i32
    %get3A_176 = arith.index_cast %get3A_175 : i32 to index
    %get3A_177 = arith.constant 64 : index
    %get3A_178 = tpu.vector_load %arg7[%get3A_176, %get3A_177] {strides = array<i32>} : memref<79x128xi32, #tpu.memory_space<vmem>>, vector<16xi32>,
    tpu.vector_store_idx %arg12[%iota3A, %get3A_178], %broadcast_in_dim3A_12 {add = true} : memref<16x1040xf32, #tpu.memory_space<vmem>>[vector<16xi32>, vector<16xi32>], vector<16xf32>,
    %get3A_179 = arith.constant 73 : i32
    %get3A_180 = arith.index_cast %get3A_179 : i32 to index
    %get3A_181 = arith.constant 80 : index
    %get3A_182 = tpu.vector_load %arg7[%get3A_180, %get3A_181] {strides = array<i32>} : memref<79x128xi32, #tpu.memory_space<vmem>>, vector<16xi32>,
    tpu.vector_store_idx %arg12[%iota3A, %get3A_182], %broadcast_in_dim3A_12 {add = true} : memref<16x1040xf32, #tpu.memory_space<vmem>>[vector<16xi32>, vector<16xi32>], vector<16xf32>,
    %get3A_183 = arith.constant 73 : i32
    %get3A_184 = arith.index_cast %get3A_183 : i32 to index
    %get3A_185 = arith.constant 96 : index
    %get3A_186 = tpu.vector_load %arg7[%get3A_184, %get3A_185] {strides = array<i32>} : memref<79x128xi32, #tpu.memory_space<vmem>>, vector<16xi32>,
    tpu.vector_store_idx %arg12[%iota3A, %get3A_186], %broadcast_in_dim3A_12 {add = true} : memref<16x1040xf32, #tpu.memory_space<vmem>>[vector<16xi32>, vector<16xi32>], vector<16xf32>,
    %get3A_187 = arith.constant 73 : i32
    %get3A_188 = arith.index_cast %get3A_187 : i32 to index
    %get3A_189 = arith.constant 112 : index
    %get3A_190 = tpu.vector_load %arg7[%get3A_188, %get3A_189] {strides = array<i32>} : memref<79x128xi32, #tpu.memory_space<vmem>>, vector<16xi32>,
    tpu.vector_store_idx %arg12[%iota3A, %get3A_190], %broadcast_in_dim3A_12 {add = true} : memref<16x1040xf32, #tpu.memory_space<vmem>>[vector<16xi32>, vector<16xi32>], vector<16xf32>,
    %dma_wait3A_191 = arith.constant 73 : i32
    %dma_wait3A_192 = arith.constant 0 : i32
    %dma_wait3A_193 = tpu.memref_slice %arg7[%dma_wait3A_191, %dma_wait3A_192] : memref<79x128xi32, #tpu.memory_space<vmem>> -> memref<1x128xi32, #tpu.memory_space<vmem>>
    %dma_wait3A_194 = tpu.memref_squeeze %dma_wait3A_193 : memref<1x128xi32, #tpu.memory_space<vmem>> -> memref<128xi32, #tpu.memory_space<vmem>>
    %dma_wait3A_195 = arith.constant 0 : i32
    %dma_wait3A_196 = arith.constant 0 : i32
    %dma_wait3A_197 = tpu.memref_slice %arg13[%dma_wait3A_195, %dma_wait3A_196] : memref<1032x128xf32, #tpu.memory_space<vmem_shared>> -> memref<1032x128xf32, #tpu.memory_space<vmem_shared>>
    tpu.wait_indirect_dma semaphore(%arg15 : memref<!tpu.dma_semaphore, #tpu.memory_space<semaphore_mem>>) src(%arg9 : memref<128x128xf32, #tpu.memory_space<vmem>>) dst(%dma_wait3A_197 : memref<1032x128xf32, #tpu.memory_space<vmem_shared>>)
    %add3A_198 = arith.constant 9728 : i32
    %add3A_199 = arith.addi %mul3A_10, %add3A_198 : i32
    %dma_start3A_200 = arith.constant 0 : i32
    %dma_start3A_201 = arith.constant 0 : i32
    %dma_start3A_202 = arith.constant 0 : i32
    %dma_start3A_203 = tpu.memref_slice %arg8[%dma_start3A_201, %dma_start3A_202] : memref<128x128xf32, #tpu.memory_space<vmem>> -> memref<128x128xf32, #tpu.memory_space<vmem>>
    %dma_start3A_204 = arith.constant 0 : i32
    %dma_start3A_205 = tpu.memref_slice %arg2[%add3A_199, %dma_start3A_204] : memref<320000x128xf32, #tpu.memory_space<hbm>> -> memref<128x128xf32, #tpu.memory_space<hbm>>
    %dma_start3A_206 = tpu.memref_slice %arg14[%dma_start3A_200] : memref<4x!tpu.dma_semaphore, #tpu.memory_space<semaphore_mem>> -> memref<1x!tpu.dma_semaphore, #tpu.memory_space<semaphore_mem>>
    %dma_start3A_207 = tpu.memref_squeeze %dma_start3A_206 : memref<1x!tpu.dma_semaphore, #tpu.memory_space<semaphore_mem>> -> memref<!tpu.dma_semaphore, #tpu.memory_space<semaphore_mem>>
    %dma_start3A_208 = arith.constant 0 : i32
    %dma_start3A_209 = arith.constant 0 : i32
    %dma_start3A_210 = tpu.memref_slice %arg8[%dma_start3A_208, %dma_start3A_209] : memref<128x128xf32, #tpu.memory_space<vmem>> -> memref<128x128xf32, #tpu.memory_space<vmem>>
    %dma_start3A_211 = arith.constant 0 : i32
    %dma_start3A_212 = tpu.memref_slice %arg2[%add3A_199, %dma_start3A_211] : memref<320000x128xf32, #tpu.memory_space<hbm>> -> memref<128x128xf32, #tpu.memory_space<hbm>>
    tpu.enqueue_dma source(%dma_start3A_212 : memref<128x128xf32, #tpu.memory_space<hbm>>) target(%dma_start3A_210 : memref<128x128xf32, #tpu.memory_space<vmem>>) target_semaphore(%dma_start3A_207 : memref<!tpu.dma_semaphore, #tpu.memory_space<semaphore_mem>>)
    %add3A_213 = arith.constant 9472 : i32
    %add3A_214 = arith.addi %mul3A_10, %add3A_213 : i32
    %dma_wait3A_215 = arith.constant 2 : i32
    %dma_wait3A_216 = arith.constant 0 : i32
    %dma_wait3A_217 = arith.constant 0 : i32
    %dma_wait3A_218 = tpu.memref_slice %arg10[%dma_wait3A_216, %dma_wait3A_217] : memref<128x128xf32, #tpu.memory_space<vmem>> -> memref<128x128xf32, #tpu.memory_space<vmem>>
    %dma_wait3A_219 = arith.constant 0 : i32
    %dma_wait3A_220 = tpu.memref_slice %arg2[%add3A_214, %dma_wait3A_219] : memref<320000x128xf32, #tpu.memory_space<hbm>> -> memref<128x128xf32, #tpu.memory_space<hbm>>
    %dma_wait3A_221 = tpu.memref_slice %arg14[%dma_wait3A_215] : memref<4x!tpu.dma_semaphore, #tpu.memory_space<semaphore_mem>> -> memref<1x!tpu.dma_semaphore, #tpu.memory_space<semaphore_mem>>
    %dma_wait3A_222 = tpu.memref_squeeze %dma_wait3A_221 : memref<1x!tpu.dma_semaphore, #tpu.memory_space<semaphore_mem>> -> memref<!tpu.dma_semaphore, #tpu.memory_space<semaphore_mem>>
    %dma_wait3A_223 = arith.constant 0 : i32
    %dma_wait3A_224 = arith.constant 0 : i32
    %dma_wait3A_225 = tpu.memref_slice %arg10[%dma_wait3A_223, %dma_wait3A_224] : memref<128x128xf32, #tpu.memory_space<vmem>> -> memref<128x128xf32, #tpu.memory_space<vmem>>
    %dma_wait3A_226 = arith.constant 0 : i32
    %dma_wait3A_227 = tpu.memref_slice %arg2[%add3A_214, %dma_wait3A_226] : memref<320000x128xf32, #tpu.memory_space<hbm>> -> memref<128x128xf32, #tpu.memory_space<hbm>>
    tpu.wait_dma2 semaphore(%dma_wait3A_222 : memref<!tpu.dma_semaphore, #tpu.memory_space<semaphore_mem>>) src(%dma_wait3A_227 : memref<128x128xf32, #tpu.memory_space<hbm>>) dst(%dma_wait3A_225 : memref<128x128xf32, #tpu.memory_space<vmem>>)
    %dma_start3A_228 = arith.constant 74 : i32
    %dma_start3A_229 = arith.constant 0 : i32
    %dma_start3A_230 = tpu.memref_slice %arg7[%dma_start3A_228, %dma_start3A_229] : memref<79x128xi32, #tpu.memory_space<vmem>> -> memref<1x128xi32, #tpu.memory_space<vmem>>
    %dma_start3A_231 = tpu.memref_squeeze %dma_start3A_230 : memref<1x128xi32, #tpu.memory_space<vmem>> -> memref<128xi32, #tpu.memory_space<vmem>>
    %dma_start3A_232 = arith.constant 0 : i32
    %dma_start3A_233 = arith.constant 0 : i32
    %dma_start3A_234 = tpu.memref_slice %arg13[%dma_start3A_232, %dma_start3A_233] : memref<1032x128xf32, #tpu.memory_space<vmem_shared>> -> memref<1032x128xf32, #tpu.memory_space<vmem_shared>>
    tpu.enqueue_indirect_dma source(%arg10 : memref<128x128xf32, #tpu.memory_space<vmem>>) target(%dma_start3A_234 : memref<1032x128xf32, #tpu.memory_space<vmem_shared>>) offsets(%dma_start3A_231 : memref<128xi32, #tpu.memory_space<vmem>>) semaphore(%arg15 : memref<!tpu.dma_semaphore, #tpu.memory_space<semaphore_mem>>) {add = true}
    %get3A_235 = arith.constant 74 : i32
    %get3A_236 = arith.index_cast %get3A_235 : i32 to index
    %get3A_237 = arith.constant 0 : index
    %get3A_238 = tpu.vector_load %arg7[%get3A_236, %get3A_237] {strides = array<i32>} : memref<79x128xi32, #tpu.memory_space<vmem>>, vector<16xi32>,
    tpu.vector_store_idx %arg12[%iota3A, %get3A_238], %broadcast_in_dim3A_12 {add = true} : memref<16x1040xf32, #tpu.memory_space<vmem>>[vector<16xi32>, vector<16xi32>], vector<16xf32>,
    %get3A_239 = arith.constant 74 : i32
    %get3A_240 = arith.index_cast %get3A_239 : i32 to index
    %get3A_241 = arith.constant 16 : index
    %get3A_242 = tpu.vector_load %arg7[%get3A_240, %get3A_241] {strides = array<i32>} : memref<79x128xi32, #tpu.memory_space<vmem>>, vector<16xi32>,
    tpu.vector_store_idx %arg12[%iota3A, %get3A_242], %broadcast_in_dim3A_12 {add = true} : memref<16x1040xf32, #tpu.memory_space<vmem>>[vector<16xi32>, vector<16xi32>], vector<16xf32>,
    %get3A_243 = arith.constant 74 : i32
    %get3A_244 = arith.index_cast %get3A_243 : i32 to index
    %get3A_245 = arith.constant 32 : index
    %get3A_246 = tpu.vector_load %arg7[%get3A_244, %get3A_245] {strides = array<i32>} : memref<79x128xi32, #tpu.memory_space<vmem>>, vector<16xi32>,
    tpu.vector_store_idx %arg12[%iota3A, %get3A_246], %broadcast_in_dim3A_12 {add = true} : memref<16x1040xf32, #tpu.memory_space<vmem>>[vector<16xi32>, vector<16xi32>], vector<16xf32>,
    %get3A_247 = arith.constant 74 : i32
    %get3A_248 = arith.index_cast %get3A_247 : i32 to index
    %get3A_249 = arith.constant 48 : index
    %get3A_250 = tpu.vector_load %arg7[%get3A_248, %get3A_249] {strides = array<i32>} : memref<79x128xi32, #tpu.memory_space<vmem>>, vector<16xi32>,
    tpu.vector_store_idx %arg12[%iota3A, %get3A_250], %broadcast_in_dim3A_12 {add = true} : memref<16x1040xf32, #tpu.memory_space<vmem>>[vector<16xi32>, vector<16xi32>], vector<16xf32>,
    %get3A_251 = arith.constant 74 : i32
    %get3A_252 = arith.index_cast %get3A_251 : i32 to index
    %get3A_253 = arith.constant 64 : index
    %get3A_254 = tpu.vector_load %arg7[%get3A_252, %get3A_253] {strides = array<i32>} : memref<79x128xi32, #tpu.memory_space<vmem>>, vector<16xi32>,
    tpu.vector_store_idx %arg12[%iota3A, %get3A_254], %broadcast_in_dim3A_12 {add = true} : memref<16x1040xf32, #tpu.memory_space<vmem>>[vector<16xi32>, vector<16xi32>], vector<16xf32>,
    %get3A_255 = arith.constant 74 : i32
    %get3A_256 = arith.index_cast %get3A_255 : i32 to index
    %get3A_257 = arith.constant 80 : index
    %get3A_258 = tpu.vector_load %arg7[%get3A_256, %get3A_257] {strides = array<i32>} : memref<79x128xi32, #tpu.memory_space<vmem>>, vector<16xi32>,
    tpu.vector_store_idx %arg12[%iota3A, %get3A_258], %broadcast_in_dim3A_12 {add = true} : memref<16x1040xf32, #tpu.memory_space<vmem>>[vector<16xi32>, vector<16xi32>], vector<16xf32>,
    %get3A_259 = arith.constant 74 : i32
    %get3A_260 = arith.index_cast %get3A_259 : i32 to index
    %get3A_261 = arith.constant 96 : index
    %get3A_262 = tpu.vector_load %arg7[%get3A_260, %get3A_261] {strides = array<i32>} : memref<79x128xi32, #tpu.memory_space<vmem>>, vector<16xi32>,
    tpu.vector_store_idx %arg12[%iota3A, %get3A_262], %broadcast_in_dim3A_12 {add = true} : memref<16x1040xf32, #tpu.memory_space<vmem>>[vector<16xi32>, vector<16xi32>], vector<16xf32>,
    %get3A_263 = arith.constant 74 : i32
    %get3A_264 = arith.index_cast %get3A_263 : i32 to index
    %get3A_265 = arith.constant 112 : index
    %get3A_266 = tpu.vector_load %arg7[%get3A_264, %get3A_265] {strides = array<i32>} : memref<79x128xi32, #tpu.memory_space<vmem>>, vector<16xi32>,
    tpu.vector_store_idx %arg12[%iota3A, %get3A_266], %broadcast_in_dim3A_12 {add = true} : memref<16x1040xf32, #tpu.memory_space<vmem>>[vector<16xi32>, vector<16xi32>], vector<16xf32>,
    %dma_wait3A_267 = arith.constant 74 : i32
    %dma_wait3A_268 = arith.constant 0 : i32
    %dma_wait3A_269 = tpu.memref_slice %arg7[%dma_wait3A_267, %dma_wait3A_268] : memref<79x128xi32, #tpu.memory_space<vmem>> -> memref<1x128xi32, #tpu.memory_space<vmem>>
    %dma_wait3A_270 = tpu.memref_squeeze %dma_wait3A_269 : memref<1x128xi32, #tpu.memory_space<vmem>> -> memref<128xi32, #tpu.memory_space<vmem>>
    %dma_wait3A_271 = arith.constant 0 : i32
    %dma_wait3A_272 = arith.constant 0 : i32
    %dma_wait3A_273 = tpu.memref_slice %arg13[%dma_wait3A_271, %dma_wait3A_272] : memref<1032x128xf32, #tpu.memory_space<vmem_shared>> -> memref<1032x128xf32, #tpu.memory_space<vmem_shared>>
    tpu.wait_indirect_dma semaphore(%arg15 : memref<!tpu.dma_semaphore, #tpu.memory_space<semaphore_mem>>) src(%arg10 : memref<128x128xf32, #tpu.memory_space<vmem>>) dst(%dma_wait3A_273 : memref<1032x128xf32, #tpu.memory_space<vmem_shared>>)
    %add3A_274 = arith.constant 9856 : i32
    %add3A_275 = arith.addi %mul3A_10, %add3A_274 : i32
    %dma_start3A_276 = arith.constant 1 : i32
    %dma_start3A_277 = arith.constant 0 : i32
    %dma_start3A_278 = arith.constant 0 : i32
    %dma_start3A_279 = tpu.memref_slice %arg9[%dma_start3A_277, %dma_start3A_278] : memref<128x128xf32, #tpu.memory_space<vmem>> -> memref<128x128xf32, #tpu.memory_space<vmem>>
    %dma_start3A_280 = arith.constant 0 : i32
    %dma_start3A_281 = tpu.memref_slice %arg2[%add3A_275, %dma_start3A_280] : memref<320000x128xf32, #tpu.memory_space<hbm>> -> memref<128x128xf32, #tpu.memory_space<hbm>>
    %dma_start3A_282 = tpu.memref_slice %arg14[%dma_start3A_276] : memref<4x!tpu.dma_semaphore, #tpu.memory_space<semaphore_mem>> -> memref<1x!tpu.dma_semaphore, #tpu.memory_space<semaphore_mem>>
    %dma_start3A_283 = tpu.memref_squeeze %dma_start3A_282 : memref<1x!tpu.dma_semaphore, #tpu.memory_space<semaphore_mem>> -> memref<!tpu.dma_semaphore, #tpu.memory_space<semaphore_mem>>
    %dma_start3A_284 = arith.constant 0 : i32
    %dma_start3A_285 = arith.constant 0 : i32
    %dma_start3A_286 = tpu.memref_slice %arg9[%dma_start3A_284, %dma_start3A_285] : memref<128x128xf32, #tpu.memory_space<vmem>> -> memref<128x128xf32, #tpu.memory_space<vmem>>
    %dma_start3A_287 = arith.constant 0 : i32
    %dma_start3A_288 = tpu.memref_slice %arg2[%add3A_275, %dma_start3A_287] : memref<320000x128xf32, #tpu.memory_space<hbm>> -> memref<128x128xf32, #tpu.memory_space<hbm>>
    tpu.enqueue_dma source(%dma_start3A_288 : memref<128x128xf32, #tpu.memory_space<hbm>>) target(%dma_start3A_286 : memref<128x128xf32, #tpu.memory_space<vmem>>) target_semaphore(%dma_start3A_283 : memref<!tpu.dma_semaphore, #tpu.memory_space<semaphore_mem>>)
    %add3A_289 = arith.constant 9600 : i32
    %add3A_290 = arith.addi %mul3A_10, %add3A_289 : i32
    %dma_wait3A_291 = arith.constant 3 : i32
    %dma_wait3A_292 = arith.constant 0 : i32
    %dma_wait3A_293 = arith.constant 0 : i32
    %dma_wait3A_294 = tpu.memref_slice %arg11[%dma_wait3A_292, %dma_wait3A_293] : memref<128x128xf32, #tpu.memory_space<vmem>> -> memref<128x128xf32, #tpu.memory_space<vmem>>
    %dma_wait3A_295 = arith.constant 0 : i32
    %dma_wait3A_296 = tpu.memref_slice %arg2[%add3A_290, %dma_wait3A_295] : memref<320000x128xf32, #tpu.memory_space<hbm>> -> memref<128x128xf32, #tpu.memory_space<hbm>>
    %dma_wait3A_297 = tpu.memref_slice %arg14[%dma_wait3A_291] : memref<4x!tpu.dma_semaphore, #tpu.memory_space<semaphore_mem>> -> memref<1x!tpu.dma_semaphore, #tpu.memory_space<semaphore_mem>>
    %dma_wait3A_298 = tpu.memref_squeeze %dma_wait3A_297 : memref<1x!tpu.dma_semaphore, #tpu.memory_space<semaphore_mem>> -> memref<!tpu.dma_semaphore, #tpu.memory_space<semaphore_mem>>
    %dma_wait3A_299 = arith.constant 0 : i32
    %dma_wait3A_300 = arith.constant 0 : i32
    %dma_wait3A_301 = tpu.memref_slice %arg11[%dma_wait3A_299, %dma_wait3A_300] : memref<128x128xf32, #tpu.memory_space<vmem>> -> memref<128x128xf32, #tpu.memory_space<vmem>>
    %dma_wait3A_302 = arith.constant 0 : i32
    %dma_wait3A_303 = tpu.memref_slice %arg2[%add3A_290, %dma_wait3A_302] : memref<320000x128xf32, #tpu.memory_space<hbm>> -> memref<128x128xf32, #tpu.memory_space<hbm>>
    tpu.wait_dma2 semaphore(%dma_wait3A_298 : memref<!tpu.dma_semaphore, #tpu.memory_space<semaphore_mem>>) src(%dma_wait3A_303 : memref<128x128xf32, #tpu.memory_space<hbm>>) dst(%dma_wait3A_301 : memref<128x128xf32, #tpu.memory_space<vmem>>)
    %dma_start3A_304 = arith.constant 75 : i32
    %dma_start3A_305 = arith.constant 0 : i32
    %dma_start3A_306 = tpu.memref_slice %arg7[%dma_start3A_304, %dma_start3A_305] : memref<79x128xi32, #tpu.memory_space<vmem>> -> memref<1x128xi32, #tpu.memory_space<vmem>>
    %dma_start3A_307 = tpu.memref_squeeze %dma_start3A_306 : memref<1x128xi32, #tpu.memory_space<vmem>> -> memref<128xi32, #tpu.memory_space<vmem>>
    %dma_start3A_308 = arith.constant 0 : i32
    %dma_start3A_309 = arith.constant 0 : i32
    %dma_start3A_310 = tpu.memref_slice %arg13[%dma_start3A_308, %dma_start3A_309] : memref<1032x128xf32, #tpu.memory_space<vmem_shared>> -> memref<1032x128xf32, #tpu.memory_space<vmem_shared>>
    tpu.enqueue_indirect_dma source(%arg11 : memref<128x128xf32, #tpu.memory_space<vmem>>) target(%dma_start3A_310 : memref<1032x128xf32, #tpu.memory_space<vmem_shared>>) offsets(%dma_start3A_307 : memref<128xi32, #tpu.memory_space<vmem>>) semaphore(%arg15 : memref<!tpu.dma_semaphore, #tpu.memory_space<semaphore_mem>>) {add = true}
    %get3A_311 = arith.constant 75 : i32
    %get3A_312 = arith.index_cast %get3A_311 : i32 to index
    %get3A_313 = arith.constant 0 : index
    %get3A_314 = tpu.vector_load %arg7[%get3A_312, %get3A_313] {strides = array<i32>} : memref<79x128xi32, #tpu.memory_space<vmem>>, vector<16xi32>,
    tpu.vector_store_idx %arg12[%iota3A, %get3A_314], %broadcast_in_dim3A_12 {add = true} : memref<16x1040xf32, #tpu.memory_space<vmem>>[vector<16xi32>, vector<16xi32>], vector<16xf32>,
    %get3A_315 = arith.constant 75 : i32
    %get3A_316 = arith.index_cast %get3A_315 : i32 to index
    %get3A_317 = arith.constant 16 : index
    %get3A_318 = tpu.vector_load %arg7[%get3A_316, %get3A_317] {strides = array<i32>} : memref<79x128xi32, #tpu.memory_space<vmem>>, vector<16xi32>,
    tpu.vector_store_idx %arg12[%iota3A, %get3A_318], %broadcast_in_dim3A_12 {add = true} : memref<16x1040xf32, #tpu.memory_space<vmem>>[vector<16xi32>, vector<16xi32>], vector<16xf32>,
    %get3A_319 = arith.constant 75 : i32
    %get3A_320 = arith.index_cast %get3A_319 : i32 to index
    %get3A_321 = arith.constant 32 : index
    %get3A_322 = tpu.vector_load %arg7[%get3A_320, %get3A_321] {strides = array<i32>} : memref<79x128xi32, #tpu.memory_space<vmem>>, vector<16xi32>,
    tpu.vector_store_idx %arg12[%iota3A, %get3A_322], %broadcast_in_dim3A_12 {add = true} : memref<16x1040xf32, #tpu.memory_space<vmem>>[vector<16xi32>, vector<16xi32>], vector<16xf32>,
    %get3A_323 = arith.constant 75 : i32
    %get3A_324 = arith.index_cast %get3A_323 : i32 to index
    %get3A_325 = arith.constant 48 : index
    %get3A_326 = tpu.vector_load %arg7[%get3A_324, %get3A_325] {strides = array<i32>} : memref<79x128xi32, #tpu.memory_space<vmem>>, vector<16xi32>,
    tpu.vector_store_idx %arg12[%iota3A, %get3A_326], %broadcast_in_dim3A_12 {add = true} : memref<16x1040xf32, #tpu.memory_space<vmem>>[vector<16xi32>, vector<16xi32>], vector<16xf32>,
    %get3A_327 = arith.constant 75 : i32
    %get3A_328 = arith.index_cast %get3A_327 : i32 to index
    %get3A_329 = arith.constant 64 : index
    %get3A_330 = tpu.vector_load %arg7[%get3A_328, %get3A_329] {strides = array<i32>} : memref<79x128xi32, #tpu.memory_space<vmem>>, vector<16xi32>,
    tpu.vector_store_idx %arg12[%iota3A, %get3A_330], %broadcast_in_dim3A_12 {add = true} : memref<16x1040xf32, #tpu.memory_space<vmem>>[vector<16xi32>, vector<16xi32>], vector<16xf32>,
    %get3A_331 = arith.constant 75 : i32
    %get3A_332 = arith.index_cast %get3A_331 : i32 to index
    %get3A_333 = arith.constant 80 : index
    %get3A_334 = tpu.vector_load %arg7[%get3A_332, %get3A_333] {strides = array<i32>} : memref<79x128xi32, #tpu.memory_space<vmem>>, vector<16xi32>,
    tpu.vector_store_idx %arg12[%iota3A, %get3A_334], %broadcast_in_dim3A_12 {add = true} : memref<16x1040xf32, #tpu.memory_space<vmem>>[vector<16xi32>, vector<16xi32>], vector<16xf32>,
    %get3A_335 = arith.constant 75 : i32
    %get3A_336 = arith.index_cast %get3A_335 : i32 to index
    %get3A_337 = arith.constant 96 : index
    %get3A_338 = tpu.vector_load %arg7[%get3A_336, %get3A_337] {strides = array<i32>} : memref<79x128xi32, #tpu.memory_space<vmem>>, vector<16xi32>,
    tpu.vector_store_idx %arg12[%iota3A, %get3A_338], %broadcast_in_dim3A_12 {add = true} : memref<16x1040xf32, #tpu.memory_space<vmem>>[vector<16xi32>, vector<16xi32>], vector<16xf32>,
    %get3A_339 = arith.constant 75 : i32
    %get3A_340 = arith.index_cast %get3A_339 : i32 to index
    %get3A_341 = arith.constant 112 : index
    %get3A_342 = tpu.vector_load %arg7[%get3A_340, %get3A_341] {strides = array<i32>} : memref<79x128xi32, #tpu.memory_space<vmem>>, vector<16xi32>,
    tpu.vector_store_idx %arg12[%iota3A, %get3A_342], %broadcast_in_dim3A_12 {add = true} : memref<16x1040xf32, #tpu.memory_space<vmem>>[vector<16xi32>, vector<16xi32>], vector<16xf32>,
    %dma_wait3A_343 = arith.constant 75 : i32
    %dma_wait3A_344 = arith.constant 0 : i32
    %dma_wait3A_345 = tpu.memref_slice %arg7[%dma_wait3A_343, %dma_wait3A_344] : memref<79x128xi32, #tpu.memory_space<vmem>> -> memref<1x128xi32, #tpu.memory_space<vmem>>
    %dma_wait3A_346 = tpu.memref_squeeze %dma_wait3A_345 : memref<1x128xi32, #tpu.memory_space<vmem>> -> memref<128xi32, #tpu.memory_space<vmem>>
    %dma_wait3A_347 = arith.constant 0 : i32
    %dma_wait3A_348 = arith.constant 0 : i32
    %dma_wait3A_349 = tpu.memref_slice %arg13[%dma_wait3A_347, %dma_wait3A_348] : memref<1032x128xf32, #tpu.memory_space<vmem_shared>> -> memref<1032x128xf32, #tpu.memory_space<vmem_shared>>
    tpu.wait_indirect_dma semaphore(%arg15 : memref<!tpu.dma_semaphore, #tpu.memory_space<semaphore_mem>>) src(%arg11 : memref<128x128xf32, #tpu.memory_space<vmem>>) dst(%dma_wait3A_349 : memref<1032x128xf32, #tpu.memory_space<vmem_shared>>)
    %add3A_350 = arith.constant 9984 : i32
    %add3A_351 = arith.addi %mul3A_10, %add3A_350 : i32
    %dma_start3A_352 = arith.constant 2 : i32
    %dma_start3A_353 = arith.constant 0 : i32
    %dma_start3A_354 = arith.constant 0 : i32
    %dma_start3A_355 = tpu.memref_slice %arg10[%dma_start3A_353, %dma_start3A_354] : memref<128x128xf32, #tpu.memory_space<vmem>> -> memref<16x128xf32, #tpu.memory_space<vmem>>
    %dma_start3A_356 = arith.constant 0 : i32
    %dma_start3A_357 = tpu.memref_slice %arg2[%add3A_351, %dma_start3A_356] : memref<320000x128xf32, #tpu.memory_space<hbm>> -> memref<16x128xf32, #tpu.memory_space<hbm>>
    %dma_start3A_358 = tpu.memref_slice %arg14[%dma_start3A_352] : memref<4x!tpu.dma_semaphore, #tpu.memory_space<semaphore_mem>> -> memref<1x!tpu.dma_semaphore, #tpu.memory_space<semaphore_mem>>
    %dma_start3A_359 = tpu.memref_squeeze %dma_start3A_358 : memref<1x!tpu.dma_semaphore, #tpu.memory_space<semaphore_mem>> -> memref<!tpu.dma_semaphore, #tpu.memory_space<semaphore_mem>>
    %dma_start3A_360 = arith.constant 0 : i32
    %dma_start3A_361 = arith.constant 0 : i32
    %dma_start3A_362 = tpu.memref_slice %arg10[%dma_start3A_360, %dma_start3A_361] : memref<128x128xf32, #tpu.memory_space<vmem>> -> memref<16x128xf32, #tpu.memory_space<vmem>>
    %dma_start3A_363 = arith.constant 0 : i32
    %dma_start3A_364 = tpu.memref_slice %arg2[%add3A_351, %dma_start3A_363] : memref<320000x128xf32, #tpu.memory_space<hbm>> -> memref<16x128xf32, #tpu.memory_space<hbm>>
    tpu.enqueue_dma source(%dma_start3A_364 : memref<16x128xf32, #tpu.memory_space<hbm>>) target(%dma_start3A_362 : memref<16x128xf32, #tpu.memory_space<vmem>>) target_semaphore(%dma_start3A_359 : memref<!tpu.dma_semaphore, #tpu.memory_space<semaphore_mem>>)
    %add3A_365 = arith.constant 9728 : i32
    %add3A_366 = arith.addi %mul3A_10, %add3A_365 : i32
    %dma_wait3A_367 = arith.constant 0 : i32
    %dma_wait3A_368 = arith.constant 0 : i32
    %dma_wait3A_369 = arith.constant 0 : i32
    %dma_wait3A_370 = tpu.memref_slice %arg8[%dma_wait3A_368, %dma_wait3A_369] : memref<128x128xf32, #tpu.memory_space<vmem>> -> memref<128x128xf32, #tpu.memory_space<vmem>>
    %dma_wait3A_371 = arith.constant 0 : i32
    %dma_wait3A_372 = tpu.memref_slice %arg2[%add3A_366, %dma_wait3A_371] : memref<320000x128xf32, #tpu.memory_space<hbm>> -> memref<128x128xf32, #tpu.memory_space<hbm>>
    %dma_wait3A_373 = tpu.memref_slice %arg14[%dma_wait3A_367] : memref<4x!tpu.dma_semaphore, #tpu.memory_space<semaphore_mem>> -> memref<1x!tpu.dma_semaphore, #tpu.memory_space<semaphore_mem>>
    %dma_wait3A_374 = tpu.memref_squeeze %dma_wait3A_373 : memref<1x!tpu.dma_semaphore, #tpu.memory_space<semaphore_mem>> -> memref<!tpu.dma_semaphore, #tpu.memory_space<semaphore_mem>>
    %dma_wait3A_375 = arith.constant 0 : i32
    %dma_wait3A_376 = arith.constant 0 : i32
    %dma_wait3A_377 = tpu.memref_slice %arg8[%dma_wait3A_375, %dma_wait3A_376] : memref<128x128xf32, #tpu.memory_space<vmem>> -> memref<128x128xf32, #tpu.memory_space<vmem>>
    %dma_wait3A_378 = arith.constant 0 : i32
    %dma_wait3A_379 = tpu.memref_slice %arg2[%add3A_366, %dma_wait3A_378] : memref<320000x128xf32, #tpu.memory_space<hbm>> -> memref<128x128xf32, #tpu.memory_space<hbm>>
    tpu.wait_dma2 semaphore(%dma_wait3A_374 : memref<!tpu.dma_semaphore, #tpu.memory_space<semaphore_mem>>) src(%dma_wait3A_379 : memref<128x128xf32, #tpu.memory_space<hbm>>) dst(%dma_wait3A_377 : memref<128x128xf32, #tpu.memory_space<vmem>>)
    %dma_start3A_380 = arith.constant 76 : i32
    %dma_start3A_381 = arith.constant 0 : i32
    %dma_start3A_382 = tpu.memref_slice %arg7[%dma_start3A_380, %dma_start3A_381] : memref<79x128xi32, #tpu.memory_space<vmem>> -> memref<1x128xi32, #tpu.memory_space<vmem>>
    %dma_start3A_383 = tpu.memref_squeeze %dma_start3A_382 : memref<1x128xi32, #tpu.memory_space<vmem>> -> memref<128xi32, #tpu.memory_space<vmem>>
    %dma_start3A_384 = arith.constant 0 : i32
    %dma_start3A_385 = arith.constant 0 : i32
    %dma_start3A_386 = tpu.memref_slice %arg13[%dma_start3A_384, %dma_start3A_385] : memref<1032x128xf32, #tpu.memory_space<vmem_shared>> -> memref<1032x128xf32, #tpu.memory_space<vmem_shared>>
    tpu.enqueue_indirect_dma source(%arg8 : memref<128x128xf32, #tpu.memory_space<vmem>>) target(%dma_start3A_386 : memref<1032x128xf32, #tpu.memory_space<vmem_shared>>) offsets(%dma_start3A_383 : memref<128xi32, #tpu.memory_space<vmem>>) semaphore(%arg15 : memref<!tpu.dma_semaphore, #tpu.memory_space<semaphore_mem>>) {add = true}
    %get3A_387 = arith.constant 76 : i32
    %get3A_388 = arith.index_cast %get3A_387 : i32 to index
    %get3A_389 = arith.constant 0 : index
    %get3A_390 = tpu.vector_load %arg7[%get3A_388, %get3A_389] {strides = array<i32>} : memref<79x128xi32, #tpu.memory_space<vmem>>, vector<16xi32>,
    tpu.vector_store_idx %arg12[%iota3A, %get3A_390], %broadcast_in_dim3A_12 {add = true} : memref<16x1040xf32, #tpu.memory_space<vmem>>[vector<16xi32>, vector<16xi32>], vector<16xf32>,
    %get3A_391 = arith.constant 76 : i32
    %get3A_392 = arith.index_cast %get3A_391 : i32 to index
    %get3A_393 = arith.constant 16 : index
    %get3A_394 = tpu.vector_load %arg7[%get3A_392, %get3A_393] {strides = array<i32>} : memref<79x128xi32, #tpu.memory_space<vmem>>, vector<16xi32>,
    tpu.vector_store_idx %arg12[%iota3A, %get3A_394], %broadcast_in_dim3A_12 {add = true} : memref<16x1040xf32, #tpu.memory_space<vmem>>[vector<16xi32>, vector<16xi32>], vector<16xf32>,
    %get3A_395 = arith.constant 76 : i32
    %get3A_396 = arith.index_cast %get3A_395 : i32 to index
    %get3A_397 = arith.constant 32 : index
    %get3A_398 = tpu.vector_load %arg7[%get3A_396, %get3A_397] {strides = array<i32>} : memref<79x128xi32, #tpu.memory_space<vmem>>, vector<16xi32>,
    tpu.vector_store_idx %arg12[%iota3A, %get3A_398], %broadcast_in_dim3A_12 {add = true} : memref<16x1040xf32, #tpu.memory_space<vmem>>[vector<16xi32>, vector<16xi32>], vector<16xf32>,
    %get3A_399 = arith.constant 76 : i32
    %get3A_400 = arith.index_cast %get3A_399 : i32 to index
    %get3A_401 = arith.constant 48 : index
    %get3A_402 = tpu.vector_load %arg7[%get3A_400, %get3A_401] {strides = array<i32>} : memref<79x128xi32, #tpu.memory_space<vmem>>, vector<16xi32>,
    tpu.vector_store_idx %arg12[%iota3A, %get3A_402], %broadcast_in_dim3A_12 {add = true} : memref<16x1040xf32, #tpu.memory_space<vmem>>[vector<16xi32>, vector<16xi32>], vector<16xf32>,
    %get3A_403 = arith.constant 76 : i32
    %get3A_404 = arith.index_cast %get3A_403 : i32 to index
    %get3A_405 = arith.constant 64 : index
    %get3A_406 = tpu.vector_load %arg7[%get3A_404, %get3A_405] {strides = array<i32>} : memref<79x128xi32, #tpu.memory_space<vmem>>, vector<16xi32>,
    tpu.vector_store_idx %arg12[%iota3A, %get3A_406], %broadcast_in_dim3A_12 {add = true} : memref<16x1040xf32, #tpu.memory_space<vmem>>[vector<16xi32>, vector<16xi32>], vector<16xf32>,
    %get3A_407 = arith.constant 76 : i32
    %get3A_408 = arith.index_cast %get3A_407 : i32 to index
    %get3A_409 = arith.constant 80 : index
    %get3A_410 = tpu.vector_load %arg7[%get3A_408, %get3A_409] {strides = array<i32>} : memref<79x128xi32, #tpu.memory_space<vmem>>, vector<16xi32>,
    tpu.vector_store_idx %arg12[%iota3A, %get3A_410], %broadcast_in_dim3A_12 {add = true} : memref<16x1040xf32, #tpu.memory_space<vmem>>[vector<16xi32>, vector<16xi32>], vector<16xf32>,
    %get3A_411 = arith.constant 76 : i32
    %get3A_412 = arith.index_cast %get3A_411 : i32 to index
    %get3A_413 = arith.constant 96 : index
    %get3A_414 = tpu.vector_load %arg7[%get3A_412, %get3A_413] {strides = array<i32>} : memref<79x128xi32, #tpu.memory_space<vmem>>, vector<16xi32>,
    tpu.vector_store_idx %arg12[%iota3A, %get3A_414], %broadcast_in_dim3A_12 {add = true} : memref<16x1040xf32, #tpu.memory_space<vmem>>[vector<16xi32>, vector<16xi32>], vector<16xf32>,
    %get3A_415 = arith.constant 76 : i32
    %get3A_416 = arith.index_cast %get3A_415 : i32 to index
    %get3A_417 = arith.constant 112 : index
    %get3A_418 = tpu.vector_load %arg7[%get3A_416, %get3A_417] {strides = array<i32>} : memref<79x128xi32, #tpu.memory_space<vmem>>, vector<16xi32>,
    tpu.vector_store_idx %arg12[%iota3A, %get3A_418], %broadcast_in_dim3A_12 {add = true} : memref<16x1040xf32, #tpu.memory_space<vmem>>[vector<16xi32>, vector<16xi32>], vector<16xf32>,
    %dma_wait3A_419 = arith.constant 76 : i32
    %dma_wait3A_420 = arith.constant 0 : i32
    %dma_wait3A_421 = tpu.memref_slice %arg7[%dma_wait3A_419, %dma_wait3A_420] : memref<79x128xi32, #tpu.memory_space<vmem>> -> memref<1x128xi32, #tpu.memory_space<vmem>>
    %dma_wait3A_422 = tpu.memref_squeeze %dma_wait3A_421 : memref<1x128xi32, #tpu.memory_space<vmem>> -> memref<128xi32, #tpu.memory_space<vmem>>
    %dma_wait3A_423 = arith.constant 0 : i32
    %dma_wait3A_424 = arith.constant 0 : i32
    %dma_wait3A_425 = tpu.memref_slice %arg13[%dma_wait3A_423, %dma_wait3A_424] : memref<1032x128xf32, #tpu.memory_space<vmem_shared>> -> memref<1032x128xf32, #tpu.memory_space<vmem_shared>>
    tpu.wait_indirect_dma semaphore(%arg15 : memref<!tpu.dma_semaphore, #tpu.memory_space<semaphore_mem>>) src(%arg8 : memref<128x128xf32, #tpu.memory_space<vmem>>) dst(%dma_wait3A_425 : memref<1032x128xf32, #tpu.memory_space<vmem_shared>>)
    %add3A_426 = arith.constant 9856 : i32
    %add3A_427 = arith.addi %mul3A_10, %add3A_426 : i32
    %dma_wait3A_428 = arith.constant 1 : i32
    %dma_wait3A_429 = arith.constant 0 : i32
    %dma_wait3A_430 = arith.constant 0 : i32
    %dma_wait3A_431 = tpu.memref_slice %arg9[%dma_wait3A_429, %dma_wait3A_430] : memref<128x128xf32, #tpu.memory_space<vmem>> -> memref<128x128xf32, #tpu.memory_space<vmem>>
    %dma_wait3A_432 = arith.constant 0 : i32
    %dma_wait3A_433 = tpu.memref_slice %arg2[%add3A_427, %dma_wait3A_432] : memref<320000x128xf32, #tpu.memory_space<hbm>> -> memref<128x128xf32, #tpu.memory_space<hbm>>
    %dma_wait3A_434 = tpu.memref_slice %arg14[%dma_wait3A_428] : memref<4x!tpu.dma_semaphore, #tpu.memory_space<semaphore_mem>> -> memref<1x!tpu.dma_semaphore, #tpu.memory_space<semaphore_mem>>
    %dma_wait3A_435 = tpu.memref_squeeze %dma_wait3A_434 : memref<1x!tpu.dma_semaphore, #tpu.memory_space<semaphore_mem>> -> memref<!tpu.dma_semaphore, #tpu.memory_space<semaphore_mem>>
    %dma_wait3A_436 = arith.constant 0 : i32
    %dma_wait3A_437 = arith.constant 0 : i32
    %dma_wait3A_438 = tpu.memref_slice %arg9[%dma_wait3A_436, %dma_wait3A_437] : memref<128x128xf32, #tpu.memory_space<vmem>> -> memref<128x128xf32, #tpu.memory_space<vmem>>
    %dma_wait3A_439 = arith.constant 0 : i32
    %dma_wait3A_440 = tpu.memref_slice %arg2[%add3A_427, %dma_wait3A_439] : memref<320000x128xf32, #tpu.memory_space<hbm>> -> memref<128x128xf32, #tpu.memory_space<hbm>>
    tpu.wait_dma2 semaphore(%dma_wait3A_435 : memref<!tpu.dma_semaphore, #tpu.memory_space<semaphore_mem>>) src(%dma_wait3A_440 : memref<128x128xf32, #tpu.memory_space<hbm>>) dst(%dma_wait3A_438 : memref<128x128xf32, #tpu.memory_space<vmem>>)
    %dma_start3A_441 = arith.constant 77 : i32
    %dma_start3A_442 = arith.constant 0 : i32
    %dma_start3A_443 = tpu.memref_slice %arg7[%dma_start3A_441, %dma_start3A_442] : memref<79x128xi32, #tpu.memory_space<vmem>> -> memref<1x128xi32, #tpu.memory_space<vmem>>
    %dma_start3A_444 = tpu.memref_squeeze %dma_start3A_443 : memref<1x128xi32, #tpu.memory_space<vmem>> -> memref<128xi32, #tpu.memory_space<vmem>>
    %dma_start3A_445 = arith.constant 0 : i32
    %dma_start3A_446 = arith.constant 0 : i32
    %dma_start3A_447 = tpu.memref_slice %arg13[%dma_start3A_445, %dma_start3A_446] : memref<1032x128xf32, #tpu.memory_space<vmem_shared>> -> memref<1032x128xf32, #tpu.memory_space<vmem_shared>>
    tpu.enqueue_indirect_dma source(%arg9 : memref<128x128xf32, #tpu.memory_space<vmem>>) target(%dma_start3A_447 : memref<1032x128xf32, #tpu.memory_space<vmem_shared>>) offsets(%dma_start3A_444 : memref<128xi32, #tpu.memory_space<vmem>>) semaphore(%arg15 : memref<!tpu.dma_semaphore, #tpu.memory_space<semaphore_mem>>) {add = true}
    %get3A_448 = arith.constant 77 : i32
    %get3A_449 = arith.index_cast %get3A_448 : i32 to index
    %get3A_450 = arith.constant 0 : index
    %get3A_451 = tpu.vector_load %arg7[%get3A_449, %get3A_450] {strides = array<i32>} : memref<79x128xi32, #tpu.memory_space<vmem>>, vector<16xi32>,
    tpu.vector_store_idx %arg12[%iota3A, %get3A_451], %broadcast_in_dim3A_12 {add = true} : memref<16x1040xf32, #tpu.memory_space<vmem>>[vector<16xi32>, vector<16xi32>], vector<16xf32>,
    %get3A_452 = arith.constant 77 : i32
    %get3A_453 = arith.index_cast %get3A_452 : i32 to index
    %get3A_454 = arith.constant 16 : index
    %get3A_455 = tpu.vector_load %arg7[%get3A_453, %get3A_454] {strides = array<i32>} : memref<79x128xi32, #tpu.memory_space<vmem>>, vector<16xi32>,
    tpu.vector_store_idx %arg12[%iota3A, %get3A_455], %broadcast_in_dim3A_12 {add = true} : memref<16x1040xf32, #tpu.memory_space<vmem>>[vector<16xi32>, vector<16xi32>], vector<16xf32>,
    %get3A_456 = arith.constant 77 : i32
    %get3A_457 = arith.index_cast %get3A_456 : i32 to index
    %get3A_458 = arith.constant 32 : index
    %get3A_459 = tpu.vector_load %arg7[%get3A_457, %get3A_458] {strides = array<i32>} : memref<79x128xi32, #tpu.memory_space<vmem>>, vector<16xi32>,
    tpu.vector_store_idx %arg12[%iota3A, %get3A_459], %broadcast_in_dim3A_12 {add = true} : memref<16x1040xf32, #tpu.memory_space<vmem>>[vector<16xi32>, vector<16xi32>], vector<16xf32>,
    %get3A_460 = arith.constant 77 : i32
    %get3A_461 = arith.index_cast %get3A_460 : i32 to index
    %get3A_462 = arith.constant 48 : index
    %get3A_463 = tpu.vector_load %arg7[%get3A_461, %get3A_462] {strides = array<i32>} : memref<79x128xi32, #tpu.memory_space<vmem>>, vector<16xi32>,
    tpu.vector_store_idx %arg12[%iota3A, %get3A_463], %broadcast_in_dim3A_12 {add = true} : memref<16x1040xf32, #tpu.memory_space<vmem>>[vector<16xi32>, vector<16xi32>], vector<16xf32>,
    %get3A_464 = arith.constant 77 : i32
    %get3A_465 = arith.index_cast %get3A_464 : i32 to index
    %get3A_466 = arith.constant 64 : index
    %get3A_467 = tpu.vector_load %arg7[%get3A_465, %get3A_466] {strides = array<i32>} : memref<79x128xi32, #tpu.memory_space<vmem>>, vector<16xi32>,
    tpu.vector_store_idx %arg12[%iota3A, %get3A_467], %broadcast_in_dim3A_12 {add = true} : memref<16x1040xf32, #tpu.memory_space<vmem>>[vector<16xi32>, vector<16xi32>], vector<16xf32>,
    %get3A_468 = arith.constant 77 : i32
    %get3A_469 = arith.index_cast %get3A_468 : i32 to index
    %get3A_470 = arith.constant 80 : index
    %get3A_471 = tpu.vector_load %arg7[%get3A_469, %get3A_470] {strides = array<i32>} : memref<79x128xi32, #tpu.memory_space<vmem>>, vector<16xi32>,
    tpu.vector_store_idx %arg12[%iota3A, %get3A_471], %broadcast_in_dim3A_12 {add = true} : memref<16x1040xf32, #tpu.memory_space<vmem>>[vector<16xi32>, vector<16xi32>], vector<16xf32>,
    %get3A_472 = arith.constant 77 : i32
    %get3A_473 = arith.index_cast %get3A_472 : i32 to index
    %get3A_474 = arith.constant 96 : index
    %get3A_475 = tpu.vector_load %arg7[%get3A_473, %get3A_474] {strides = array<i32>} : memref<79x128xi32, #tpu.memory_space<vmem>>, vector<16xi32>,
    tpu.vector_store_idx %arg12[%iota3A, %get3A_475], %broadcast_in_dim3A_12 {add = true} : memref<16x1040xf32, #tpu.memory_space<vmem>>[vector<16xi32>, vector<16xi32>], vector<16xf32>,
    %get3A_476 = arith.constant 77 : i32
    %get3A_477 = arith.index_cast %get3A_476 : i32 to index
    %get3A_478 = arith.constant 112 : index
    %get3A_479 = tpu.vector_load %arg7[%get3A_477, %get3A_478] {strides = array<i32>} : memref<79x128xi32, #tpu.memory_space<vmem>>, vector<16xi32>,
    tpu.vector_store_idx %arg12[%iota3A, %get3A_479], %broadcast_in_dim3A_12 {add = true} : memref<16x1040xf32, #tpu.memory_space<vmem>>[vector<16xi32>, vector<16xi32>], vector<16xf32>,
    %dma_wait3A_480 = arith.constant 77 : i32
    %dma_wait3A_481 = arith.constant 0 : i32
    %dma_wait3A_482 = tpu.memref_slice %arg7[%dma_wait3A_480, %dma_wait3A_481] : memref<79x128xi32, #tpu.memory_space<vmem>> -> memref<1x128xi32, #tpu.memory_space<vmem>>
    %dma_wait3A_483 = tpu.memref_squeeze %dma_wait3A_482 : memref<1x128xi32, #tpu.memory_space<vmem>> -> memref<128xi32, #tpu.memory_space<vmem>>
    %dma_wait3A_484 = arith.constant 0 : i32
    %dma_wait3A_485 = arith.constant 0 : i32
    %dma_wait3A_486 = tpu.memref_slice %arg13[%dma_wait3A_484, %dma_wait3A_485] : memref<1032x128xf32, #tpu.memory_space<vmem_shared>> -> memref<1032x128xf32, #tpu.memory_space<vmem_shared>>
    tpu.wait_indirect_dma semaphore(%arg15 : memref<!tpu.dma_semaphore, #tpu.memory_space<semaphore_mem>>) src(%arg9 : memref<128x128xf32, #tpu.memory_space<vmem>>) dst(%dma_wait3A_486 : memref<1032x128xf32, #tpu.memory_space<vmem_shared>>)
    %add3A_487 = arith.constant 9984 : i32
    %add3A_488 = arith.addi %mul3A_10, %add3A_487 : i32
    %dma_wait3A_489 = arith.constant 2 : i32
    %dma_wait3A_490 = arith.constant 0 : i32
    %dma_wait3A_491 = arith.constant 0 : i32
    %dma_wait3A_492 = tpu.memref_slice %arg10[%dma_wait3A_490, %dma_wait3A_491] : memref<128x128xf32, #tpu.memory_space<vmem>> -> memref<16x128xf32, #tpu.memory_space<vmem>>
    %dma_wait3A_493 = arith.constant 0 : i32
    %dma_wait3A_494 = tpu.memref_slice %arg2[%add3A_488, %dma_wait3A_493] : memref<320000x128xf32, #tpu.memory_space<hbm>> -> memref<16x128xf32, #tpu.memory_space<hbm>>
    %dma_wait3A_495 = tpu.memref_slice %arg14[%dma_wait3A_489] : memref<4x!tpu.dma_semaphore, #tpu.memory_space<semaphore_mem>> -> memref<1x!tpu.dma_semaphore, #tpu.memory_space<semaphore_mem>>
    %dma_wait3A_496 = tpu.memref_squeeze %dma_wait3A_495 : memref<1x!tpu.dma_semaphore, #tpu.memory_space<semaphore_mem>> -> memref<!tpu.dma_semaphore, #tpu.memory_space<semaphore_mem>>
    %dma_wait3A_497 = arith.constant 0 : i32
    %dma_wait3A_498 = arith.constant 0 : i32
    %dma_wait3A_499 = tpu.memref_slice %arg10[%dma_wait3A_497, %dma_wait3A_498] : memref<128x128xf32, #tpu.memory_space<vmem>> -> memref<16x128xf32, #tpu.memory_space<vmem>>
    %dma_wait3A_500 = arith.constant 0 : i32
    %dma_wait3A_501 = tpu.memref_slice %arg2[%add3A_488, %dma_wait3A_500] : memref<320000x128xf32, #tpu.memory_space<hbm>> -> memref<16x128xf32, #tpu.memory_space<hbm>>
    tpu.wait_dma2 semaphore(%dma_wait3A_496 : memref<!tpu.dma_semaphore, #tpu.memory_space<semaphore_mem>>) src(%dma_wait3A_501 : memref<16x128xf32, #tpu.memory_space<hbm>>) dst(%dma_wait3A_499 : memref<16x128xf32, #tpu.memory_space<vmem>>)
    %dma_start3A_502 = arith.constant 78 : i32
    %dma_start3A_503 = arith.constant 0 : i32
    %dma_start3A_504 = tpu.memref_slice %arg7[%dma_start3A_502, %dma_start3A_503] : memref<79x128xi32, #tpu.memory_space<vmem>> -> memref<1x128xi32, #tpu.memory_space<vmem>>
    %dma_start3A_505 = tpu.memref_squeeze %dma_start3A_504 : memref<1x128xi32, #tpu.memory_space<vmem>> -> memref<128xi32, #tpu.memory_space<vmem>>
    %dma_start3A_506 = arith.constant 0 : i32
    %dma_start3A_507 = arith.constant 0 : i32
    %dma_start3A_508 = tpu.memref_slice %arg13[%dma_start3A_506, %dma_start3A_507] : memref<1032x128xf32, #tpu.memory_space<vmem_shared>> -> memref<1032x128xf32, #tpu.memory_space<vmem_shared>>
    tpu.enqueue_indirect_dma source(%arg10 : memref<128x128xf32, #tpu.memory_space<vmem>>) target(%dma_start3A_508 : memref<1032x128xf32, #tpu.memory_space<vmem_shared>>) offsets(%dma_start3A_505 : memref<128xi32, #tpu.memory_space<vmem>>) semaphore(%arg15 : memref<!tpu.dma_semaphore, #tpu.memory_space<semaphore_mem>>) {add = true}
    %get3A_509 = arith.constant 78 : i32
    %get3A_510 = arith.index_cast %get3A_509 : i32 to index
    %get3A_511 = arith.constant 0 : index
    %get3A_512 = tpu.vector_load %arg7[%get3A_510, %get3A_511] {strides = array<i32>} : memref<79x128xi32, #tpu.memory_space<vmem>>, vector<16xi32>,
    tpu.vector_store_idx %arg12[%iota3A, %get3A_512], %broadcast_in_dim3A_12 {add = true} : memref<16x1040xf32, #tpu.memory_space<vmem>>[vector<16xi32>, vector<16xi32>], vector<16xf32>,
    %get3A_513 = arith.constant 78 : i32
    %get3A_514 = arith.index_cast %get3A_513 : i32 to index
    %get3A_515 = arith.constant 16 : index
    %get3A_516 = tpu.vector_load %arg7[%get3A_514, %get3A_515] {strides = array<i32>} : memref<79x128xi32, #tpu.memory_space<vmem>>, vector<16xi32>,
    tpu.vector_store_idx %arg12[%iota3A, %get3A_516], %broadcast_in_dim3A_12 {add = true} : memref<16x1040xf32, #tpu.memory_space<vmem>>[vector<16xi32>, vector<16xi32>], vector<16xf32>,
    %get3A_517 = arith.constant 78 : i32
    %get3A_518 = arith.index_cast %get3A_517 : i32 to index
    %get3A_519 = arith.constant 32 : index
    %get3A_520 = tpu.vector_load %arg7[%get3A_518, %get3A_519] {strides = array<i32>} : memref<79x128xi32, #tpu.memory_space<vmem>>, vector<16xi32>,
    tpu.vector_store_idx %arg12[%iota3A, %get3A_520], %broadcast_in_dim3A_12 {add = true} : memref<16x1040xf32, #tpu.memory_space<vmem>>[vector<16xi32>, vector<16xi32>], vector<16xf32>,
    %get3A_521 = arith.constant 78 : i32
    %get3A_522 = arith.index_cast %get3A_521 : i32 to index
    %get3A_523 = arith.constant 48 : index
    %get3A_524 = tpu.vector_load %arg7[%get3A_522, %get3A_523] {strides = array<i32>} : memref<79x128xi32, #tpu.memory_space<vmem>>, vector<16xi32>,
    tpu.vector_store_idx %arg12[%iota3A, %get3A_524], %broadcast_in_dim3A_12 {add = true} : memref<16x1040xf32, #tpu.memory_space<vmem>>[vector<16xi32>, vector<16xi32>], vector<16xf32>,
    %get3A_525 = arith.constant 78 : i32
    %get3A_526 = arith.index_cast %get3A_525 : i32 to index
    %get3A_527 = arith.constant 64 : index
    %get3A_528 = tpu.vector_load %arg7[%get3A_526, %get3A_527] {strides = array<i32>} : memref<79x128xi32, #tpu.memory_space<vmem>>, vector<16xi32>,
    tpu.vector_store_idx %arg12[%iota3A, %get3A_528], %broadcast_in_dim3A_12 {add = true} : memref<16x1040xf32, #tpu.memory_space<vmem>>[vector<16xi32>, vector<16xi32>], vector<16xf32>,
    %get3A_529 = arith.constant 78 : i32
    %get3A_530 = arith.index_cast %get3A_529 : i32 to index
    %get3A_531 = arith.constant 80 : index
    %get3A_532 = tpu.vector_load %arg7[%get3A_530, %get3A_531] {strides = array<i32>} : memref<79x128xi32, #tpu.memory_space<vmem>>, vector<16xi32>,
    tpu.vector_store_idx %arg12[%iota3A, %get3A_532], %broadcast_in_dim3A_12 {add = true} : memref<16x1040xf32, #tpu.memory_space<vmem>>[vector<16xi32>, vector<16xi32>], vector<16xf32>,
    %get3A_533 = arith.constant 78 : i32
    %get3A_534 = arith.index_cast %get3A_533 : i32 to index
    %get3A_535 = arith.constant 96 : index
    %get3A_536 = tpu.vector_load %arg7[%get3A_534, %get3A_535] {strides = array<i32>} : memref<79x128xi32, #tpu.memory_space<vmem>>, vector<16xi32>,
    tpu.vector_store_idx %arg12[%iota3A, %get3A_536], %broadcast_in_dim3A_12 {add = true} : memref<16x1040xf32, #tpu.memory_space<vmem>>[vector<16xi32>, vector<16xi32>], vector<16xf32>,
    %get3A_537 = arith.constant 78 : i32
    %get3A_538 = arith.index_cast %get3A_537 : i32 to index
    %get3A_539 = arith.constant 112 : index
    %get3A_540 = tpu.vector_load %arg7[%get3A_538, %get3A_539] {strides = array<i32>} : memref<79x128xi32, #tpu.memory_space<vmem>>, vector<16xi32>,
    tpu.vector_store_idx %arg12[%iota3A, %get3A_540], %broadcast_in_dim3A_12 {add = true} : memref<16x1040xf32, #tpu.memory_space<vmem>>[vector<16xi32>, vector<16xi32>], vector<16xf32>,
    %dma_wait3A_541 = arith.constant 78 : i32
    %dma_wait3A_542 = arith.constant 0 : i32
    %dma_wait3A_543 = tpu.memref_slice %arg7[%dma_wait3A_541, %dma_wait3A_542] : memref<79x128xi32, #tpu.memory_space<vmem>> -> memref<1x128xi32, #tpu.memory_space<vmem>>
    %dma_wait3A_544 = tpu.memref_squeeze %dma_wait3A_543 : memref<1x128xi32, #tpu.memory_space<vmem>> -> memref<128xi32, #tpu.memory_space<vmem>>
    %dma_wait3A_545 = arith.constant 0 : i32
    %dma_wait3A_546 = arith.constant 0 : i32
    %dma_wait3A_547 = tpu.memref_slice %arg13[%dma_wait3A_545, %dma_wait3A_546] : memref<1032x128xf32, #tpu.memory_space<vmem_shared>> -> memref<1032x128xf32, #tpu.memory_space<vmem_shared>>
    tpu.wait_indirect_dma semaphore(%arg15 : memref<!tpu.dma_semaphore, #tpu.memory_space<semaphore_mem>>) src(%arg10 : memref<128x128xf32, #tpu.memory_space<vmem>>) dst(%dma_wait3A_547 : memref<1032x128xf32, #tpu.memory_space<vmem_shared>>)
    %scan3A_548 = arith.constant 0 : i32
    %scan3A_549 = arith.constant 0 : i32
    %scan3A_550 = arith.constant 64 : i32
    %scan3A_551 = arith.addi %scan3A_549, %scan3A_550 : i32
    %scan3A_552 = arith.constant 1 : i32
    scf.for %scan3A_555 = %scan3A_549 to %scan3A_551 step %scan3A_552  : i32 {
      %mul3A_556 = arith.constant 16 : i32
      %mul3A_557 = arith.muli %scan3A_555, %mul3A_556 : i32
      %get3A_558 = arith.constant 0 : i32
      %get3A_559 = arith.index_cast %get3A_558 : i32 to index
      %get3A_560 = arith.index_cast %mul3A_557 : i32 to index
      %get3A_561 = tpu.vector_load %arg12[%get3A_559, %get3A_560] {strides = array<i32>} : memref<16x1040xf32, #tpu.memory_space<vmem>>, vector<16xf32>,
      %mul3A_562 = arith.constant 16 : i32
      %mul3A_563 = arith.muli %scan3A_555, %mul3A_562 : i32
      %get3A_564 = arith.constant 1 : i32
      %get3A_565 = arith.index_cast %get3A_564 : i32 to index
      %get3A_566 = arith.index_cast %mul3A_563 : i32 to index
      %get3A_567 = tpu.vector_load %arg12[%get3A_565, %get3A_566] {strides = array<i32>} : memref<16x1040xf32, #tpu.memory_space<vmem>>, vector<16xf32>,
      %add3A_568 = arith.addf %get3A_561, %get3A_567 : vector<16xf32>
      %mul3A_569 = arith.constant 16 : i32
      %mul3A_570 = arith.muli %scan3A_555, %mul3A_569 : i32
      %get3A_571 = arith.constant 2 : i32
      %get3A_572 = arith.index_cast %get3A_571 : i32 to index
      %get3A_573 = arith.index_cast %mul3A_570 : i32 to index
      %get3A_574 = tpu.vector_load %arg12[%get3A_572, %get3A_573] {strides = array<i32>} : memref<16x1040xf32, #tpu.memory_space<vmem>>, vector<16xf32>,
      %add3A_575 = arith.addf %add3A_568, %get3A_574 : vector<16xf32>
      %mul3A_576 = arith.constant 16 : i32
      %mul3A_577 = arith.muli %scan3A_555, %mul3A_576 : i32
      %get3A_578 = arith.constant 3 : i32
      %get3A_579 = arith.index_cast %get3A_578 : i32 to index
      %get3A_580 = arith.index_cast %mul3A_577 : i32 to index
      %get3A_581 = tpu.vector_load %arg12[%get3A_579, %get3A_580] {strides = array<i32>} : memref<16x1040xf32, #tpu.memory_space<vmem>>, vector<16xf32>,
      %add3A_582 = arith.addf %add3A_575, %get3A_581 : vector<16xf32>
      %mul3A_583 = arith.constant 16 : i32
      %mul3A_584 = arith.muli %scan3A_555, %mul3A_583 : i32
      %get3A_585 = arith.constant 4 : i32
      %get3A_586 = arith.index_cast %get3A_585 : i32 to index
      %get3A_587 = arith.index_cast %mul3A_584 : i32 to index
      %get3A_588 = tpu.vector_load %arg12[%get3A_586, %get3A_587] {strides = array<i32>} : memref<16x1040xf32, #tpu.memory_space<vmem>>, vector<16xf32>,
      %add3A_589 = arith.addf %add3A_582, %get3A_588 : vector<16xf32>
      %mul3A_590 = arith.constant 16 : i32
      %mul3A_591 = arith.muli %scan3A_555, %mul3A_590 : i32
      %get3A_592 = arith.constant 5 : i32
      %get3A_593 = arith.index_cast %get3A_592 : i32 to index
      %get3A_594 = arith.index_cast %mul3A_591 : i32 to index
      %get3A_595 = tpu.vector_load %arg12[%get3A_593, %get3A_594] {strides = array<i32>} : memref<16x1040xf32, #tpu.memory_space<vmem>>, vector<16xf32>,
      %add3A_596 = arith.addf %add3A_589, %get3A_595 : vector<16xf32>
      %mul3A_597 = arith.constant 16 : i32
      %mul3A_598 = arith.muli %scan3A_555, %mul3A_597 : i32
      %get3A_599 = arith.constant 6 : i32
      %get3A_600 = arith.index_cast %get3A_599 : i32 to index
      %get3A_601 = arith.index_cast %mul3A_598 : i32 to index
      %get3A_602 = tpu.vector_load %arg12[%get3A_600, %get3A_601] {strides = array<i32>} : memref<16x1040xf32, #tpu.memory_space<vmem>>, vector<16xf32>,
      %add3A_603 = arith.addf %add3A_596, %get3A_602 : vector<16xf32>
      %mul3A_604 = arith.constant 16 : i32
      %mul3A_605 = arith.muli %scan3A_555, %mul3A_604 : i32
      %get3A_606 = arith.constant 7 : i32
      %get3A_607 = arith.index_cast %get3A_606 : i32 to index
      %get3A_608 = arith.index_cast %mul3A_605 : i32 to index
      %get3A_609 = tpu.vector_load %arg12[%get3A_607, %get3A_608] {strides = array<i32>} : memref<16x1040xf32, #tpu.memory_space<vmem>>, vector<16xf32>,
      %add3A_610 = arith.addf %add3A_603, %get3A_609 : vector<16xf32>
      %mul3A_611 = arith.constant 16 : i32
      %mul3A_612 = arith.muli %scan3A_555, %mul3A_611 : i32
      %get3A_613 = arith.constant 8 : i32
      %get3A_614 = arith.index_cast %get3A_613 : i32 to index
      %get3A_615 = arith.index_cast %mul3A_612 : i32 to index
      %get3A_616 = tpu.vector_load %arg12[%get3A_614, %get3A_615] {strides = array<i32>} : memref<16x1040xf32, #tpu.memory_space<vmem>>, vector<16xf32>,
      %add3A_617 = arith.addf %add3A_610, %get3A_616 : vector<16xf32>
      %mul3A_618 = arith.constant 16 : i32
      %mul3A_619 = arith.muli %scan3A_555, %mul3A_618 : i32
      %get3A_620 = arith.constant 9 : i32
      %get3A_621 = arith.index_cast %get3A_620 : i32 to index
      %get3A_622 = arith.index_cast %mul3A_619 : i32 to index
      %get3A_623 = tpu.vector_load %arg12[%get3A_621, %get3A_622] {strides = array<i32>} : memref<16x1040xf32, #tpu.memory_space<vmem>>, vector<16xf32>,
      %add3A_624 = arith.addf %add3A_617, %get3A_623 : vector<16xf32>
      %mul3A_625 = arith.constant 16 : i32
      %mul3A_626 = arith.muli %scan3A_555, %mul3A_625 : i32
      %get3A_627 = arith.constant 10 : i32
      %get3A_628 = arith.index_cast %get3A_627 : i32 to index
      %get3A_629 = arith.index_cast %mul3A_626 : i32 to index
      %get3A_630 = tpu.vector_load %arg12[%get3A_628, %get3A_629] {strides = array<i32>} : memref<16x1040xf32, #tpu.memory_space<vmem>>, vector<16xf32>,
      %add3A_631 = arith.addf %add3A_624, %get3A_630 : vector<16xf32>
      %mul3A_632 = arith.constant 16 : i32
      %mul3A_633 = arith.muli %scan3A_555, %mul3A_632 : i32
      %get3A_634 = arith.constant 11 : i32
      %get3A_635 = arith.index_cast %get3A_634 : i32 to index
      %get3A_636 = arith.index_cast %mul3A_633 : i32 to index
      %get3A_637 = tpu.vector_load %arg12[%get3A_635, %get3A_636] {strides = array<i32>} : memref<16x1040xf32, #tpu.memory_space<vmem>>, vector<16xf32>,
      %add3A_638 = arith.addf %add3A_631, %get3A_637 : vector<16xf32>
      %mul3A_639 = arith.constant 16 : i32
      %mul3A_640 = arith.muli %scan3A_555, %mul3A_639 : i32
      %get3A_641 = arith.constant 12 : i32
      %get3A_642 = arith.index_cast %get3A_641 : i32 to index
      %get3A_643 = arith.index_cast %mul3A_640 : i32 to index
      %get3A_644 = tpu.vector_load %arg12[%get3A_642, %get3A_643] {strides = array<i32>} : memref<16x1040xf32, #tpu.memory_space<vmem>>, vector<16xf32>,
      %add3A_645 = arith.addf %add3A_638, %get3A_644 : vector<16xf32>
      %mul3A_646 = arith.constant 16 : i32
      %mul3A_647 = arith.muli %scan3A_555, %mul3A_646 : i32
      %get3A_648 = arith.constant 13 : i32
      %get3A_649 = arith.index_cast %get3A_648 : i32 to index
      %get3A_650 = arith.index_cast %mul3A_647 : i32 to index
      %get3A_651 = tpu.vector_load %arg12[%get3A_649, %get3A_650] {strides = array<i32>} : memref<16x1040xf32, #tpu.memory_space<vmem>>, vector<16xf32>,
      %add3A_652 = arith.addf %add3A_645, %get3A_651 : vector<16xf32>
      %mul3A_653 = arith.constant 16 : i32
      %mul3A_654 = arith.muli %scan3A_555, %mul3A_653 : i32
      %get3A_655 = arith.constant 14 : i32
      %get3A_656 = arith.index_cast %get3A_655 : i32 to index
      %get3A_657 = arith.index_cast %mul3A_654 : i32 to index
      %get3A_658 = tpu.vector_load %arg12[%get3A_656, %get3A_657] {strides = array<i32>} : memref<16x1040xf32, #tpu.memory_space<vmem>>, vector<16xf32>,
      %add3A_659 = arith.addf %add3A_652, %get3A_658 : vector<16xf32>
      %mul3A_660 = arith.constant 16 : i32
      %mul3A_661 = arith.muli %scan3A_555, %mul3A_660 : i32
      %get3A_662 = arith.constant 15 : i32
      %get3A_663 = arith.index_cast %get3A_662 : i32 to index
      %get3A_664 = arith.index_cast %mul3A_661 : i32 to index
      %get3A_665 = tpu.vector_load %arg12[%get3A_663, %get3A_664] {strides = array<i32>} : memref<16x1040xf32, #tpu.memory_space<vmem>>, vector<16xf32>,
      %add3A_666 = arith.addf %add3A_659, %get3A_665 : vector<16xf32>
      %mul3A_667 = arith.constant 16 : i32
      %mul3A_668 = arith.muli %scan3A_555, %mul3A_667 : i32
      %swap3A = arith.constant 0 : i32
      %swap3A_669 = arith.index_cast %swap3A : i32 to index
      %swap3A_670 = arith.index_cast %mul3A_668 : i32 to index
      %swap3A_671 = tpu.vector_load %arg12[%swap3A_669, %swap3A_670] {strides = array<i32>} : memref<16x1040xf32, #tpu.memory_space<vmem>>, vector<16xf32>,
      tpu.vector_store %arg12[%swap3A_669, %swap3A_670], %add3A_666 {strides = array<i32>} : memref<16x1040xf32, #tpu.memory_space<vmem>>, vector<16xf32>,
    }
    %scan3A_553 = arith.constant 64 : i32
    %run_scoped3A = arith.constant 0 : i32
    "tpu.region"() ({
      %run_scoped3A_555 = tpu.sem_alloc : memref<!tpu.dma_semaphore, #tpu.memory_space<semaphore_mem>>
      %dma_start3A_556 = arith.constant 0 : i32
      %dma_start3A_557 = tpu.memref_slice %arg12[%run_scoped3A, %dma_start3A_556] : memref<16x1040xf32, #tpu.memory_space<vmem>> -> memref<1x1024xf32, #tpu.memory_space<vmem>>
      %dma_start3A_558 = tpu.memref_squeeze %dma_start3A_557 : memref<1x1024xf32, #tpu.memory_space<vmem>> -> memref<1024xf32, #tpu.memory_space<vmem>>
      %dma_start3A_559 = arith.constant 0 : i32
      %dma_start3A_560 = tpu.memref_slice %arg6[%arg0, %arg1, %dma_start3A_559] : memref<2x16x1024xf32, #tpu.memory_space<hbm>> -> memref<1x1x1024xf32, #tpu.memory_space<hbm>>
      %dma_start3A_561 = tpu.memref_squeeze %dma_start3A_560 : memref<1x1x1024xf32, #tpu.memory_space<hbm>> -> memref<1024xf32, #tpu.memory_space<hbm>>
      %dma_start3A_562 = arith.constant 0 : i32
      %dma_start3A_563 = tpu.memref_slice %arg6[%arg0, %arg1, %dma_start3A_562] : memref<2x16x1024xf32, #tpu.memory_space<hbm>> -> memref<1x1x1024xf32, #tpu.memory_space<hbm>>
      %dma_start3A_564 = tpu.memref_squeeze %dma_start3A_563 : memref<1x1x1024xf32, #tpu.memory_space<hbm>> -> memref<1024xf32, #tpu.memory_space<hbm>>
      %dma_start3A_565 = arith.constant 0 : i32
      %dma_start3A_566 = tpu.memref_slice %arg12[%run_scoped3A, %dma_start3A_565] : memref<16x1040xf32, #tpu.memory_space<vmem>> -> memref<1x1024xf32, #tpu.memory_space<vmem>>
      %dma_start3A_567 = tpu.memref_squeeze %dma_start3A_566 : memref<1x1024xf32, #tpu.memory_space<vmem>> -> memref<1024xf32, #tpu.memory_space<vmem>>
      tpu.enqueue_dma source(%dma_start3A_567 : memref<1024xf32, #tpu.memory_space<vmem>>) target(%dma_start3A_564 : memref<1024xf32, #tpu.memory_space<hbm>>) target_semaphore(%run_scoped3A_555 : memref<!tpu.dma_semaphore, #tpu.memory_space<semaphore_mem>>)
      %dma_wait3A_568 = arith.constant 0 : i32
      %dma_wait3A_569 = tpu.memref_slice %arg12[%run_scoped3A, %dma_wait3A_568] : memref<16x1040xf32, #tpu.memory_space<vmem>> -> memref<1x1024xf32, #tpu.memory_space<vmem>>
      %dma_wait3A_570 = tpu.memref_squeeze %dma_wait3A_569 : memref<1x1024xf32, #tpu.memory_space<vmem>> -> memref<1024xf32, #tpu.memory_space<vmem>>
      %dma_wait3A_571 = arith.constant 0 : i32
      %dma_wait3A_572 = tpu.memref_slice %arg6[%arg0, %arg1, %dma_wait3A_571] : memref<2x16x1024xf32, #tpu.memory_space<hbm>> -> memref<1x1x1024xf32, #tpu.memory_space<hbm>>
      %dma_wait3A_573 = tpu.memref_squeeze %dma_wait3A_572 : memref<1x1x1024xf32, #tpu.memory_space<hbm>> -> memref<1024xf32, #tpu.memory_space<hbm>>
      %dma_wait3A_574 = arith.constant 0 : i32
      %dma_wait3A_575 = tpu.memref_slice %arg6[%arg0, %arg1, %dma_wait3A_574] : memref<2x16x1024xf32, #tpu.memory_space<hbm>> -> memref<1x1x1024xf32, #tpu.memory_space<hbm>>
      %dma_wait3A_576 = tpu.memref_squeeze %dma_wait3A_575 : memref<1x1x1024xf32, #tpu.memory_space<hbm>> -> memref<1024xf32, #tpu.memory_space<hbm>>
      %dma_wait3A_577 = arith.constant 0 : i32
      %dma_wait3A_578 = tpu.memref_slice %arg12[%run_scoped3A, %dma_wait3A_577] : memref<16x1040xf32, #tpu.memory_space<vmem>> -> memref<1x1024xf32, #tpu.memory_space<vmem>>
      %dma_wait3A_579 = tpu.memref_squeeze %dma_wait3A_578 : memref<1x1024xf32, #tpu.memory_space<vmem>> -> memref<1024xf32, #tpu.memory_space<vmem>>
      tpu.wait_dma2 semaphore(%run_scoped3A_555 : memref<!tpu.dma_semaphore, #tpu.memory_space<semaphore_mem>>) src(%dma_wait3A_579 : memref<1024xf32, #tpu.memory_space<vmem>>) dst(%dma_wait3A_576 : memref<1024xf32, #tpu.memory_space<hbm>>)
      tpu.yield
    }) : () -> ()
    %barrier3A_554 = arith.constant 0 : index
    tpu.barrier barrier_id(%barrier3A_554)
    "tpu.region"() ({
      %run_scoped3A_555 = tpu.sem_alloc : memref<!tpu.dma_semaphore, #tpu.memory_space<semaphore_mem>>
      %dma_start3A_556 = arith.constant 0 : i32
      %dma_start3A_557 = tpu.memref_slice %arg5[%arg0, %mul3A_2, %dma_start3A_556] : memref<2x1024x128xf32, #tpu.memory_space<hbm>> -> memref<1x64x128xf32, #tpu.memory_space<hbm>>
      %dma_start3A_558 = tpu.memref_squeeze %dma_start3A_557 : memref<1x64x128xf32, #tpu.memory_space<hbm>> -> memref<64x128xf32, #tpu.memory_space<hbm>>
      %dma_start3A_559 = arith.constant 0 : i32
      %dma_start3A_560 = tpu.memref_slice %arg13[%mul3A_2, %dma_start3A_559] : memref<1032x128xf32, #tpu.memory_space<vmem_shared>> -> memref<64x128xf32, #tpu.memory_space<vmem_shared>>
      tpu.enqueue_dma source(%dma_start3A_560 : memref<64x128xf32, #tpu.memory_space<vmem_shared>>) target(%dma_start3A_558 : memref<64x128xf32, #tpu.memory_space<hbm>>) target_semaphore(%run_scoped3A_555 : memref<!tpu.dma_semaphore, #tpu.memory_space<semaphore_mem>>)
      %dma_wait3A_561 = arith.constant 0 : i32
      %dma_wait3A_562 = tpu.memref_slice %arg5[%arg0, %mul3A_2, %dma_wait3A_561] : memref<2x1024x128xf32, #tpu.memory_space<hbm>> -> memref<1x64x128xf32, #tpu.memory_space<hbm>>
      %dma_wait3A_563 = tpu.memref_squeeze %dma_wait3A_562 : memref<1x64x128xf32, #tpu.memory_space<hbm>> -> memref<64x128xf32, #tpu.memory_space<hbm>>
      %dma_wait3A_564 = arith.constant 0 : i32
      %dma_wait3A_565 = tpu.memref_slice %arg13[%mul3A_2, %dma_wait3A_564] : memref<1032x128xf32, #tpu.memory_space<vmem_shared>> -> memref<64x128xf32, #tpu.memory_space<vmem_shared>>
      tpu.wait_dma2 semaphore(%run_scoped3A_555 : memref<!tpu.dma_semaphore, #tpu.memory_space<semaphore_mem>>) src(%dma_wait3A_565 : memref<64x128xf32, #tpu.memory_space<vmem_shared>>) dst(%dma_wait3A_563 : memref<64x128xf32, #tpu.memory_space<hbm>>)
      tpu.yield
    }) : () -> ()
    return
  }
}

module attributes {stable_mosaic.version = 14 : i64} {
  func.func @_combine(%arg0: memref<2x1024x128xf32, #tpu.memory_space<vmem>>, %arg1: memref<2x16x1024xf32, #tpu.memory_space<vmem>>, %arg2: memref<1024x128xf32, #tpu.memory_space<vmem>>) attributes {dimension_semantics = [], scalar_prefetch = 0 : i64, scratch_operands = 0 : i64, tpu.core_type = #tpu.core_type<tc>} {
    %get3A = arith.constant 0 : index
    %get3A_0 = arith.constant 0 : index
    %get3A_1 = arith.constant 0 : index
    %get3A_2 = vector.load %arg0[%get3A, %get3A_0, %get3A_1] : memref<2x1024x128xf32, #tpu.memory_space<vmem>>, vector<1x1024x128xf32>
    %get3A_3 = vector.shape_cast %get3A_2 : vector<1x1024x128xf32> to vector<1024x128xf32>
    %get3A_4 = arith.constant 1 : index
    %get3A_5 = arith.constant 0 : index
    %get3A_6 = arith.constant 0 : index
    %get3A_7 = vector.load %arg0[%get3A_4, %get3A_5, %get3A_6] : memref<2x1024x128xf32, #tpu.memory_space<vmem>>, vector<1x1024x128xf32>
    %get3A_8 = vector.shape_cast %get3A_7 : vector<1x1024x128xf32> to vector<1024x128xf32>
    %add3A = arith.addf %get3A_3, %get3A_8 : vector<1024x128xf32>
    %get3A_9 = arith.constant 0 : index
    %get3A_10 = arith.constant 0 : index
    %get3A_11 = arith.constant 0 : index
    %get3A_12 = vector.load %arg1[%get3A_9, %get3A_10, %get3A_11] : memref<2x16x1024xf32, #tpu.memory_space<vmem>>, vector<2x16x1024xf32>
    %reduce_sum3A = arith.constant dense<0.000000e+00> : vector<1024xf32>
    %reduce_sum3A_13 = vector.multi_reduction <add>, %get3A_12, %reduce_sum3A [0, 1] : vector<2x16x1024xf32> to vector<1024xf32>
    %max3A = arith.constant 1.000000e+00 : f32
    %max3A_14 = vector.broadcast %max3A : f32 to vector<1024xf32>
    %max3A_15 = arith.maximumf %reduce_sum3A_13, %max3A_14 : vector<1024xf32>
    %reshape3A = vector.shape_cast %max3A_15 : vector<1024xf32> to vector<1024x1xf32>
    %div3A = vector.broadcast %reshape3A : vector<1024x1xf32> to vector<1024x128xf32>
    %div3A_16 = arith.divf %add3A, %div3A : vector<1024x128xf32>
    %swap3A = arith.constant 0 : index
    %swap3A_17 = arith.constant 0 : index
    %swap3A_18 = vector.load %arg2[%swap3A, %swap3A_17] : memref<1024x128xf32, #tpu.memory_space<vmem>>, vector<1024x128xf32>
    tpu.vector_store %arg2[%swap3A, %swap3A_17], %div3A_16 {strides = array<i32>} : memref<1024x128xf32, #tpu.memory_space<vmem>>, vector<1024x128xf32>,
    return
  }
}

</mosaic_0001>

<sc_bundles>
// kernel: kernel.4.cloned.1.call-start
scs
__scs_entry_jumppad:
0x0: {  	(pc) =	sbr.rel $0x88, $3  }
0x1: {  	(tag) =	ssettag $0x0;
	lr =	simm.s32 $0x1  }
0x2: {  	[smem:$0x3F9F] =	sst lr;
	_ =	strace $0xD0000000  }
0x3: {  	_ = 	snop  }
0x4: {  	_ = 	snop  }
0x5: {  	_ = 	snop  }
0x6: {  	_ = 	snop  }
0x7: {  	_ = 	snop  }
__scs_overlays_trampoline_lowered:
0x8: {  	[smem:$0x3FAE] =	sst s0  }
0x9: {  	[smem:$0x3FAF] =	sst s1  }
0xa: {  	[smem:$0x3FB0] =	sst s2  }
0xb: {  	[smem:$0x3FB1] =	sst s3  }
0xc: {  	[smem:$0x3FB2] =	sst s4  }
0xd: {  	[smem:$0x3FB3] =	sst s5  }
0xe: {  	[smem:$0x3FB4] =	sst s6  }
0xf: {  	[smem:$0x3FB5] =	sst s7  }
0x10: {  	[smem:$0x3FB6] =	sst s8  }
0x11: {  	[smem:$0x3FB7] =	sst s9;
	s0 =	simm.s32 @!p0 $0x0  }
0x12: {  	s1 =	sld [smem:$0x3F9D];
	s0 =	simm.s32 @p0 $0x1  }
0x13: {  	[smem:$0x3FB8] =	sst s0;
	s0 =	simm.s32 @!p1 $0x0  }
0x14: {  	s2 =	sld [smem:$0x3F9C];
	s0 =	simm.s32 @p1 $0x1  }
0x15: {  	[smem:$0x3FB9] =	sst s0;
	s0 =	simm.s32 @!p2 $0x0  }
0x16: {  	s3 =	sld [smem:$0x3FDB];
	s0 =	simm.s32 @p2 $0x1  }
0x17: {  	s4 =	simm.s32 $0x1BF5;
	[smem:$0x3FBB] =	sst s0  }
0x18: {  	s0 =	sld [smem:$0x3F9E];
	_ =	swait.ge [sflag:s4], $0x0  }
0x19: {  	s7 =	sld [smem:$0x3F9F]  }
0x1a: {  	s8 =	sadd.s32 $0xFFFFE003, lr  }
0x1b: {  	s9 =	sadd.s32 $0xFFFFFEF7, lr;
	s5 =	simm.s32 $0xFFFFFFFF;
	p2 =	slt.u32 s8, $0xFFFFF086  }
0x1c: {  	p1 =	slt.u32 s9, $0xF7A;
	s5 =	simm.s32 @!p2 $0x0  }
0x1d: {  	s5 =	simm.s32 @p1 $0x1;
	p0 =	seq.s32 s7, s2  }
0x1e: {  	s7 =	smul.u32 @!p0 $0xF7A, s2;
	p2 =	seq.s32 @!p0 s5, $0x0  }
0x1f: {  	s9 =	smul.u32 $0xF7A, s1;
	s8 =	simm.s32 @!p0 $0x1BF5;
	p2 =	por !p2, p0  }
0x20: {  	[sflag:s8] =	ssyncset.s32 @!p0 $0xFFFFF086;
	s6 =	sadd.s32 @!p0 s3, s7;
	s7 =	simm.s32 @!p0 $0x108  }
0x21: {  	s3 =	sadd.s32 s3, s9;
	s6 =	sadd.s32 @!p0 $0x88, s6;
	s7 =	simm.s32 @p2 $0x1082  }
0x22: {  	[simem:s7], [sflag:s8] =	dma.local @!p0 [hbm:s6], $0xF7A  }
0x23: {  	s9 =	sor.u32 $0xD0000000, s2;
	s6 =	simm.s32 $0x108;
	_ =	swait.ge @!p0 [sflag:s8], $0x0  }
0x24: {  	s3 =	sadd.s32 $0x88, s3;
	s6 =	simm.s32 @!p1 $0x1082;
	[sflag:s4] =	ssyncset.s32 $0xFFFFF086  }
0x25: {  	[simem:s6], [sflag:s4] =	dma.local [hbm:s3], $0xF7A  }
0x26: {  	[smem:$0x3F9F] =	sst s1;
	(tag) =	ssettag s2;
	_ =	strace s9  }
0x27: {  	s1 =	sld [smem:$0x3FAF]  }
0x28: {  	s2 =	sld [smem:$0x3FB0]  }
0x29: {  	s4 =	sld [smem:$0x3FB2]  }
0x2a: {  	p0 =	seq.s32 s5, $0x0;
	s5 =	sld [smem:$0x3FB3]  }
0x2b: {  	s6 =	sld [smem:$0x3FB4]  }
0x2c: {  	s7 =	sld [smem:$0x3FB5]  }
0x2d: {  	s3 =	simm.s32 $0x108;
	s8 =	sld [smem:$0x3FB6]  }
0x2e: {  	s3 =	simm.s32 @!p0 $0x1082;
	s9 =	sld [smem:$0x3FB7]  }
0x2f: {  	lr =	sadd.s32 s0, s3;
	s0 =	sld [smem:$0x3FAE]  }
0x30: {  	s3 =	sld [smem:$0x3FB1]  }
0x31: {  	[smem:$0x3FBA] =	sst s10  }
0x32: {  	s10 =	sld [smem:$0x3FB8];
	_ =	sdelay $0x3  }
0x33: {  	p0 =	seq.s32 s10, $0x1;
	s10 =	sld [smem:$0x3FBA];
	_ =	sdelay $0x3  }
0x34: {  	[smem:$0x3FBA] =	sst s10  }
0x35: {  	s10 =	sld [smem:$0x3FB9];
	_ =	sdelay $0x3  }
0x36: {  	p1 =	seq.s32 s10, $0x1;
	s10 =	sld [smem:$0x3FBA];
	_ =	sdelay $0x3  }
0x37: {  	[smem:$0x3FBA] =	sst s10  }
0x38: {  	s10 =	sld [smem:$0x3FBB]  }
0x39: {  	_ = 	snop;
	(pc) =	sbr.ind lr, $3  }
0x3a: {  	_ = 	snop  }
0x3b: {  	_ = 	snop  }
0x3c: {  	p2 =	seq.s32 s10, $0x1;
	s10 =	sld [smem:$0x3FBA]  }
0x3d: {  	_ =	shalt  }
0x3e: {  	_ =	shalt  }
0x3f: {  	_ =	shalt  }
0x40: {  	_ =	shalt  }
0x41: {  	_ =	shalt  }
0x42: {  	_ =	shalt  }
0x43: {  	_ =	shalt  }
0x44: {  	_ =	shalt  }
0x45: {  	_ =	shalt  }
0x46: {  	_ =	shalt  }
0x47: {  	_ =	shalt  }
0x48: {  	_ =	shalt  }
0x49: {  	_ =	shalt  }
0x4a: {  	_ =	shalt  }
0x4b: {  	_ =	shalt  }
0x4c: {  	_ =	shalt  }
0x4d: {  	_ =	shalt  }
0x4e: {  	_ =	shalt  }
0x4f: {  	_ =	shalt  }
0x50: {  	_ =	shalt  }
0x51: {  	_ =	shalt  }
0x52: {  	_ =	shalt  }
0x53: {  	_ =	shalt  }
0x54: {  	_ =	shalt  }
0x55: {  	_ =	shalt  }
0x56: {  	_ =	shalt  }
0x57: {  	_ =	shalt  }
0x58: {  	_ =	shalt  }
0x59: {  	_ =	shalt  }
0x5a: {  	_ =	shalt  }
0x5b: {  	_ =	shalt  }
0x5c: {  	_ =	shalt  }
0x5d: {  	_ =	shalt  }
0x5e: {  	_ =	shalt  }
0x5f: {  	_ =	shalt  }
0x60: {  	_ =	shalt  }
0x61: {  	_ =	shalt  }
0x62: {  	_ =	shalt  }
0x63: {  	_ =	shalt  }
0x64: {  	_ =	shalt  }
0x65: {  	_ =	shalt  }
0x66: {  	_ =	shalt  }
0x67: {  	_ =	shalt  }
0x68: {  	_ =	shalt  }
0x69: {  	_ =	shalt  }
0x6a: {  	_ =	shalt  }
0x6b: {  	_ =	shalt  }
0x6c: {  	_ =	shalt  }
0x6d: {  	_ =	shalt  }
0x6e: {  	_ =	shalt  }
0x6f: {  	_ =	shalt  }
0x70: {  	_ =	shalt  }
0x71: {  	_ =	shalt  }
0x72: {  	_ =	shalt  }
0x73: {  	_ =	shalt  }
0x74: {  	_ =	shalt  }
0x75: {  	_ =	shalt  }
0x76: {  	_ =	shalt  }
0x77: {  	_ =	shalt  }
0x78: {  	_ =	shalt  }
0x79: {  	_ =	shalt  }
0x7a: {  	_ =	shalt  }
0x7b: {  	_ =	shalt  }
0x7c: {  	_ =	shalt  }
0x7d: {  	_ =	shalt  }
0x7e: {  	_ =	shalt  }
0x7f: {  	_ =	shalt  }
0x80: {  	_ =	shalt  }
0x81: {  	_ =	shalt  }
0x82: {  	_ =	shalt  }
0x83: {  	_ =	shalt  }
0x84: {  	_ =	shalt  }
0x85: {  	_ =	shalt  }
0x86: {  	_ =	shalt  }
0x87: {  	_ =	shalt  }
.Lfunc_end0:
.L_simem_size_0:
called_computation_lowered:
.L_overlay_start_0:
0x88: {  	s2 =	sld [smem:$0x3FD9]  }
0x89: {  	s3 =	sld [smem:$0x3FFE];
	_ =	sdelay $0x1  }
0x8a: {  	s1 =	srdreg.scid  }
0x8b: {  	s0 =	sand.u32 $0x1, s1  }
0x8c: {  	s17 =	sshll.u32 s0, $0xA;
	s2 =	sadd.s32 s3, s2  }
0x8d: {  	s2 =	sadd.s32 s2, s17  }
0x8e: {  	[smem:$0x3FC6] =	sst s2  }
0x8f: {  	_ = 	snop  }
0x90: {  	s2 =	sld [smem:$0x3FC9]  }
0x91: {  	s18 =	sld [smem:$0x3FD0];
	(tm) =	ssettm $0x1  }
0x92: {  	s4 =	sld [smem:$0x3FFB];
	_ =	sdelay $0x3  }
0x93: {  	_ =	strace s4  }
0x94: {  	s4 =	sld [smem:$0x3FFC];
	_ =	sdelay $0x3  }
0x95: {  	_ =	strace s4  }
0x96: {  	s4 =	sld [smem:$0x3FFD];
	_ =	sdelay $0x3  }
0x97: {  	_ =	strace s4  }
0x98: {  	_ =	strace $0x8FFFFFFF  }
0x99: {  	s19 =	sld [smem:$0x3FDB];
	_ =	sdelay $0x1  }
0x9a: {  	s5 =	simm.s32 $_scs_section_size  }
0x9b: {  	s6 =	simm.s32 $_size__tile_overlayer_lowered;
	s7 =	simm.s32 $_tile_overlayer_lowered  }
0x9c: {  	s22 =	simm.s32 $0x1BFF;
	s21 =	sshll.u32 s7, $0x1;
	s4 =	sadd.s32 s5, s19  }
0x9d: {  	s8 =	simm.s32 $0x0;
	s20 =	sshll.u32 s6, $0x1;
	s6 =	sadd.s32 s21, s4  }
0x9e: {  	[timem:s8], [sflag:s22] =	dma.local [hbm:s6], s20  }
0x9f: {  	_ =	swait.ge [sflag:s22], s20  }
0xa0: {  	s5 =	ssub.s32 $0x0, s20;
	[sflag:s22] =	ssyncset.done $0x0  }
0xa1: {  	[sflag:s22] =	ssyncadd.s32 s5;
	_ =	sdelay $0x1  }
0xa2: {  	s23 =	simm.s32 $0x1B8B  }
0xa3: {  	_ =	swait.ge [sflag:s23], $0x1  }
0xa4: {  	[sflag:s23] =	ssyncset.done $0x0  }
0xa5: {  	s25 =	simm.s32 $0x1B8E;
	s24 =	sld [smem:$0x3FFE];
	[sflag:s23] =	ssyncadd.s32 $0xFFFFFFFF  }
0xa6: {  	s26 =	simm.s32 $execute0_lowered;
	[smem:$0x3FD2] =	sst s25  }
0xa7: {  	s6 =	sshll.u32 s26, $0x1;
	_ =	strace $0x80000046;
	[dreg:$0x1] =	wrdreg $0xFFFFFFFF  }
0xa8: {  	s28 =	simm.s32 $_size_execute0_lowered;
	s4 =	sadd.s32 s4, s6;
	[dreg:$0x0] =	wrdreg $0x0  }
0xa9: {  	s6 =	sshll.u32 s28, $0x1;
	[dreg:$0x2] =	wrdreg s4  }
0xaa: {  	[dreg:$0x3] =	wrdreg s6  }
0xab: {  	[dreg:$0x4] =	wrdreg $0xC0  }
0xac: {  	_ =	task [dreg:s8], $0x5FFFF  }
0xad: {  	[dreg:$0x1] =	wrdreg $0xFFFFFFFF  }
0xae: {  	[dreg:$0x0] =	wrdreg $0x60  }
0xaf: {  	[dreg:$0x2] =	wrdreg s2  }
0xb0: {  	[dreg:$0x3] =	wrdreg s24  }
0xb1: {  	[dreg:$0x4] =	wrdreg s18  }
0xb2: {  	[dreg:$0x5] =	wrdreg $0x170000  }
0xb3: {  	[dreg:$0x6] =	wrdreg $0x9  }
0xb4: {  	_ =	task.clear_ibuf [dreg:s8], $0x7FFFF;
	_ =	strace $0x90000046  }
0xb5: {  	s29 =	simm.s32 $0x9;
	_ =	strace $0x80000048  }
0xb6: {  	_ =	swait.ge [sflag:s29], $0x1  }
0xb7: {  	[sflag:s29] =	ssyncadd.s32 $0xFFFFFFFF  }
0xb8: {  	_ =	strace $0x90000048  }
0xb9: {  	_ =	sfence  }
0xba: {  	s30 =	sld [smem:$0x0];
	_ =	sdelay $0x2  }
0xbb: {  	s31 =	sshll.u32 s1, $0xD;
	s1 =	sshrl.u32 s1, $0x2  }
0xbc: {  	s3 =	sand.u32 $0x4000, s31;
	s1 =	sadd.s32 s1, s30  }
0xbd: {  	s0 =	sor.u32 s3, s0;
	s1 =	sshll.u32 s1, $0x11  }
0xbe: {  	s0 =	sor.u32 s1, s0  }
0xbf: {  	s0 =	sadd.s32 $0x8F2B, s0  }
0xc0: {  	[sflag:s0] =	ssyncadd.remote.s32 $0x1  }
0xc1: {  	_ =	sfence.sel $0xFFFF  }
0xc2: {  	[dreg:$0x0] =	wrdreg $0xFFFFFFFF;
	(pc) =	sbr.abs _section_cstart, $3  }
0xc3: {  	[dreg:$0x1] =	wrdreg $0xFFFFFFFF  }
0xc4: {  	_ =	task.clear_ibuf [dreg:s8], $0x2FFFF;
	_ =	strace $0x9FFFFFFF  }
0xc5: {  	(tm) =	ssettm $0x7FFFFFFF  }
tec
execute0_lowered:
.L_overlay_start_1:
0x0: {  	(tag) =	ssettag $0x1  }
0x1: {  	s0 =	rddreg [dreg:$0x0]  }
0x2: {  	s1 =	rddreg [dreg:$0x1]  }
0x3: {  	s4 =	rddreg [dreg:$0x2]  }
0x4: {  	s3 =	srdreg.scid;
	s2 =	rddreg [dreg:$0x3]  }
0x5: {  	s16 =	stileid.u32;
	s28 =	simm.s32 $0xE800;
	s29 =	simm.s32 $0x2  }
0x6: {  	s30 =	simm.s32 $0x3;
	s31 =	simm.s32 $0x4;
	s6 =	sand.u32 $0x1, s3  }
0x7: {  	s7 =	sshll.u32 s16, $0xA;
	s8 =	sshll.u32 s16, $0x7;
	s12 =	sshll.u32 s16, $0xD  }
0x8: {  	s25 =	smul.u32 $0x27100, s16;
	s3 =	sshll.u32 s6, $0x4;
	s8 =	sor.u32 s8, s7  }
0x9: {  	s14 =	sshll.u32 s6, $0xE;
	s15 =	sadd.s32 s7, s1;
	s10 =	ssub.s32 $0x2, s6  }
0xa: {  	s17 =	sadd.s32 s12, s2;
	s12 =	sshll.u32 s16, $0x6;
	s4 =	sadd.s32 s4, s7  }
0xb: {  	v0 =	vimm.s32 $0x2780;
	vm0 =	vcmask $0x300;
	s6 =	smul.u32 $0x271000, s6;
	s5 =	sor.u32 s16, s3;
	s3 =	simm.s32 $0x0  }
0xc: {  	vm14 =	vcmask $0x704;
	v0 =	vsel vm0, $0x0, v0;
	s8 =	sand.u32 $0x2380, s8;
	s11 =	sshrl.u32 s10, $0x1;
	s9 =	smul.u32 $0x500, s5  }
0xd: {  	vm15 =	vcmask $0xB08;
	v0 =	vsel vm14, $0x80, v0;
	s26 =	sadd.s32 s14, s15;
	[smem:$0x7FF] =	sst s3;
	s13 =	smul.u32 $0x138800, s5  }
0xe: {  	vm4 =	vcmask $0xF0C;
	v0 =	vsel vm15, $0x100, v0;
	s8 =	sor.u32 s14, s8;
	s18 =	smul.u32 $0x27100, s5;
	s5 =	sor.u32 $0x1C06, s12  }
0xf: {  	vm5 =	vcmask $0x1310;
	v0 =	vsel vm4, $0x180, v0;
	s15 =	sadd.s32 $0xAC00, s26;
	s26 =	simm.s32 $0x5;
	_ =	strace $0x80000047  }
0x10: {  	vm6 =	vcmask $0x1714;
	s8 =	sshrl.u32 s8, $0x3;
	[dreg:$0x5] =	wrdreg s4;
	v0 =	vsel vm5, $0x200, v0;
	s9 =	sadd.s32 s9, s1  }
0x11: {  	vm7 =	vcmask $0x1B18;
	s1 =	sadd.s32 s8, s1;
	s8 =	ssub.s32 s10, s11;
	s19 =	sshrl.u32 s13, $0x3;
	v0 =	vsel vm6, $0x280, v0  }
0x12: {  	vm8 =	vcmask $0x1F1C;
	s22 =	sadd.s32 s0, s18;
	s18 =	sshrl.u32 s17, $0x3;
	s20 =	sadd.s32 s0, s19;
	v0 =	vsel vm7, $0x300, v0  }
0x13: {  	vm9 =	vcmask $0x2320;
	s21 =	sadd.s32 $0xC00, s9;
	[dreg:$0x7] =	wrdreg s22;
	s0 =	sadd.s32 s6, s0;
	v0 =	vsel vm8, $0x380, v0  }
0x14: {  	vm10 =	vcmask $0x2724;
	s14 =	sadd.s32 $0x12C00, s1;
	s16 =	smax.u32 s8, $0x1;
	s19 =	simm.s32 $0x6;
	v0 =	vsel vm9, $0x2400, v0  }
0x15: {  	vm11 =	vcmask $0x2B28;
	s22 =	simm.s32 $0xA800;
	[dreg:$0x6] =	wrdreg s21;
	s23 =	sadd.s32 $0x800, s20;
	v0 =	vsel vm10, $0x2480, v0  }
0x16: {  	vm12 =	vcmask $0x2F2C;
	s24 =	sadd.s32 $0x1000, s20;
	s10 =	sadd.s32 $0x25800, s20;
	s11 =	sadd.s32 $0x26000, s20;
	v0 =	vsel vm11, $0x2500, v0  }
0x17: {  	vm13 =	vcmask $0x3330;
	s12 =	sadd.s32 $0x26800, s20;
	s13 =	sadd.s32 $0x27000, s20;
	s0 =	sadd.s32 s25, s0;
	v0 =	vsel vm12, $0x2580, v0  }
0x18: {  	vm14 =	vcmask $0x3734;
	s20 =	simm.s32 $0x2800;
	s21 =	simm.s32 $0x6800;
	[dreg:$0x8] =	wrdreg s23;
	v0 =	vsel vm13, $0x2600, v0  }
0x19: {  	vm15 =	vcmask $0x3B38;
	s25 =	simm.s32 $0x12800;
	[dreg:$0x9] =	wrdreg s24;
	s4 =	sadd.s32 $0x3000, s0;
	v1 =	vsel vm14, $0x2680, v0  }
0x1a: {  	v2 =	vimm.f32 $1.000000000e+00;
	s23 =	simm.s32 $0x1;
	s24 =	simm.s32 $0x80;
	s0 =	simm.s32 $0x0;
	v0 =	vimm.f32 $0.0e+00;
	v1 =	vsel vm15, $0x2700, v1  }
.LBB2_1:
0x1b: {  	s1 =	rddreg [dreg:$0x5]  }
0x1c: {  	[spmem:s18], [sflag:s5] =	dma.local [hbm:s1], $0x400  }
0x1d: {  	_ =	swait.ge [sflag:s19], $0x400  }
0x1e: {  	[sflag:s19] =	ssyncset.done $0x0  }
0x1f: {  	s9 =	rddreg [dreg:$0x6];
	[sflag:s19] =	ssyncadd.s32 $0xFFFFFC00  }
0x20: {  	[tilespmem:s3], [sflag:$0x6] =	stream.linear.gather [hbm4b:s9+s3], $0x2780, $0x38;
	[tilespmem:$0x19040] =	vst v63  }
0x21: {  	s17 =	sand.u32 $0x70, s3;
	s6 =	sand.u32 $0x1C00, s3;
	_ =	swait.ge [sflag:s19], $0x2780  }
0x22: {  	s1 =	sor.u32 s17, s6;
	[sflag:s19] =	ssyncset.done $0x0  }
0x23: {  	s8 =	sadd.s32 $0x12800, s1;
	[sflag:s19] =	ssyncadd.s32 $0xFFFFD880  }
0x24: {  	[tilespmem:s8+$0x280] =	vst v0  }
0x25: {  	[tilespmem:s8+$0x200] =	vst v0  }
0x26: {  	[tilespmem:s8+$0x180] =	vst v0  }
0x27: {  	[tilespmem:s8+$0x100] =	vst v0  }
0x28: {  	[tilespmem:s8+$0x80] =	vst v0  }
0x29: {  	s7 =	simm.s32 $0x0;
	s17 =	sor.u32 s3, s3;
	s6 =	simm.s32 $0x10;
	[tilespmem:s1+$0x12800] =	vst v0  }
.LBB2_2:
0x2a: {  	p0 =	sne.s32 s6, $0x3F0;
	[tilespmem:s8+$0x300] =	vst v0;
	s8 =	sor.u32 $0x380, s17  }
0x2b: {  	[tilespmem:s8+$0x12800] =	vst v0  }
0x2c: {  	[tilespmem:s1+$0x14C00] =	vst v0  }
0x2d: {  	[tilespmem:s1+$0x14C80] =	vst v0  }
0x2e: {  	[tilespmem:s1+$0x14D00] =	vst v0  }
0x2f: {  	[tilespmem:s1+$0x14D80] =	vst v0  }
0x30: {  	s7 =	sadd.s32 $0x80, s7;
	[tilespmem:s1+$0x14E00] =	vst v0  }
0x31: {  	s8 =	sand.u32 $0x70, s6;
	s17 =	sand.u32 $0x1C00, s7;
	[tilespmem:s1+$0x14E80] =	vst v0  }
0x32: {  	s17 =	sor.u32 s8, s17;
	[tilespmem:s1+$0x14F00] =	vst v0  }
0x33: {  	s8 =	sadd.s32 $0x12800, s17;
	[tilespmem:s1+$0x14F80] =	vst v0;
	s1 =	smov.u32 s17  }
0x34: {  	[tilespmem:s8+$0x280] =	vst v0  }
.Ltmp0:
0x35: {  	[tilespmem:s8+$0x200] =	vst v0;
	(pc) =	sbr.rel @p0 .LBB2_2-.Ltmp0, $4  }
0x36: {  	[tilespmem:s8+$0x180] =	vst v0  }
0x37: {  	[tilespmem:s8+$0x100] =	vst v0  }
0x38: {  	[tilespmem:s8+$0x80] =	vst v0  }
0x39: {  	s17 =	sor.u32 s7, s6;
	s6 =	sadd.s32 $0x10, s6;
	[tilespmem:s1+$0x12800] =	vst v0  }
0x3a: {  	[tilespmem:s8+$0x300] =	vst v0;
	s6 =	sor.u32 $0x380, s17  }
0x3b: {  	[tilespmem:s6+$0x12800] =	vst v0  }
0x3c: {  	[tilespmem:s1+$0x14C00] =	vst v0  }
0x3d: {  	[tilespmem:s1+$0x14C80] =	vst v0  }
0x3e: {  	[tilespmem:s1+$0x14D00] =	vst v0  }
0x3f: {  	[tilespmem:s1+$0x14D80] =	vst v0  }
0x40: {  	[tilespmem:s1+$0x14E00] =	vst v0  }
0x41: {  	[tilespmem:s1+$0x14E80] =	vst v0  }
0x42: {  	[tilespmem:s1+$0x14F00] =	vst v0  }
0x43: {  	[tilespmem:s1+$0x14F80] =	vst v0  }
0x44: {  	[bflag:$0x0] =	sbarrier.arrive $0xFFFF  }
0x45: {  	s1 =	simm.s32 $0x0;
	s8 =	rddreg [dreg:$0x7]  }
0x46: {  	[tilespmem:s20], [sflag:$0x1] =	stream.linear.gather [hbm4b:s8+s1], $0x4000, $0x38;
	[tilespmem:$0x19040] =	vst v63  }
0x47: {  	s9 =	rddreg [dreg:$0x8]  }
0x48: {  	[tilespmem:s21], [sflag:$0x2] =	stream.linear.gather [hbm4b:s9+s1], $0x4000, $0x38;
	[tilespmem:$0x19040] =	vst v63  }
0x49: {  	s17 =	rddreg [dreg:$0x9]  }
0x4a: {  	[tilespmem:s22], [sflag:$0x3] =	stream.linear.gather [hbm4b:s17+s1], $0x4000, $0x38;
	[tilespmem:$0x19040] =	vst v63  }
0x4b: {  	s17 =	smov.u32 s4  }
.LBB2_4:
0x4c: {  	_ =	swait.ge [sflag:s23], $0x4000  }
0x4d: {  	[sflag:s23] =	ssyncset.done $0x0  }
0x4e: {  	s6 =	sshra.s32 s1, $0x2;
	[sflag:s23] =	ssyncadd.s32 $0xFFFFC000  }
0x4f: {  	[spmem:s2] =	stream.indirect.scatter.add.f32 [tilespmem:s20], [sflag:$0x5], $0x80, s6, s24, $0xb8;
	[tilespmem:$0x19040] =	vst v63  }
0x50: {  	v3 =	vld [tilespmem:s6+$0x0];
	_ =	sdelay $0x4  }
0x51: {  	v4 =	vshll.u32 v3, $0x3  }
0x52: {  	v3 =	vand.u32 $0x7F, v3;
	v4 =	vand.u32 $0xFFFFFC00, v4  }
0x53: {  	v3 =	vor.u32 v3, v4  }
0x54: {  	v3 =	vadd.s32 v1, v3;
	_ =	sdelay $0x4  }
0x55: {  	[tilespmem:v3+s25+$0x0] =	vst.idx.add.f32.msk $0xffff, v2  }
0x56: {  	v3 =	vld [tilespmem:s6+$0x10];
	_ =	sdelay $0x4  }
0x57: {  	v33 =	vshll.u32 v3, $0x3  }
0x58: {  	v3 =	vand.u32 $0x7F, v3;
	v4 =	vand.u32 $0xFFFFFC00, v33  }
0x59: {  	v3 =	vor.u32 v3, v4  }
0x5a: {  	v3 =	vadd.s32 v1, v3;
	_ =	sdelay $0x4  }
0x5b: {  	[tilespmem:v3+s25+$0x0] =	vst.idx.add.f32.msk $0xffff, v2  }
0x5c: {  	v3 =	vld [tilespmem:s6+$0x20];
	_ =	sdelay $0x4  }
0x5d: {  	v34 =	vshll.u32 v3, $0x3  }
0x5e: {  	v3 =	vand.u32 $0x7F, v3;
	v4 =	vand.u32 $0xFFFFFC00, v34  }
0x5f: {  	v3 =	vor.u32 v3, v4  }
0x60: {  	v3 =	vadd.s32 v1, v3;
	_ =	sdelay $0x4  }
0x61: {  	[tilespmem:v3+s25+$0x0] =	vst.idx.add.f32.msk $0xffff, v2  }
0x62: {  	v3 =	vld [tilespmem:s6+$0x30];
	_ =	sdelay $0x4  }
0x63: {  	v35 =	vshll.u32 v3, $0x3  }
0x64: {  	v3 =	vand.u32 $0x7F, v3;
	v4 =	vand.u32 $0xFFFFFC00, v35  }
0x65: {  	v3 =	vor.u32 v3, v4  }
0x66: {  	v3 =	vadd.s32 v1, v3;
	_ =	sdelay $0x4  }
0x67: {  	[tilespmem:v3+s25+$0x0] =	vst.idx.add.f32.msk $0xffff, v2  }
0x68: {  	v3 =	vld [tilespmem:s6+$0x40];
	_ =	sdelay $0x4  }
0x69: {  	v36 =	vshll.u32 v3, $0x3  }
0x6a: {  	v3 =	vand.u32 $0x7F, v3;
	v4 =	vand.u32 $0xFFFFFC00, v36  }
0x6b: {  	v3 =	vor.u32 v3, v4  }
0x6c: {  	v3 =	vadd.s32 v1, v3;
	_ =	sdelay $0x4  }
0x6d: {  	[tilespmem:v3+s25+$0x0] =	vst.idx.add.f32.msk $0xffff, v2  }
0x6e: {  	v3 =	vld [tilespmem:s6+$0x50];
	_ =	sdelay $0x4  }
0x6f: {  	v37 =	vshll.u32 v3, $0x3  }
0x70: {  	v3 =	vand.u32 $0x7F, v3;
	v4 =	vand.u32 $0xFFFFFC00, v37  }
0x71: {  	v3 =	vor.u32 v3, v4  }
0x72: {  	v3 =	vadd.s32 v1, v3;
	_ =	sdelay $0x4  }
0x73: {  	[tilespmem:v3+s25+$0x0] =	vst.idx.add.f32.msk $0xffff, v2  }
0x74: {  	v3 =	vld [tilespmem:s6+$0x60];
	_ =	sdelay $0x4  }
0x75: {  	v38 =	vshll.u32 v3, $0x3  }
0x76: {  	v3 =	vand.u32 $0x7F, v3;
	v4 =	vand.u32 $0xFFFFFC00, v38  }
0x77: {  	v3 =	vor.u32 v3, v4  }
0x78: {  	v3 =	vadd.s32 v1, v3;
	_ =	sdelay $0x4  }
0x79: {  	[tilespmem:v3+s25+$0x0] =	vst.idx.add.f32.msk $0xffff, v2  }
0x7a: {  	v3 =	vld [tilespmem:s6+$0x70];
	_ =	sdelay $0x4  }
0x7b: {  	v39 =	vshll.u32 v3, $0x3  }
0x7c: {  	v3 =	vand.u32 $0x7F, v3;
	v4 =	vand.u32 $0xFFFFFC00, v39  }
0x7d: {  	v3 =	vor.u32 v3, v4  }
0x7e: {  	v3 =	vadd.s32 v1, v3;
	_ =	sdelay $0x4  }
0x7f: {  	[tilespmem:v3+s25+$0x0] =	vst.idx.add.f32.msk $0xffff, v2  }
0x80: {  	_ =	swait.ge [sflag:s26], $0x4000  }
0x81: {  	[sflag:s26] =	ssyncset.done $0x0  }
0x82: {  	s7 =	sadd.s32 $0xFFFFE800, s17;
	[sflag:s26] =	ssyncadd.s32 $0xFFFFC000  }
0x83: {  	[tilespmem:s28], [sflag:$0x4] =	stream.linear.gather [hbm4b:s7+s3], $0x4000, $0x38;
	[tilespmem:$0x19040] =	vst v63  }
0x84: {  	_ =	swait.ge [sflag:s29], $0x4000  }
0x85: {  	[sflag:s29] =	ssyncset.done $0x0  }
0x86: {  	s9 =	sadd.s32 $0x80, s6;
	[sflag:s29] =	ssyncadd.s32 $0xFFFFC000  }
0x87: {  	[spmem:s2] =	stream.indirect.scatter.add.f32 [tilespmem:s21], [sflag:$0x5], $0x80, s9, s24, $0xb8;
	[tilespmem:$0x19040] =	vst v63  }
0x88: {  	v3 =	vld [tilespmem:s6+$0x80];
	_ =	sdelay $0x4  }
0x89: {  	v40 =	vshll.u32 v3, $0x3  }
0x8a: {  	v3 =	vand.u32 $0x7F, v3;
	v4 =	vand.u32 $0xFFFFFC00, v40  }
0x8b: {  	v3 =	vor.u32 v3, v4  }
0x8c: {  	v3 =	vadd.s32 v1, v3;
	_ =	sdelay $0x4  }
0x8d: {  	[tilespmem:v3+s25+$0x0] =	vst.idx.add.f32.msk $0xffff, v2  }
0x8e: {  	v3 =	vld [tilespmem:s6+$0x90];
	_ =	sdelay $0x4  }
0x8f: {  	v41 =	vshll.u32 v3, $0x3  }
0x90: {  	v3 =	vand.u32 $0x7F, v3;
	v4 =	vand.u32 $0xFFFFFC00, v41  }
0x91: {  	v3 =	vor.u32 v3, v4  }
0x92: {  	v3 =	vadd.s32 v1, v3;
	_ =	sdelay $0x4  }
0x93: {  	[tilespmem:v3+s25+$0x0] =	vst.idx.add.f32.msk $0xffff, v2  }
0x94: {  	v3 =	vld [tilespmem:s6+$0xA0];
	_ =	sdelay $0x4  }
0x95: {  	v42 =	vshll.u32 v3, $0x3  }
0x96: {  	v3 =	vand.u32 $0x7F, v3;
	v4 =	vand.u32 $0xFFFFFC00, v42  }
0x97: {  	v3 =	vor.u32 v3, v4  }
0x98: {  	v3 =	vadd.s32 v1, v3;
	_ =	sdelay $0x4  }
0x99: {  	[tilespmem:v3+s25+$0x0] =	vst.idx.add.f32.msk $0xffff, v2  }
0x9a: {  	v3 =	vld [tilespmem:s6+$0xB0];
	_ =	sdelay $0x4  }
0x9b: {  	v43 =	vshll.u32 v3, $0x3  }
0x9c: {  	v3 =	vand.u32 $0x7F, v3;
	v4 =	vand.u32 $0xFFFFFC00, v43  }
0x9d: {  	v3 =	vor.u32 v3, v4  }
0x9e: {  	v3 =	vadd.s32 v1, v3;
	_ =	sdelay $0x4  }
0x9f: {  	[tilespmem:v3+s25+$0x0] =	vst.idx.add.f32.msk $0xffff, v2  }
0xa0: {  	v3 =	vld [tilespmem:s6+$0xC0];
	_ =	sdelay $0x4  }
0xa1: {  	v44 =	vshll.u32 v3, $0x3  }
0xa2: {  	v3 =	vand.u32 $0x7F, v3;
	v4 =	vand.u32 $0xFFFFFC00, v44  }
0xa3: {  	v3 =	vor.u32 v3, v4  }
0xa4: {  	v3 =	vadd.s32 v1, v3;
	_ =	sdelay $0x4  }
0xa5: {  	[tilespmem:v3+s25+$0x0] =	vst.idx.add.f32.msk $0xffff, v2  }
0xa6: {  	v3 =	vld [tilespmem:s6+$0xD0];
	_ =	sdelay $0x4  }
0xa7: {  	v45 =	vshll.u32 v3, $0x3  }
0xa8: {  	v3 =	vand.u32 $0x7F, v3;
	v4 =	vand.u32 $0xFFFFFC00, v45  }
0xa9: {  	v3 =	vor.u32 v3, v4  }
0xaa: {  	v3 =	vadd.s32 v1, v3;
	_ =	sdelay $0x4  }
0xab: {  	[tilespmem:v3+s25+$0x0] =	vst.idx.add.f32.msk $0xffff, v2  }
0xac: {  	v3 =	vld [tilespmem:s6+$0xE0];
	_ =	sdelay $0x4  }
0xad: {  	v46 =	vshll.u32 v3, $0x3  }
0xae: {  	v3 =	vand.u32 $0x7F, v3;
	v4 =	vand.u32 $0xFFFFFC00, v46  }
0xaf: {  	v3 =	vor.u32 v3, v4  }
0xb0: {  	v3 =	vadd.s32 v1, v3;
	_ =	sdelay $0x4  }
0xb1: {  	[tilespmem:v3+s25+$0x0] =	vst.idx.add.f32.msk $0xffff, v2  }
0xb2: {  	v3 =	vld [tilespmem:s6+$0xF0];
	_ =	sdelay $0x4  }
0xb3: {  	v47 =	vshll.u32 v3, $0x3  }
0xb4: {  	v3 =	vand.u32 $0x7F, v3;
	v4 =	vand.u32 $0xFFFFFC00, v47  }
0xb5: {  	v3 =	vor.u32 v3, v4  }
0xb6: {  	v3 =	vadd.s32 v1, v3;
	_ =	sdelay $0x4  }
0xb7: {  	[tilespmem:v3+s25+$0x0] =	vst.idx.add.f32.msk $0xffff, v2  }
0xb8: {  	_ =	swait.ge [sflag:s26], $0x4000  }
0xb9: {  	[sflag:s26] =	ssyncset.done $0x0  }
0xba: {  	s8 =	sadd.s32 $0xFFFFF000, s17;
	[sflag:s26] =	ssyncadd.s32 $0xFFFFC000  }
0xbb: {  	[tilespmem:s20], [sflag:$0x1] =	stream.linear.gather [hbm4b:s8+s3], $0x4000, $0x38;
	[tilespmem:$0x19040] =	vst v63  }
0xbc: {  	_ =	swait.ge [sflag:s30], $0x4000  }
0xbd: {  	[sflag:s30] =	ssyncset.done $0x0  }
0xbe: {  	s9 =	sadd.s32 $0x100, s6;
	[sflag:s30] =	ssyncadd.s32 $0xFFFFC000  }
0xbf: {  	[spmem:s2] =	stream.indirect.scatter.add.f32 [tilespmem:s22], [sflag:$0x5], $0x80, s9, s24, $0xb8;
	[tilespmem:$0x19040] =	vst v63  }
0xc0: {  	v3 =	vld [tilespmem:s6+$0x100];
	_ =	sdelay $0x4  }
0xc1: {  	v48 =	vshll.u32 v3, $0x3  }
0xc2: {  	v3 =	vand.u32 $0x7F, v3;
	v4 =	vand.u32 $0xFFFFFC00, v48  }
0xc3: {  	v3 =	vor.u32 v3, v4  }
0xc4: {  	v3 =	vadd.s32 v1, v3;
	_ =	sdelay $0x4  }
0xc5: {  	[tilespmem:v3+s25+$0x0] =	vst.idx.add.f32.msk $0xffff, v2  }
0xc6: {  	v3 =	vld [tilespmem:s6+$0x110];
	_ =	sdelay $0x4  }
0xc7: {  	v49 =	vshll.u32 v3, $0x3  }
0xc8: {  	v3 =	vand.u32 $0x7F, v3;
	v4 =	vand.u32 $0xFFFFFC00, v49  }
0xc9: {  	v3 =	vor.u32 v3, v4  }
0xca: {  	v3 =	vadd.s32 v1, v3;
	_ =	sdelay $0x4  }
0xcb: {  	[tilespmem:v3+s25+$0x0] =	vst.idx.add.f32.msk $0xffff, v2  }
0xcc: {  	v3 =	vld [tilespmem:s6+$0x120];
	_ =	sdelay $0x4  }
0xcd: {  	v50 =	vshll.u32 v3, $0x3  }
0xce: {  	v3 =	vand.u32 $0x7F, v3;
	v4 =	vand.u32 $0xFFFFFC00, v50  }
0xcf: {  	v3 =	vor.u32 v3, v4  }
0xd0: {  	v3 =	vadd.s32 v1, v3;
	_ =	sdelay $0x4  }
0xd1: {  	[tilespmem:v3+s25+$0x0] =	vst.idx.add.f32.msk $0xffff, v2  }
0xd2: {  	v3 =	vld [tilespmem:s6+$0x130];
	_ =	sdelay $0x4  }
0xd3: {  	v51 =	vshll.u32 v3, $0x3  }
0xd4: {  	v3 =	vand.u32 $0x7F, v3;
	v4 =	vand.u32 $0xFFFFFC00, v51  }
0xd5: {  	v3 =	vor.u32 v3, v4  }
0xd6: {  	v3 =	vadd.s32 v1, v3;
	_ =	sdelay $0x4  }
0xd7: {  	[tilespmem:v3+s25+$0x0] =	vst.idx.add.f32.msk $0xffff, v2  }
0xd8: {  	v3 =	vld [tilespmem:s6+$0x140];
	_ =	sdelay $0x4  }
0xd9: {  	v52 =	vshll.u32 v3, $0x3  }
0xda: {  	v3 =	vand.u32 $0x7F, v3;
	v4 =	vand.u32 $0xFFFFFC00, v52  }
0xdb: {  	v3 =	vor.u32 v3, v4  }
0xdc: {  	v3 =	vadd.s32 v1, v3;
	_ =	sdelay $0x4  }
0xdd: {  	[tilespmem:v3+s25+$0x0] =	vst.idx.add.f32.msk $0xffff, v2  }
0xde: {  	v3 =	vld [tilespmem:s6+$0x150];
	_ =	sdelay $0x4  }
0xdf: {  	v53 =	vshll.u32 v3, $0x3  }
0xe0: {  	v3 =	vand.u32 $0x7F, v3;
	v4 =	vand.u32 $0xFFFFFC00, v53  }
0xe1: {  	v3 =	vor.u32 v3, v4  }
0xe2: {  	v3 =	vadd.s32 v1, v3;
	_ =	sdelay $0x4  }
0xe3: {  	[tilespmem:v3+s25+$0x0] =	vst.idx.add.f32.msk $0xffff, v2  }
0xe4: {  	v3 =	vld [tilespmem:s6+$0x160];
	_ =	sdelay $0x4  }
0xe5: {  	v54 =	vshll.u32 v3, $0x3  }
0xe6: {  	v3 =	vand.u32 $0x7F, v3;
	v4 =	vand.u32 $0xFFFFFC00, v54  }
0xe7: {  	v3 =	vor.u32 v3, v4  }
0xe8: {  	v3 =	vadd.s32 v1, v3;
	_ =	sdelay $0x4  }
0xe9: {  	[tilespmem:v3+s25+$0x0] =	vst.idx.add.f32.msk $0xffff, v2  }
0xea: {  	v3 =	vld [tilespmem:s6+$0x170];
	_ =	sdelay $0x4  }
0xeb: {  	v55 =	vshll.u32 v3, $0x3  }
0xec: {  	v3 =	vand.u32 $0x7F, v3;
	v4 =	vand.u32 $0xFFFFFC00, v55  }
0xed: {  	v3 =	vor.u32 v3, v4  }
0xee: {  	v3 =	vadd.s32 v1, v3;
	_ =	sdelay $0x4  }
0xef: {  	[tilespmem:v3+s25+$0x0] =	vst.idx.add.f32.msk $0xffff, v2  }
0xf0: {  	_ =	swait.ge [sflag:s26], $0x4000  }
0xf1: {  	[sflag:s26] =	ssyncset.done $0x0  }
0xf2: {  	s8 =	sadd.s32 $0xFFFFF800, s17;
	[sflag:s26] =	ssyncadd.s32 $0xFFFFC000  }
0xf3: {  	[tilespmem:s21], [sflag:$0x2] =	stream.linear.gather [hbm4b:s8+s3], $0x4000, $0x38;
	[tilespmem:$0x19040] =	vst v63  }
0xf4: {  	_ =	swait.ge [sflag:s31], $0x4000  }
0xf5: {  	[sflag:s31] =	ssyncset.done $0x0  }
0xf6: {  	s9 =	sadd.s32 $0x180, s6;
	[sflag:s31] =	ssyncadd.s32 $0xFFFFC000  }
0xf7: {  	[spmem:s2] =	stream.indirect.scatter.add.f32 [tilespmem:s28], [sflag:$0x5], $0x80, s9, s24, $0xb8;
	[tilespmem:$0x19040] =	vst v63  }
0xf8: {  	v3 =	vld [tilespmem:s6+$0x180];
	_ =	sdelay $0x4  }
0xf9: {  	v56 =	vshll.u32 v3, $0x3  }
0xfa: {  	v3 =	vand.u32 $0x7F, v3;
	v4 =	vand.u32 $0xFFFFFC00, v56  }
0xfb: {  	v3 =	vor.u32 v3, v4  }
0xfc: {  	v3 =	vadd.s32 v1, v3;
	_ =	sdelay $0x4  }
0xfd: {  	[tilespmem:v3+s25+$0x0] =	vst.idx.add.f32.msk $0xffff, v2  }
0xfe: {  	v3 =	vld [tilespmem:s6+$0x190];
	_ =	sdelay $0x4  }
0xff: {  	v57 =	vshll.u32 v3, $0x3  }
0x100: {  	v3 =	vand.u32 $0x7F, v3;
	v4 =	vand.u32 $0xFFFFFC00, v57  }
0x101: {  	v3 =	vor.u32 v3, v4  }
0x102: {  	v3 =	vadd.s32 v1, v3;
	_ =	sdelay $0x4  }
0x103: {  	[tilespmem:v3+s25+$0x0] =	vst.idx.add.f32.msk $0xffff, v2  }
0x104: {  	v3 =	vld [tilespmem:s6+$0x1A0];
	_ =	sdelay $0x4  }
0x105: {  	v58 =	vshll.u32 v3, $0x3  }
0x106: {  	v3 =	vand.u32 $0x7F, v3;
	v4 =	vand.u32 $0xFFFFFC00, v58  }
0x107: {  	v3 =	vor.u32 v3, v4  }
0x108: {  	v3 =	vadd.s32 v1, v3;
	_ =	sdelay $0x4  }
0x109: {  	[tilespmem:v3+s25+$0x0] =	vst.idx.add.f32.msk $0xffff, v2  }
0x10a: {  	v3 =	vld [tilespmem:s6+$0x1B0];
	_ =	sdelay $0x4  }
0x10b: {  	v59 =	vshll.u32 v3, $0x3  }
0x10c: {  	v3 =	vand.u32 $0x7F, v3;
	v4 =	vand.u32 $0xFFFFFC00, v59  }
0x10d: {  	v3 =	vor.u32 v3, v4  }
0x10e: {  	v3 =	vadd.s32 v1, v3;
	_ =	sdelay $0x4  }
0x10f: {  	[tilespmem:v3+s25+$0x0] =	vst.idx.add.f32.msk $0xffff, v2  }
0x110: {  	v3 =	vld [tilespmem:s6+$0x1C0];
	_ =	sdelay $0x4  }
0x111: {  	v60 =	vshll.u32 v3, $0x3  }
0x112: {  	v3 =	vand.u32 $0x7F, v3;
	v4 =	vand.u32 $0xFFFFFC00, v60  }
0x113: {  	v3 =	vor.u32 v3, v4  }
0x114: {  	v3 =	vadd.s32 v1, v3;
	_ =	sdelay $0x4  }
0x115: {  	[tilespmem:v3+s25+$0x0] =	vst.idx.add.f32.msk $0xffff, v2  }
0x116: {  	v3 =	vld [tilespmem:s6+$0x1D0];
	_ =	sdelay $0x4  }
0x117: {  	v61 =	vshll.u32 v3, $0x3  }
0x118: {  	v3 =	vand.u32 $0x7F, v3;
	v4 =	vand.u32 $0xFFFFFC00, v61  }
0x119: {  	v3 =	vor.u32 v3, v4  }
0x11a: {  	v3 =	vadd.s32 v1, v3;
	_ =	sdelay $0x4  }
0x11b: {  	[tilespmem:v3+s25+$0x0] =	vst.idx.add.f32.msk $0xffff, v2  }
0x11c: {  	v3 =	vld [tilespmem:s6+$0x1E0];
	_ =	sdelay $0x4  }
0x11d: {  	v62 =	vshll.u32 v3, $0x3  }
0x11e: {  	v3 =	vand.u32 $0x7F, v3;
	v4 =	vand.u32 $0xFFFFFC00, v62  }
0x11f: {  	v3 =	vor.u32 v3, v4  }
0x120: {  	v3 =	vadd.s32 v1, v3;
	_ =	sdelay $0x4  }
0x121: {  	[tilespmem:v3+s25+$0x0] =	vst.idx.add.f32.msk $0xffff, v2  }
0x122: {  	v3 =	vld [tilespmem:s6+$0x1F0];
	_ =	sdelay $0x4  }
0x123: {  	v63 =	vshll.u32 v3, $0x3  }
0x124: {  	v3 =	vand.u32 $0x7F, v3;
	v4 =	vand.u32 $0xFFFFFC00, v63  }
0x125: {  	v3 =	vor.u32 v3, v4  }
0x126: {  	v3 =	vadd.s32 v1, v3;
	_ =	sdelay $0x4  }
0x127: {  	p0 =	sne.s32 s1, $0x8800;
	[tilespmem:v3+s25+$0x0] =	vst.idx.add.f32.msk $0xffff, v2  }
.Ltmp1:
0x128: {  	_ =	swait.ge [sflag:s26], $0x4000;
	(pc) =	sbr.rel @p0 .LBB2_4-.Ltmp1, $4  }
0x129: {  	[sflag:s26] =	ssyncset.done $0x0  }
0x12a: {  	[sflag:s26] =	ssyncadd.s32 $0xFFFFC000  }
0x12b: {  	[tilespmem:s22], [sflag:$0x3] =	stream.linear.gather [hbm4b:s17+s3], $0x4000, $0x38;
	[tilespmem:$0x19040] =	vst v63  }
0x12c: {  	s1 =	sadd.s32 $0x800, s1;
	s17 =	sadd.s32 $0x2000, s17  }
0x12d: {  	_ =	swait.ge [sflag:s23], $0x4000  }
0x12e: {  	[sflag:s23] =	ssyncset.done $0x0  }
0x12f: {  	s1 =	simm.s32 $0x2400;
	[sflag:s23] =	ssyncadd.s32 $0xFFFFC000  }
0x130: {  	[spmem:s2] =	stream.indirect.scatter.add.f32 [tilespmem:s20], [sflag:$0x5], $0x80, s1, s24, $0xb8;
	[tilespmem:$0x19040] =	vst v63  }
0x131: {  	v3 =	vld [tilespmem:$0x2400];
	_ =	sdelay $0x4  }
0x132: {  	v4 =	vshll.u32 v3, $0x3  }
0x133: {  	v3 =	vand.u32 $0x7F, v3;
	v4 =	vand.u32 $0xFFFFFC00, v4  }
0x134: {  	v3 =	vor.u32 v3, v4  }
0x135: {  	v3 =	vadd.s32 v1, v3;
	_ =	sdelay $0x4  }
0x136: {  	[tilespmem:v3+s25+$0x0] =	vst.idx.add.f32.msk $0xffff, v2  }
0x137: {  	v3 =	vld [tilespmem:$0x2410];
	_ =	sdelay $0x4  }
0x138: {  	v4 =	vshll.u32 v3, $0x3  }
0x139: {  	v3 =	vand.u32 $0x7F, v3;
	v4 =	vand.u32 $0xFFFFFC00, v4  }
0x13a: {  	v3 =	vor.u32 v3, v4  }
0x13b: {  	v3 =	vadd.s32 v1, v3;
	_ =	sdelay $0x4  }
0x13c: {  	[tilespmem:v3+s25+$0x0] =	vst.idx.add.f32.msk $0xffff, v2  }
0x13d: {  	v3 =	vld [tilespmem:$0x2420];
	_ =	sdelay $0x4  }
0x13e: {  	v4 =	vshll.u32 v3, $0x3  }
0x13f: {  	v3 =	vand.u32 $0x7F, v3;
	v4 =	vand.u32 $0xFFFFFC00, v4  }
0x140: {  	v3 =	vor.u32 v3, v4  }
0x141: {  	v3 =	vadd.s32 v1, v3;
	_ =	sdelay $0x4  }
0x142: {  	[tilespmem:v3+s25+$0x0] =	vst.idx.add.f32.msk $0xffff, v2  }
0x143: {  	v3 =	vld [tilespmem:$0x2430];
	_ =	sdelay $0x4  }
0x144: {  	v4 =	vshll.u32 v3, $0x3  }
0x145: {  	v3 =	vand.u32 $0x7F, v3;
	v4 =	vand.u32 $0xFFFFFC00, v4  }
0x146: {  	v3 =	vor.u32 v3, v4  }
0x147: {  	v3 =	vadd.s32 v1, v3;
	_ =	sdelay $0x4  }
0x148: {  	[tilespmem:v3+s25+$0x0] =	vst.idx.add.f32.msk $0xffff, v2  }
0x149: {  	v3 =	vld [tilespmem:$0x2440];
	_ =	sdelay $0x4  }
0x14a: {  	v4 =	vshll.u32 v3, $0x3  }
0x14b: {  	v3 =	vand.u32 $0x7F, v3;
	v4 =	vand.u32 $0xFFFFFC00, v4  }
0x14c: {  	v3 =	vor.u32 v3, v4  }
0x14d: {  	v3 =	vadd.s32 v1, v3;
	_ =	sdelay $0x4  }
0x14e: {  	[tilespmem:v3+s25+$0x0] =	vst.idx.add.f32.msk $0xffff, v2  }
0x14f: {  	v3 =	vld [tilespmem:$0x2450];
	_ =	sdelay $0x4  }
0x150: {  	v4 =	vshll.u32 v3, $0x3  }
0x151: {  	v3 =	vand.u32 $0x7F, v3;
	v4 =	vand.u32 $0xFFFFFC00, v4  }
0x152: {  	v3 =	vor.u32 v3, v4  }
0x153: {  	v3 =	vadd.s32 v1, v3;
	_ =	sdelay $0x4  }
0x154: {  	[tilespmem:v3+s25+$0x0] =	vst.idx.add.f32.msk $0xffff, v2  }
0x155: {  	v3 =	vld [tilespmem:$0x2460];
	_ =	sdelay $0x4  }
0x156: {  	v4 =	vshll.u32 v3, $0x3  }
0x157: {  	v3 =	vand.u32 $0x7F, v3;
	v4 =	vand.u32 $0xFFFFFC00, v4  }
0x158: {  	v3 =	vor.u32 v3, v4  }
0x159: {  	v3 =	vadd.s32 v1, v3;
	_ =	sdelay $0x4  }
0x15a: {  	[tilespmem:v3+s25+$0x0] =	vst.idx.add.f32.msk $0xffff, v2  }
0x15b: {  	v3 =	vld [tilespmem:$0x2470];
	_ =	sdelay $0x4  }
0x15c: {  	v4 =	vshll.u32 v3, $0x3  }
0x15d: {  	v3 =	vand.u32 $0x7F, v3;
	v4 =	vand.u32 $0xFFFFFC00, v4  }
0x15e: {  	v3 =	vor.u32 v3, v4  }
0x15f: {  	v3 =	vadd.s32 v1, v3;
	_ =	sdelay $0x4  }
0x160: {  	[tilespmem:v3+s25+$0x0] =	vst.idx.add.f32.msk $0xffff, v2  }
0x161: {  	_ =	swait.ge [sflag:s26], $0x4000  }
0x162: {  	[sflag:s26] =	ssyncset.done $0x0  }
0x163: {  	s1 =	simm.s32 $0x0;
	[sflag:s26] =	ssyncadd.s32 $0xFFFFC000  }
0x164: {  	[tilespmem:s28], [sflag:$0x4] =	stream.linear.gather [hbm4b:s10+s1], $0x4000, $0x38;
	[tilespmem:$0x19040] =	vst v63  }
0x165: {  	_ =	swait.ge [sflag:s29], $0x4000  }
0x166: {  	[sflag:s29] =	ssyncset.done $0x0  }
0x167: {  	s6 =	simm.s32 $0x2480;
	[sflag:s29] =	ssyncadd.s32 $0xFFFFC000  }
0x168: {  	[spmem:s2] =	stream.indirect.scatter.add.f32 [tilespmem:s21], [sflag:$0x5], $0x80, s6, s24, $0xb8;
	[tilespmem:$0x19040] =	vst v63  }
0x169: {  	v3 =	vld [tilespmem:$0x2480];
	_ =	sdelay $0x4  }
0x16a: {  	v4 =	vshll.u32 v3, $0x3  }
0x16b: {  	v3 =	vand.u32 $0x7F, v3;
	v4 =	vand.u32 $0xFFFFFC00, v4  }
0x16c: {  	v3 =	vor.u32 v3, v4  }
0x16d: {  	v3 =	vadd.s32 v1, v3;
	_ =	sdelay $0x4  }
0x16e: {  	[tilespmem:v3+s25+$0x0] =	vst.idx.add.f32.msk $0xffff, v2  }
0x16f: {  	v3 =	vld [tilespmem:$0x2490];
	_ =	sdelay $0x4  }
0x170: {  	v4 =	vshll.u32 v3, $0x3  }
0x171: {  	v3 =	vand.u32 $0x7F, v3;
	v4 =	vand.u32 $0xFFFFFC00, v4  }
0x172: {  	v3 =	vor.u32 v3, v4  }
0x173: {  	v3 =	vadd.s32 v1, v3;
	_ =	sdelay $0x4  }
0x174: {  	[tilespmem:v3+s25+$0x0] =	vst.idx.add.f32.msk $0xffff, v2  }
0x175: {  	v3 =	vld [tilespmem:$0x24A0];
	_ =	sdelay $0x4  }
0x176: {  	v4 =	vshll.u32 v3, $0x3  }
0x177: {  	v3 =	vand.u32 $0x7F, v3;
	v4 =	vand.u32 $0xFFFFFC00, v4  }
0x178: {  	v3 =	vor.u32 v3, v4  }
0x179: {  	v3 =	vadd.s32 v1, v3;
	_ =	sdelay $0x4  }
0x17a: {  	[tilespmem:v3+s25+$0x0] =	vst.idx.add.f32.msk $0xffff, v2  }
0x17b: {  	v3 =	vld [tilespmem:$0x24B0];
	_ =	sdelay $0x4  }
0x17c: {  	v4 =	vshll.u32 v3, $0x3  }
0x17d: {  	v3 =	vand.u32 $0x7F, v3;
	v4 =	vand.u32 $0xFFFFFC00, v4  }
0x17e: {  	v3 =	vor.u32 v3, v4  }
0x17f: {  	v3 =	vadd.s32 v1, v3;
	_ =	sdelay $0x4  }
0x180: {  	[tilespmem:v3+s25+$0x0] =	vst.idx.add.f32.msk $0xffff, v2  }
0x181: {  	v3 =	vld [tilespmem:$0x24C0];
	_ =	sdelay $0x4  }
0x182: {  	v4 =	vshll.u32 v3, $0x3  }
0x183: {  	v3 =	vand.u32 $0x7F, v3;
	v4 =	vand.u32 $0xFFFFFC00, v4  }
0x184: {  	v3 =	vor.u32 v3, v4  }
0x185: {  	v3 =	vadd.s32 v1, v3;
	_ =	sdelay $0x4  }
0x186: {  	[tilespmem:v3+s25+$0x0] =	vst.idx.add.f32.msk $0xffff, v2  }
0x187: {  	v3 =	vld [tilespmem:$0x24D0];
	_ =	sdelay $0x4  }
0x188: {  	v4 =	vshll.u32 v3, $0x3  }
0x189: {  	v3 =	vand.u32 $0x7F, v3;
	v4 =	vand.u32 $0xFFFFFC00, v4  }
0x18a: {  	v3 =	vor.u32 v3, v4  }
0x18b: {  	v3 =	vadd.s32 v1, v3;
	_ =	sdelay $0x4  }
0x18c: {  	[tilespmem:v3+s25+$0x0] =	vst.idx.add.f32.msk $0xffff, v2  }
0x18d: {  	v3 =	vld [tilespmem:$0x24E0];
	_ =	sdelay $0x4  }
0x18e: {  	v4 =	vshll.u32 v3, $0x3  }
0x18f: {  	v3 =	vand.u32 $0x7F, v3;
	v4 =	vand.u32 $0xFFFFFC00, v4  }
0x190: {  	v3 =	vor.u32 v3, v4  }
0x191: {  	v3 =	vadd.s32 v1, v3;
	_ =	sdelay $0x4  }
0x192: {  	[tilespmem:v3+s25+$0x0] =	vst.idx.add.f32.msk $0xffff, v2  }
0x193: {  	v3 =	vld [tilespmem:$0x24F0];
	_ =	sdelay $0x4  }
0x194: {  	v4 =	vshll.u32 v3, $0x3  }
0x195: {  	v3 =	vand.u32 $0x7F, v3;
	v4 =	vand.u32 $0xFFFFFC00, v4  }
0x196: {  	v3 =	vor.u32 v3, v4  }
0x197: {  	v3 =	vadd.s32 v1, v3;
	_ =	sdelay $0x4  }
0x198: {  	[tilespmem:v3+s25+$0x0] =	vst.idx.add.f32.msk $0xffff, v2  }
0x199: {  	_ =	swait.ge [sflag:s26], $0x4000  }
0x19a: {  	[sflag:s26] =	ssyncset.done $0x0  }
0x19b: {  	[sflag:s26] =	ssyncadd.s32 $0xFFFFC000  }
0x19c: {  	[tilespmem:s20], [sflag:$0x1] =	stream.linear.gather [hbm4b:s11+s1], $0x4000, $0x38;
	[tilespmem:$0x19040] =	vst v63  }
0x19d: {  	_ =	swait.ge [sflag:s30], $0x4000  }
0x19e: {  	[sflag:s30] =	ssyncset.done $0x0  }
0x19f: {  	s7 =	simm.s32 $0x2500;
	[sflag:s30] =	ssyncadd.s32 $0xFFFFC000  }
0x1a0: {  	[spmem:s2] =	stream.indirect.scatter.add.f32 [tilespmem:s22], [sflag:$0x5], $0x80, s7, s24, $0xb8;
	[tilespmem:$0x19040] =	vst v63  }
0x1a1: {  	v3 =	vld [tilespmem:$0x2500];
	_ =	sdelay $0x4  }
0x1a2: {  	v4 =	vshll.u32 v3, $0x3  }
0x1a3: {  	v3 =	vand.u32 $0x7F, v3;
	v4 =	vand.u32 $0xFFFFFC00, v4  }
0x1a4: {  	v3 =	vor.u32 v3, v4  }
0x1a5: {  	v3 =	vadd.s32 v1, v3;
	_ =	sdelay $0x4  }
0x1a6: {  	[tilespmem:v3+s25+$0x0] =	vst.idx.add.f32.msk $0xffff, v2  }
0x1a7: {  	v3 =	vld [tilespmem:$0x2510];
	_ =	sdelay $0x4  }
0x1a8: {  	v4 =	vshll.u32 v3, $0x3  }
0x1a9: {  	v3 =	vand.u32 $0x7F, v3;
	v4 =	vand.u32 $0xFFFFFC00, v4  }
0x1aa: {  	v3 =	vor.u32 v3, v4  }
0x1ab: {  	v3 =	vadd.s32 v1, v3;
	_ =	sdelay $0x4  }
0x1ac: {  	[tilespmem:v3+s25+$0x0] =	vst.idx.add.f32.msk $0xffff, v2  }
0x1ad: {  	v3 =	vld [tilespmem:$0x2520];
	_ =	sdelay $0x4  }
0x1ae: {  	v4 =	vshll.u32 v3, $0x3  }
0x1af: {  	v3 =	vand.u32 $0x7F, v3;
	v4 =	vand.u32 $0xFFFFFC00, v4  }
0x1b0: {  	v3 =	vor.u32 v3, v4  }
0x1b1: {  	v3 =	vadd.s32 v1, v3;
	_ =	sdelay $0x4  }
0x1b2: {  	[tilespmem:v3+s25+$0x0] =	vst.idx.add.f32.msk $0xffff, v2  }
0x1b3: {  	v3 =	vld [tilespmem:$0x2530];
	_ =	sdelay $0x4  }
0x1b4: {  	v4 =	vshll.u32 v3, $0x3  }
0x1b5: {  	v3 =	vand.u32 $0x7F, v3;
	v4 =	vand.u32 $0xFFFFFC00, v4  }
0x1b6: {  	v3 =	vor.u32 v3, v4  }
0x1b7: {  	v3 =	vadd.s32 v1, v3;
	_ =	sdelay $0x4  }
0x1b8: {  	[tilespmem:v3+s25+$0x0] =	vst.idx.add.f32.msk $0xffff, v2  }
0x1b9: {  	v3 =	vld [tilespmem:$0x2540];
	_ =	sdelay $0x4  }
0x1ba: {  	v4 =	vshll.u32 v3, $0x3  }
0x1bb: {  	v3 =	vand.u32 $0x7F, v3;
	v4 =	vand.u32 $0xFFFFFC00, v4  }
0x1bc: {  	v3 =	vor.u32 v3, v4  }
0x1bd: {  	v3 =	vadd.s32 v1, v3;
	_ =	sdelay $0x4  }
0x1be: {  	[tilespmem:v3+s25+$0x0] =	vst.idx.add.f32.msk $0xffff, v2  }
0x1bf: {  	v3 =	vld [tilespmem:$0x2550];
	_ =	sdelay $0x4  }
0x1c0: {  	v4 =	vshll.u32 v3, $0x3  }
0x1c1: {  	v3 =	vand.u32 $0x7F, v3;
	v4 =	vand.u32 $0xFFFFFC00, v4  }
0x1c2: {  	v3 =	vor.u32 v3, v4  }
0x1c3: {  	v3 =	vadd.s32 v1, v3;
	_ =	sdelay $0x4  }
0x1c4: {  	[tilespmem:v3+s25+$0x0] =	vst.idx.add.f32.msk $0xffff, v2  }
0x1c5: {  	v3 =	vld [tilespmem:$0x2560];
	_ =	sdelay $0x4  }
0x1c6: {  	v4 =	vshll.u32 v3, $0x3  }
0x1c7: {  	v3 =	vand.u32 $0x7F, v3;
	v4 =	vand.u32 $0xFFFFFC00, v4  }
0x1c8: {  	v3 =	vor.u32 v3, v4  }
0x1c9: {  	v3 =	vadd.s32 v1, v3;
	_ =	sdelay $0x4  }
0x1ca: {  	[tilespmem:v3+s25+$0x0] =	vst.idx.add.f32.msk $0xffff, v2  }
0x1cb: {  	v3 =	vld [tilespmem:$0x2570];
	_ =	sdelay $0x4  }
0x1cc: {  	v4 =	vshll.u32 v3, $0x3  }
0x1cd: {  	v3 =	vand.u32 $0x7F, v3;
	v4 =	vand.u32 $0xFFFFFC00, v4  }
0x1ce: {  	v3 =	vor.u32 v3, v4  }
0x1cf: {  	v3 =	vadd.s32 v1, v3;
	_ =	sdelay $0x4  }
0x1d0: {  	[tilespmem:v3+s25+$0x0] =	vst.idx.add.f32.msk $0xffff, v2  }
0x1d1: {  	_ =	swait.ge [sflag:s26], $0x4000  }
0x1d2: {  	[sflag:s26] =	ssyncset.done $0x0  }
0x1d3: {  	[sflag:s26] =	ssyncadd.s32 $0xFFFFC000  }
0x1d4: {  	[tilespmem:s21], [sflag:$0x2] =	stream.linear.gather [hbm4b:s12+s1], $0x4000, $0x38;
	[tilespmem:$0x19040] =	vst v63  }
0x1d5: {  	_ =	swait.ge [sflag:s31], $0x4000  }
0x1d6: {  	[sflag:s31] =	ssyncset.done $0x0  }
0x1d7: {  	s8 =	simm.s32 $0x2580;
	[sflag:s31] =	ssyncadd.s32 $0xFFFFC000  }
0x1d8: {  	[spmem:s2] =	stream.indirect.scatter.add.f32 [tilespmem:s28], [sflag:$0x5], $0x80, s8, s24, $0xb8;
	[tilespmem:$0x19040] =	vst v63  }
0x1d9: {  	v3 =	vld [tilespmem:$0x2580];
	_ =	sdelay $0x4  }
0x1da: {  	v4 =	vshll.u32 v3, $0x3  }
0x1db: {  	v3 =	vand.u32 $0x7F, v3;
	v4 =	vand.u32 $0xFFFFFC00, v4  }
0x1dc: {  	v3 =	vor.u32 v3, v4  }
0x1dd: {  	v3 =	vadd.s32 v1, v3;
	_ =	sdelay $0x4  }
0x1de: {  	[tilespmem:v3+s25+$0x0] =	vst.idx.add.f32.msk $0xffff, v2  }
0x1df: {  	v3 =	vld [tilespmem:$0x2590];
	_ =	sdelay $0x4  }
0x1e0: {  	v4 =	vshll.u32 v3, $0x3  }
0x1e1: {  	v3 =	vand.u32 $0x7F, v3;
	v4 =	vand.u32 $0xFFFFFC00, v4  }
0x1e2: {  	v3 =	vor.u32 v3, v4  }
0x1e3: {  	v3 =	vadd.s32 v1, v3;
	_ =	sdelay $0x4  }
0x1e4: {  	[tilespmem:v3+s25+$0x0] =	vst.idx.add.f32.msk $0xffff, v2  }
0x1e5: {  	v3 =	vld [tilespmem:$0x25A0];
	_ =	sdelay $0x4  }
0x1e6: {  	v4 =	vshll.u32 v3, $0x3  }
0x1e7: {  	v3 =	vand.u32 $0x7F, v3;
	v4 =	vand.u32 $0xFFFFFC00, v4  }
0x1e8: {  	v3 =	vor.u32 v3, v4  }
0x1e9: {  	v3 =	vadd.s32 v1, v3;
	_ =	sdelay $0x4  }
0x1ea: {  	[tilespmem:v3+s25+$0x0] =	vst.idx.add.f32.msk $0xffff, v2  }
0x1eb: {  	v3 =	vld [tilespmem:$0x25B0];
	_ =	sdelay $0x4  }
0x1ec: {  	v4 =	vshll.u32 v3, $0x3  }
0x1ed: {  	v3 =	vand.u32 $0x7F, v3;
	v4 =	vand.u32 $0xFFFFFC00, v4  }
0x1ee: {  	v3 =	vor.u32 v3, v4  }
0x1ef: {  	v3 =	vadd.s32 v1, v3;
	_ =	sdelay $0x4  }
0x1f0: {  	[tilespmem:v3+s25+$0x0] =	vst.idx.add.f32.msk $0xffff, v2  }
0x1f1: {  	v3 =	vld [tilespmem:$0x25C0];
	_ =	sdelay $0x4  }
0x1f2: {  	v4 =	vshll.u32 v3, $0x3  }
0x1f3: {  	v3 =	vand.u32 $0x7F, v3;
	v4 =	vand.u32 $0xFFFFFC00, v4  }
0x1f4: {  	v3 =	vor.u32 v3, v4  }
0x1f5: {  	v3 =	vadd.s32 v1, v3;
	_ =	sdelay $0x4  }
0x1f6: {  	[tilespmem:v3+s25+$0x0] =	vst.idx.add.f32.msk $0xffff, v2  }
0x1f7: {  	v3 =	vld [tilespmem:$0x25D0];
	_ =	sdelay $0x4  }
0x1f8: {  	v4 =	vshll.u32 v3, $0x3  }
0x1f9: {  	v3 =	vand.u32 $0x7F, v3;
	v4 =	vand.u32 $0xFFFFFC00, v4  }
0x1fa: {  	v3 =	vor.u32 v3, v4  }
0x1fb: {  	v3 =	vadd.s32 v1, v3;
	_ =	sdelay $0x4  }
0x1fc: {  	[tilespmem:v3+s25+$0x0] =	vst.idx.add.f32.msk $0xffff, v2  }
0x1fd: {  	v3 =	vld [tilespmem:$0x25E0];
	_ =	sdelay $0x4  }
0x1fe: {  	v4 =	vshll.u32 v3, $0x3  }
0x1ff: {  	v3 =	vand.u32 $0x7F, v3;
	v4 =	vand.u32 $0xFFFFFC00, v4  }
0x200: {  	v3 =	vor.u32 v3, v4  }
0x201: {  	v3 =	vadd.s32 v1, v3;
	_ =	sdelay $0x4  }
0x202: {  	[tilespmem:v3+s25+$0x0] =	vst.idx.add.f32.msk $0xffff, v2  }
0x203: {  	v3 =	vld [tilespmem:$0x25F0];
	_ =	sdelay $0x4  }
0x204: {  	v4 =	vshll.u32 v3, $0x3  }
0x205: {  	v3 =	vand.u32 $0x7F, v3;
	v4 =	vand.u32 $0xFFFFFC00, v4  }
0x206: {  	v3 =	vor.u32 v3, v4  }
0x207: {  	v3 =	vadd.s32 v1, v3;
	_ =	sdelay $0x4  }
0x208: {  	[tilespmem:v3+s25+$0x0] =	vst.idx.add.f32.msk $0xffff, v2  }
0x209: {  	_ =	swait.ge [sflag:s26], $0x4000  }
0x20a: {  	[sflag:s26] =	ssyncset.done $0x0  }
0x20b: {  	[sflag:s26] =	ssyncadd.s32 $0xFFFFC000  }
0x20c: {  	[tilespmem:s22], [sflag:$0x3] =	stream.linear.gather [hbm4b:s13+s1], $0x800, $0x38;
	[tilespmem:$0x19040] =	vst v63  }
0x20d: {  	_ =	swait.ge [sflag:s23], $0x4000  }
0x20e: {  	[sflag:s23] =	ssyncset.done $0x0  }
0x20f: {  	s9 =	simm.s32 $0x2600;
	[sflag:s23] =	ssyncadd.s32 $0xFFFFC000  }
0x210: {  	[spmem:s2] =	stream.indirect.scatter.add.f32 [tilespmem:s20], [sflag:$0x5], $0x80, s9, s24, $0xb8;
	[tilespmem:$0x19040] =	vst v63  }
0x211: {  	v3 =	vld [tilespmem:$0x2600];
	_ =	sdelay $0x4  }
0x212: {  	v4 =	vshll.u32 v3, $0x3  }
0x213: {  	v3 =	vand.u32 $0x7F, v3;
	v4 =	vand.u32 $0xFFFFFC00, v4  }
0x214: {  	v3 =	vor.u32 v3, v4  }
0x215: {  	v3 =	vadd.s32 v1, v3;
	_ =	sdelay $0x4  }
0x216: {  	[tilespmem:v3+s25+$0x0] =	vst.idx.add.f32.msk $0xffff, v2  }
0x217: {  	v3 =	vld [tilespmem:$0x2610];
	_ =	sdelay $0x4  }
0x218: {  	v4 =	vshll.u32 v3, $0x3  }
0x219: {  	v3 =	vand.u32 $0x7F, v3;
	v4 =	vand.u32 $0xFFFFFC00, v4  }
0x21a: {  	v3 =	vor.u32 v3, v4  }
0x21b: {  	v3 =	vadd.s32 v1, v3;
	_ =	sdelay $0x4  }
0x21c: {  	[tilespmem:v3+s25+$0x0] =	vst.idx.add.f32.msk $0xffff, v2  }
0x21d: {  	v3 =	vld [tilespmem:$0x2620];
	_ =	sdelay $0x4  }
0x21e: {  	v4 =	vshll.u32 v3, $0x3  }
0x21f: {  	v3 =	vand.u32 $0x7F, v3;
	v4 =	vand.u32 $0xFFFFFC00, v4  }
0x220: {  	v3 =	vor.u32 v3, v4  }
0x221: {  	v3 =	vadd.s32 v1, v3;
	_ =	sdelay $0x4  }
0x222: {  	[tilespmem:v3+s25+$0x0] =	vst.idx.add.f32.msk $0xffff, v2  }
0x223: {  	v3 =	vld [tilespmem:$0x2630];
	_ =	sdelay $0x4  }
0x224: {  	v4 =	vshll.u32 v3, $0x3  }
0x225: {  	v3 =	vand.u32 $0x7F, v3;
	v4 =	vand.u32 $0xFFFFFC00, v4  }
0x226: {  	v3 =	vor.u32 v3, v4  }
0x227: {  	v3 =	vadd.s32 v1, v3;
	_ =	sdelay $0x4  }
0x228: {  	[tilespmem:v3+s25+$0x0] =	vst.idx.add.f32.msk $0xffff, v2  }
0x229: {  	v3 =	vld [tilespmem:$0x2640];
	_ =	sdelay $0x4  }
0x22a: {  	v4 =	vshll.u32 v3, $0x3  }
0x22b: {  	v3 =	vand.u32 $0x7F, v3;
	v4 =	vand.u32 $0xFFFFFC00, v4  }
0x22c: {  	v3 =	vor.u32 v3, v4  }
0x22d: {  	v3 =	vadd.s32 v1, v3;
	_ =	sdelay $0x4  }
0x22e: {  	[tilespmem:v3+s25+$0x0] =	vst.idx.add.f32.msk $0xffff, v2  }
0x22f: {  	v3 =	vld [tilespmem:$0x2650];
	_ =	sdelay $0x4  }
0x230: {  	v4 =	vshll.u32 v3, $0x3  }
0x231: {  	v3 =	vand.u32 $0x7F, v3;
	v4 =	vand.u32 $0xFFFFFC00, v4  }
0x232: {  	v3 =	vor.u32 v3, v4  }
0x233: {  	v3 =	vadd.s32 v1, v3;
	_ =	sdelay $0x4  }
0x234: {  	[tilespmem:v3+s25+$0x0] =	vst.idx.add.f32.msk $0xffff, v2  }
0x235: {  	v3 =	vld [tilespmem:$0x2660];
	_ =	sdelay $0x4  }
0x236: {  	v4 =	vshll.u32 v3, $0x3  }
0x237: {  	v3 =	vand.u32 $0x7F, v3;
	v4 =	vand.u32 $0xFFFFFC00, v4  }
0x238: {  	v3 =	vor.u32 v3, v4  }
0x239: {  	v3 =	vadd.s32 v1, v3;
	_ =	sdelay $0x4  }
0x23a: {  	[tilespmem:v3+s25+$0x0] =	vst.idx.add.f32.msk $0xffff, v2  }
0x23b: {  	v3 =	vld [tilespmem:$0x2670];
	_ =	sdelay $0x4  }
0x23c: {  	v4 =	vshll.u32 v3, $0x3  }
0x23d: {  	v3 =	vand.u32 $0x7F, v3;
	v4 =	vand.u32 $0xFFFFFC00, v4  }
0x23e: {  	v3 =	vor.u32 v3, v4  }
0x23f: {  	v3 =	vadd.s32 v1, v3;
	_ =	sdelay $0x4  }
0x240: {  	[tilespmem:v3+s25+$0x0] =	vst.idx.add.f32.msk $0xffff, v2  }
0x241: {  	_ =	swait.ge [sflag:s26], $0x4000  }
0x242: {  	[sflag:s26] =	ssyncset.done $0x0  }
0x243: {  	[sflag:s26] =	ssyncadd.s32 $0xFFFFC000  }
0x244: {  	_ =	swait.ge [sflag:s29], $0x4000  }
0x245: {  	[sflag:s29] =	ssyncset.done $0x0  }
0x246: {  	s17 =	simm.s32 $0x2680;
	[sflag:s29] =	ssyncadd.s32 $0xFFFFC000  }
0x247: {  	[spmem:s2] =	stream.indirect.scatter.add.f32 [tilespmem:s21], [sflag:$0x5], $0x80, s17, s24, $0xb8;
	[tilespmem:$0x19040] =	vst v63  }
0x248: {  	v3 =	vld [tilespmem:$0x2680];
	_ =	sdelay $0x4  }
0x249: {  	v4 =	vshll.u32 v3, $0x3  }
0x24a: {  	v3 =	vand.u32 $0x7F, v3;
	v4 =	vand.u32 $0xFFFFFC00, v4  }
0x24b: {  	v3 =	vor.u32 v3, v4  }
0x24c: {  	v3 =	vadd.s32 v1, v3;
	_ =	sdelay $0x4  }
0x24d: {  	[tilespmem:v3+s25+$0x0] =	vst.idx.add.f32.msk $0xffff, v2  }
0x24e: {  	v3 =	vld [tilespmem:$0x2690];
	_ =	sdelay $0x4  }
0x24f: {  	v4 =	vshll.u32 v3, $0x3  }
0x250: {  	v3 =	vand.u32 $0x7F, v3;
	v4 =	vand.u32 $0xFFFFFC00, v4  }
0x251: {  	v3 =	vor.u32 v3, v4  }
0x252: {  	v3 =	vadd.s32 v1, v3;
	_ =	sdelay $0x4  }
0x253: {  	[tilespmem:v3+s25+$0x0] =	vst.idx.add.f32.msk $0xffff, v2  }
0x254: {  	v3 =	vld [tilespmem:$0x26A0];
	_ =	sdelay $0x4  }
0x255: {  	v4 =	vshll.u32 v3, $0x3  }
0x256: {  	v3 =	vand.u32 $0x7F, v3;
	v4 =	vand.u32 $0xFFFFFC00, v4  }
0x257: {  	v3 =	vor.u32 v3, v4  }
0x258: {  	v3 =	vadd.s32 v1, v3;
	_ =	sdelay $0x4  }
0x259: {  	[tilespmem:v3+s25+$0x0] =	vst.idx.add.f32.msk $0xffff, v2  }
0x25a: {  	v3 =	vld [tilespmem:$0x26B0];
	_ =	sdelay $0x4  }
0x25b: {  	v4 =	vshll.u32 v3, $0x3  }
0x25c: {  	v3 =	vand.u32 $0x7F, v3;
	v4 =	vand.u32 $0xFFFFFC00, v4  }
0x25d: {  	v3 =	vor.u32 v3, v4  }
0x25e: {  	v3 =	vadd.s32 v1, v3;
	_ =	sdelay $0x4  }
0x25f: {  	[tilespmem:v3+s25+$0x0] =	vst.idx.add.f32.msk $0xffff, v2  }
0x260: {  	v3 =	vld [tilespmem:$0x26C0];
	_ =	sdelay $0x4  }
0x261: {  	v4 =	vshll.u32 v3, $0x3  }
0x262: {  	v3 =	vand.u32 $0x7F, v3;
	v4 =	vand.u32 $0xFFFFFC00, v4  }
0x263: {  	v3 =	vor.u32 v3, v4  }
0x264: {  	v3 =	vadd.s32 v1, v3;
	_ =	sdelay $0x4  }
0x265: {  	[tilespmem:v3+s25+$0x0] =	vst.idx.add.f32.msk $0xffff, v2  }
0x266: {  	v3 =	vld [tilespmem:$0x26D0];
	_ =	sdelay $0x4  }
0x267: {  	v4 =	vshll.u32 v3, $0x3  }
0x268: {  	v3 =	vand.u32 $0x7F, v3;
	v4 =	vand.u32 $0xFFFFFC00, v4  }
0x269: {  	v3 =	vor.u32 v3, v4  }
0x26a: {  	v3 =	vadd.s32 v1, v3;
	_ =	sdelay $0x4  }
0x26b: {  	[tilespmem:v3+s25+$0x0] =	vst.idx.add.f32.msk $0xffff, v2  }
0x26c: {  	v3 =	vld [tilespmem:$0x26E0];
	_ =	sdelay $0x4  }
0x26d: {  	v4 =	vshll.u32 v3, $0x3  }
0x26e: {  	v3 =	vand.u32 $0x7F, v3;
	v4 =	vand.u32 $0xFFFFFC00, v4  }
0x26f: {  	v3 =	vor.u32 v3, v4  }
0x270: {  	v3 =	vadd.s32 v1, v3;
	_ =	sdelay $0x4  }
0x271: {  	[tilespmem:v3+s25+$0x0] =	vst.idx.add.f32.msk $0xffff, v2  }
0x272: {  	v3 =	vld [tilespmem:$0x26F0];
	_ =	sdelay $0x4  }
0x273: {  	v4 =	vshll.u32 v3, $0x3  }
0x274: {  	v3 =	vand.u32 $0x7F, v3;
	v4 =	vand.u32 $0xFFFFFC00, v4  }
0x275: {  	v3 =	vor.u32 v3, v4  }
0x276: {  	v3 =	vadd.s32 v1, v3;
	_ =	sdelay $0x4  }
0x277: {  	[tilespmem:v3+s25+$0x0] =	vst.idx.add.f32.msk $0xffff, v2  }
0x278: {  	_ =	swait.ge [sflag:s26], $0x4000  }
0x279: {  	[sflag:s26] =	ssyncset.done $0x0  }
0x27a: {  	[sflag:s26] =	ssyncadd.s32 $0xFFFFC000  }
0x27b: {  	_ =	swait.ge [sflag:s30], $0x800  }
0x27c: {  	[sflag:s30] =	ssyncset.done $0x0  }
0x27d: {  	s7 =	simm.s32 $0x2700;
	[sflag:s30] =	ssyncadd.s32 $0xFFFFF800  }
0x27e: {  	[spmem:s2] =	stream.indirect.scatter.add.f32 [tilespmem:s22], [sflag:$0x5], $0x80, s7, s24, $0xb8;
	[tilespmem:$0x19040] =	vst v63  }
0x27f: {  	v3 =	vld [tilespmem:$0x2700];
	_ =	sdelay $0x4  }
0x280: {  	v4 =	vshll.u32 v3, $0x3  }
0x281: {  	v3 =	vand.u32 $0x7F, v3;
	v4 =	vand.u32 $0xFFFFFC00, v4  }
0x282: {  	v3 =	vor.u32 v3, v4  }
0x283: {  	v3 =	vadd.s32 v1, v3;
	_ =	sdelay $0x4  }
0x284: {  	[tilespmem:v3+s25+$0x0] =	vst.idx.add.f32.msk $0xffff, v2  }
0x285: {  	v3 =	vld [tilespmem:$0x2710];
	_ =	sdelay $0x4  }
0x286: {  	v4 =	vshll.u32 v3, $0x3  }
0x287: {  	v3 =	vand.u32 $0x7F, v3;
	v4 =	vand.u32 $0xFFFFFC00, v4  }
0x288: {  	v3 =	vor.u32 v3, v4  }
0x289: {  	v3 =	vadd.s32 v1, v3;
	_ =	sdelay $0x4  }
0x28a: {  	[tilespmem:v3+s25+$0x0] =	vst.idx.add.f32.msk $0xffff, v2  }
0x28b: {  	v3 =	vld [tilespmem:$0x2720];
	_ =	sdelay $0x4  }
0x28c: {  	v4 =	vshll.u32 v3, $0x3  }
0x28d: {  	v3 =	vand.u32 $0x7F, v3;
	v4 =	vand.u32 $0xFFFFFC00, v4  }
0x28e: {  	v3 =	vor.u32 v3, v4  }
0x28f: {  	v3 =	vadd.s32 v1, v3;
	_ =	sdelay $0x4  }
0x290: {  	[tilespmem:v3+s25+$0x0] =	vst.idx.add.f32.msk $0xffff, v2  }
0x291: {  	v3 =	vld [tilespmem:$0x2730];
	_ =	sdelay $0x4  }
0x292: {  	v4 =	vshll.u32 v3, $0x3  }
0x293: {  	v3 =	vand.u32 $0x7F, v3;
	v4 =	vand.u32 $0xFFFFFC00, v4  }
0x294: {  	v3 =	vor.u32 v3, v4  }
0x295: {  	v3 =	vadd.s32 v1, v3;
	_ =	sdelay $0x4  }
0x296: {  	[tilespmem:v3+s25+$0x0] =	vst.idx.add.f32.msk $0xffff, v2  }
0x297: {  	v3 =	vld [tilespmem:$0x2740];
	_ =	sdelay $0x4  }
0x298: {  	v4 =	vshll.u32 v3, $0x3  }
0x299: {  	v3 =	vand.u32 $0x7F, v3;
	v4 =	vand.u32 $0xFFFFFC00, v4  }
0x29a: {  	v3 =	vor.u32 v3, v4  }
0x29b: {  	v3 =	vadd.s32 v1, v3;
	_ =	sdelay $0x4  }
0x29c: {  	[tilespmem:v3+s25+$0x0] =	vst.idx.add.f32.msk $0xffff, v2  }
0x29d: {  	v3 =	vld [tilespmem:$0x2750];
	_ =	sdelay $0x4  }
0x29e: {  	v4 =	vshll.u32 v3, $0x3  }
0x29f: {  	v3 =	vand.u32 $0x7F, v3;
	v4 =	vand.u32 $0xFFFFFC00, v4  }
0x2a0: {  	v3 =	vor.u32 v3, v4  }
0x2a1: {  	v3 =	vadd.s32 v1, v3;
	_ =	sdelay $0x4  }
0x2a2: {  	[tilespmem:v3+s25+$0x0] =	vst.idx.add.f32.msk $0xffff, v2  }
0x2a3: {  	v3 =	vld [tilespmem:$0x2760];
	_ =	sdelay $0x4  }
0x2a4: {  	v4 =	vshll.u32 v3, $0x3  }
0x2a5: {  	v3 =	vand.u32 $0x7F, v3;
	v4 =	vand.u32 $0xFFFFFC00, v4  }
0x2a6: {  	v3 =	vor.u32 v3, v4  }
0x2a7: {  	v3 =	vadd.s32 v1, v3;
	_ =	sdelay $0x4  }
0x2a8: {  	[tilespmem:v3+s25+$0x0] =	vst.idx.add.f32.msk $0xffff, v2  }
0x2a9: {  	v3 =	vld [tilespmem:$0x2770];
	_ =	sdelay $0x4  }
0x2aa: {  	v4 =	vshll.u32 v3, $0x3  }
0x2ab: {  	v3 =	vand.u32 $0x7F, v3;
	v4 =	vand.u32 $0xFFFFFC00, v4  }
0x2ac: {  	v3 =	vor.u32 v3, v4  }
0x2ad: {  	v3 =	vadd.s32 v1, v3;
	_ =	sdelay $0x4  }
0x2ae: {  	[tilespmem:v3+s25+$0x0] =	vst.idx.add.f32.msk $0xffff, v2  }
0x2af: {  	s8 =	sand.u32 $0x70, s1;
	s7 =	sand.u32 $0x1C00, s1;
	_ =	swait.ge [sflag:s26], $0x4000  }
0x2b0: {  	s6 =	sor.u32 s8, s7;
	[sflag:s26] =	ssyncset.done $0x0  }
0x2b1: {  	s7 =	sadd.s32 $0x12800, s6;
	[sflag:s26] =	ssyncadd.s32 $0xFFFFC000  }
0x2b2: {  	v3 =	vld [tilespmem:s7+$0x80]  }
0x2b3: {  	v4 =	vld [tilespmem:s6+$0x12800];
	_ =	sdelay $0x1  }
0x2b4: {  	v5 =	vld [tilespmem:s7+$0x100];
	_ =	sdelay $0x1  }
0x2b5: {  	v6 =	vld [tilespmem:s7+$0x180]  }
0x2b6: {  	v3 =	vadd.f32 v3, v4  }
0x2b7: {  	v4 =	vld [tilespmem:s7+$0x200]  }
0x2b8: {  	v3 =	vadd.f32 v5, v3  }
0x2b9: {  	v5 =	vld [tilespmem:s7+$0x280]  }
0x2ba: {  	v3 =	vadd.f32 v6, v3  }
0x2bb: {  	s1 =	sor.u32 s1, s1;
	v60 =	vld [tilespmem:s7+$0x300]  }
0x2bc: {  	s1 =	sor.u32 $0x380, s1;
	v3 =	vadd.f32 v4, v3  }
0x2bd: {  	v4 =	vld [tilespmem:s1+$0x12800]  }
0x2be: {  	v3 =	vadd.f32 v5, v3  }
0x2bf: {  	v5 =	vld [tilespmem:s6+$0x14C00]  }
0x2c0: {  	v3 =	vadd.f32 v60, v3  }
0x2c1: {  	v61 =	vld [tilespmem:s6+$0x14C80]  }
0x2c2: {  	v3 =	vadd.f32 v4, v3  }
0x2c3: {  	v4 =	vld [tilespmem:s6+$0x14D00]  }
0x2c4: {  	v3 =	vadd.f32 v5, v3  }
0x2c5: {  	v5 =	vld [tilespmem:s6+$0x14D80]  }
0x2c6: {  	v3 =	vadd.f32 v61, v3  }
0x2c7: {  	v62 =	vld [tilespmem:s6+$0x14E00]  }
0x2c8: {  	v3 =	vadd.f32 v4, v3  }
0x2c9: {  	v4 =	vld [tilespmem:s6+$0x14E80]  }
0x2ca: {  	v3 =	vadd.f32 v5, v3  }
0x2cb: {  	v5 =	vld [tilespmem:s6+$0x14F00]  }
0x2cc: {  	v3 =	vadd.f32 v62, v3  }
0x2cd: {  	v63 =	vld [tilespmem:s6+$0x14F80]  }
0x2ce: {  	v3 =	vadd.f32 v4, v3;
	_ =	sdelay $0x1  }
0x2cf: {  	s17 =	simm.s32 $0x80;
	s1 =	simm.s32 $0x10;
	v3 =	vadd.f32 v5, v3  }
0x2d0: {  	s8 =	sand.u32 $0x1C00, s17;
	s9 =	sand.u32 $0x70, s1  }
0x2d1: {  	s7 =	simm.s32 $0x20;
	s8 =	sor.u32 s9, s8;
	v3 =	vadd.f32 v63, v3  }
.LBB2_6:
0x2d2: {  	p0 =	sne.s32 s7, $0x3F0;
	s9 =	sadd.s32 $0x12800, s8  }
0x2d3: {  	v4 =	vld [tilespmem:s9+$0x80];
	[tilespmem:s6+$0x12800] =	vst v3;
	s6 =	smov.u32 s8  }
0x2d4: {  	v3 =	vld [tilespmem:s6+$0x12800];
	_ =	sdelay $0x1  }
0x2d5: {  	v5 =	vld [tilespmem:s9+$0x100];
	_ =	sdelay $0x1  }
0x2d6: {  	v6 =	vld [tilespmem:s9+$0x180]  }
0x2d7: {  	v3 =	vadd.f32 v4, v3  }
0x2d8: {  	v4 =	vld [tilespmem:s9+$0x200]  }
0x2d9: {  	v3 =	vadd.f32 v5, v3  }
0x2da: {  	v5 =	vld [tilespmem:s9+$0x280]  }
0x2db: {  	v3 =	vadd.f32 v6, v3  }
0x2dc: {  	s8 =	sor.u32 s17, s1;
	s1 =	smov.u32 s7;
	v6 =	vld [tilespmem:s9+$0x300]  }
0x2dd: {  	s8 =	sor.u32 $0x380, s8;
	v3 =	vadd.f32 v4, v3  }
0x2de: {  	v4 =	vld [tilespmem:s8+$0x12800]  }
0x2df: {  	v3 =	vadd.f32 v5, v3  }
0x2e0: {  	v5 =	vld [tilespmem:s6+$0x14C00]  }
0x2e1: {  	v3 =	vadd.f32 v6, v3  }
0x2e2: {  	v6 =	vld [tilespmem:s6+$0x14C80]  }
0x2e3: {  	v3 =	vadd.f32 v4, v3  }
0x2e4: {  	v4 =	vld [tilespmem:s6+$0x14D00]  }
0x2e5: {  	v3 =	vadd.f32 v5, v3  }
0x2e6: {  	v5 =	vld [tilespmem:s6+$0x14D80]  }
0x2e7: {  	v3 =	vadd.f32 v6, v3  }
0x2e8: {  	v6 =	vld [tilespmem:s6+$0x14E00]  }
0x2e9: {  	v3 =	vadd.f32 v4, v3  }
0x2ea: {  	v4 =	vld [tilespmem:s6+$0x14E80]  }
0x2eb: {  	v3 =	vadd.f32 v5, v3  }
0x2ec: {  	v5 =	vld [tilespmem:s6+$0x14F00]  }
0x2ed: {  	v3 =	vadd.f32 v6, v3  }
0x2ee: {  	v6 =	vld [tilespmem:s6+$0x14F80]  }
.Ltmp2:
0x2ef: {  	v3 =	vadd.f32 v4, v3;
	(pc) =	sbr.rel @p0 .LBB2_6-.Ltmp2, $4  }
0x2f0: {  	_ = 	snop  }
0x2f1: {  	s17 =	sadd.s32 $0x80, s17;
	v3 =	vadd.f32 v5, v3  }
0x2f2: {  	s9 =	sand.u32 $0x1C00, s17;
	s8 =	sand.u32 $0x70, s7  }
0x2f3: {  	s7 =	sadd.s32 $0x10, s7;
	s8 =	sor.u32 s8, s9;
	v3 =	vadd.f32 v6, v3  }
0x2f4: {  	s7 =	sadd.s32 $0x12800, s8  }
0x2f5: {  	v4 =	vld [tilespmem:s7+$0x80];
	[tilespmem:s6+$0x12800] =	vst v3  }
0x2f6: {  	v3 =	vld [tilespmem:s8+$0x12800];
	_ =	sdelay $0x1  }
0x2f7: {  	v5 =	vld [tilespmem:s7+$0x100];
	_ =	sdelay $0x1  }
0x2f8: {  	v6 =	vld [tilespmem:s7+$0x180]  }
0x2f9: {  	v3 =	vadd.f32 v4, v3  }
0x2fa: {  	v52 =	vld [tilespmem:s7+$0x200]  }
0x2fb: {  	v3 =	vadd.f32 v5, v3  }
0x2fc: {  	v53 =	vld [tilespmem:s7+$0x280]  }
0x2fd: {  	v3 =	vadd.f32 v6, v3  }
0x2fe: {  	s1 =	sor.u32 s17, s1;
	v54 =	vld [tilespmem:s7+$0x300]  }
0x2ff: {  	s1 =	sor.u32 $0x380, s1;
	v3 =	vadd.f32 v52, v3  }
0x300: {  	v55 =	vld [tilespmem:s1+$0x12800]  }
0x301: {  	v3 =	vadd.f32 v53, v3  }
0x302: {  	v56 =	vld [tilespmem:s8+$0x14C00]  }
0x303: {  	v3 =	vadd.f32 v54, v3  }
0x304: {  	v57 =	vld [tilespmem:s8+$0x14C80]  }
0x305: {  	v3 =	vadd.f32 v55, v3  }
0x306: {  	v58 =	vld [tilespmem:s8+$0x14D00]  }
0x307: {  	v3 =	vadd.f32 v56, v3  }
0x308: {  	v59 =	vld [tilespmem:s8+$0x14D80]  }
0x309: {  	v3 =	vadd.f32 v57, v3  }
0x30a: {  	v60 =	vld [tilespmem:s8+$0x14E00]  }
0x30b: {  	v3 =	vadd.f32 v58, v3  }
0x30c: {  	v61 =	vld [tilespmem:s8+$0x14E80]  }
0x30d: {  	v3 =	vadd.f32 v59, v3  }
0x30e: {  	v62 =	vld [tilespmem:s8+$0x14F00]  }
0x30f: {  	v3 =	vadd.f32 v60, v3  }
0x310: {  	v63 =	vld [tilespmem:s8+$0x14F80]  }
0x311: {  	v3 =	vadd.f32 v61, v3;
	_ =	sdelay $0x1  }
0x312: {  	v3 =	vadd.f32 v62, v3;
	_ =	sdelay $0x1  }
0x313: {  	v3 =	vadd.f32 v63, v3;
	_ =	sdelay $0x1  }
0x314: {  	[tilespmem:s8+$0x12800] =	vst v3  }
0x315: {  	[hbm4b:s14+s3] =	stream.linear.scatter [tilespmem:s25], [sflag:$0x6], $0x80, $0x38;
	[tilespmem:$0x19040] =	vst v63  }
0x316: {  	s9 =	sadd.s32 $0x80, s14;
	s17 =	simm.s32 $0x12C00  }
0x317: {  	[hbm4b:s9+s3] =	stream.linear.scatter [tilespmem:s17], [sflag:$0x6], $0x80, $0x38;
	[tilespmem:$0x19040] =	vst v63  }
0x318: {  	s7 =	sadd.s32 $0x100, s14;
	s8 =	simm.s32 $0x13000  }
0x319: {  	[hbm4b:s7+s3] =	stream.linear.scatter [tilespmem:s8], [sflag:$0x6], $0x80, $0x38;
	[tilespmem:$0x19040] =	vst v63  }
0x31a: {  	s9 =	sadd.s32 $0x180, s14;
	s17 =	simm.s32 $0x13400  }
0x31b: {  	[hbm4b:s9+s3] =	stream.linear.scatter [tilespmem:s17], [sflag:$0x6], $0x80, $0x38;
	[tilespmem:$0x19040] =	vst v63  }
0x31c: {  	s7 =	sadd.s32 $0x200, s14;
	s8 =	simm.s32 $0x13800  }
0x31d: {  	[hbm4b:s7+s3] =	stream.linear.scatter [tilespmem:s8], [sflag:$0x6], $0x80, $0x38;
	[tilespmem:$0x19040] =	vst v63  }
0x31e: {  	s9 =	sadd.s32 $0x280, s14;
	s17 =	simm.s32 $0x13C00  }
0x31f: {  	[hbm4b:s9+s3] =	stream.linear.scatter [tilespmem:s17], [sflag:$0x6], $0x80, $0x38;
	[tilespmem:$0x19040] =	vst v63  }
0x320: {  	s7 =	sadd.s32 $0x300, s14;
	s8 =	simm.s32 $0x14000  }
0x321: {  	[hbm4b:s7+s3] =	stream.linear.scatter [tilespmem:s8], [sflag:$0x6], $0x80, $0x38;
	[tilespmem:$0x19040] =	vst v63  }
0x322: {  	s9 =	sadd.s32 $0x380, s14;
	s17 =	simm.s32 $0x14400  }
0x323: {  	[hbm4b:s9+s3] =	stream.linear.scatter [tilespmem:s17], [sflag:$0x6], $0x80, $0x38;
	[tilespmem:$0x19040] =	vst v63  }
0x324: {  	_ =	swait.ge [sflag:s19], $0x400  }
0x325: {  	s0 =	sadd.s32 $0x1, s0;
	[sflag:s19] =	ssyncset.done $0x0  }
0x326: {  	p0 =	sne.s32 s0, s16;
	[sflag:s19] =	ssyncadd.s32 $0xFFFFFC00  }
.Ltmp3:
0x327: {  	[bflag:$0x0] =	sbarrier.arrive $0xFFFF;
	(pc) =	sbr.rel @p0 .LBB2_1-.Ltmp3, $4  }
0x328: {  	[hbm:s15], [sflag:s5] =	dma.local [spmem:s18], $0x400  }
0x329: {  	_ =	swait.ge [sflag:s19], $0x400  }
0x32a: {  	[sflag:s19] =	ssyncset.done $0x0  }
0x32b: {  	[sflag:s19] =	ssyncadd.s32 $0xFFFFFC00  }
0x32c: {  	_ =	sfence.sel $0x180000  }
0x32d: {  	[bflag:$0x0] =	sbarrier.arrive $0xFFFF  }
0x32e: {  	_ =	strace $0x90000047  }
0x32f: {  	s0 =	stileid.u32;
	[bflag:$0x2] =	sbarrier.arrive $0xFFFF  }
0x330: {  	p0 =	sne.s32 s0, $0x0;
	s0 =	rddreg [dreg:$0x4]  }
0x331: {  	s0 =	sadd.s32 @!p0 $0x100000, s0  }
0x332: {  	[sflag:s0] =	ssyncadd.tile.s32 @!p0 $0x1;
	_ =	shalt  }
.Lfunc_end2:
_tile_overlayer_lowered:
.L_overlay_start_2:
0x333: {  	(tag) =	ssettag $0x2  }
0x334: {  	s0 =	rddreg [dreg:$0x0];
	s2 =	stileid.u32  }
0x335: {  	s1 =	rddreg [dreg:$0x1];
	p0 =	sne.s32 s2, $0x0  }
0x336: {  	s3 =	rddreg [dreg:$0x2];
	[bflag:$0x3] =	sbarrier.arrive $0xFFFF;
	s2 =	simm.s32 @!p0 $0x1C06  }
0x337: {  	[timem:s3], [sflag:s2] =	dma.local @!p0 [hbm:s0], s1  }
0x338: {  	s0 =	simm.s32 @!p0 $0x6  }
0x339: {  	_ =	swait.ge @!p0 [sflag:s0], s1  }
0x33a: {  	s1 =	ssub.s32 @!p0 $0x0, s1;
	[sflag:s0] =	ssyncset.done @!p0 $0x0  }
0x33b: {  	[sflag:s0] =	ssyncadd.s32 @!p0 s1  }
0x33c: {  	[bflag:$0x3] =	sbarrier.arrive $0xFFFF  }
0x33d: {  	_ =	shalt  }

</sc_bundles>
